<compile_context>
chip_gen: v7x
topology: tpu7x:2x2x1
jax: 0.10.2.dev20260603
libtpu: 0.0.44.dev20260713+nightly
codegen_flags: <defaults>
</compile_context>

<pallas_src>
import dataclasses
import functools

import jax
import jax.numpy as jnp
from jax import lax
from jax.experimental import pallas as pl
from jax.experimental.pallas import tpu as pltpu
from jax.experimental.pallas import tpu_sc as plsc

NC = 2
NS = 16
NW = NC * NS
KW = 128


def _sc_mesh():
    return plsc.VectorSubcoreMesh(
        core_axis_name="c", subcore_axis_name="s", num_cores=NC, num_subcores=NS
    )



def _deg_kernel(n_tot, nwin):
    rpt = n_tot // NS

    @functools.partial(
        pl.kernel,
        out_type=jax.ShapeDtypeStruct((NC, n_tot), jnp.float32),
        mesh=_sc_mesh(),
        scratch_types=[
            pltpu.VMEM((nwin, KW), jnp.int32),
            pltpu.VMEM((KW,), jnp.float32),
            pltpu.VMEM_SHARED((n_tot,), jnp.float32),
            pltpu.SemaphoreType.DMA,
        ],
    )
    def k(dst_hbm, zeros_hbm, ones_hbm, out_hbm, dstv, onesv, acc, ss):
        c = lax.axis_index("c")
        s = lax.axis_index("s")
        wid = c * NS + s
        pltpu.sync_copy(dst_hbm.at[wid], dstv)
        pltpu.sync_copy(ones_hbm, onesv)
        pltpu.sync_copy(zeros_hbm.at[pl.ds(s * rpt, rpt)],
                        acc.at[pl.ds(s * rpt, rpt)])
        plsc.subcore_barrier()

        @pl.loop(0, nwin)
        def _(w):
            pltpu.async_copy(onesv, acc.at[dstv.at[w]], ss, add=True)

        @pl.loop(0, nwin)
        def _(w):
            pltpu.make_async_copy(onesv, acc.at[dstv.at[w]], ss).wait()

        plsc.subcore_barrier()
        pltpu.sync_copy(acc.at[pl.ds(s * rpt, rpt)],
                        out_hbm.at[c].at[pl.ds(s * rpt, rpt)])

    return k


GB = 40


def _agg_kernel(n_tot, h, nwin):
    rpt = n_tot // NS
    assert nwin % GB == 0
    nchunk = nwin // GB

    @functools.partial(
        pl.kernel,
        out_type=jax.ShapeDtypeStruct((NC, n_tot, h), jnp.float32),
        mesh=_sc_mesh(),
        scratch_types=[
            pltpu.VMEM((GB, KW), jnp.int32),
            pltpu.VMEM((GB, KW), jnp.int32),
            pltpu.VMEM((KW, h), jnp.float32),
            pltpu.VMEM((KW, h), jnp.float32),
            pltpu.VMEM_SHARED((n_tot, h), jnp.float32),
            pltpu.SemaphoreType.DMA,
            pltpu.SemaphoreType.DMA,
            pltpu.SemaphoreType.DMA,
            pltpu.SemaphoreType.DMA,
        ],
    )
    def k(g_hbm, src_hbm, dst_hbm, zeros_hbm, out_hbm,
          srcv, dstv, b0, b1, acc, gs0, gs1, ss0, ss1):
        c = lax.axis_index("c")
        s = lax.axis_index("s")
        wid = c * NS + s
        bb = (b0, b1)
        gss = (gs0, gs1)
        sss = (ss0, ss1)
        pltpu.sync_copy(zeros_hbm.at[pl.ds(s * rpt, rpt)],
                        acc.at[pl.ds(s * rpt, rpt)])
        plsc.subcore_barrier()

        @pl.loop(0, nchunk)
        def _(ci):
            pltpu.sync_copy(src_hbm.at[wid].at[pl.ds(ci * GB, GB)], srcv)
            pltpu.sync_copy(dst_hbm.at[wid].at[pl.ds(ci * GB, GB)], dstv)
            hg = [None, None]
            hs = [None, None]
            for j in range(GB):
                p = j & 1
                if hs[p] is not None:
                    hs[p].wait()
                hg[p] = pltpu.async_copy(g_hbm.at[srcv.at[j]], bb[p], gss[p])
                if j >= 1:
                    q = 1 - p
                    hg[q].wait()
                    hs[q] = pltpu.async_copy(bb[q], acc.at[dstv.at[j - 1]],
                                             sss[q], add=True)
            p = (GB - 1) & 1
            hg[p].wait()
            hs[p] = pltpu.async_copy(bb[p], acc.at[dstv.at[GB - 1]],
                                     sss[p], add=True)
            hs[0].wait()
            hs[1].wait()

        plsc.subcore_barrier()
        pltpu.sync_copy(acc.at[pl.ds(s * rpt, rpt)],
                        out_hbm.at[c].at[pl.ds(s * rpt, rpt)])

    return k


def _agg1_kernel(n_tot, nwin):
    rpt = n_tot // NS

    cp = pltpu.CompilerParams()
    if "needs_layout_passes" in pltpu.CompilerParams.__dataclass_fields__:
        cp = dataclasses.replace(cp, needs_layout_passes=False)

    @functools.partial(
        pl.kernel,
        out_type=jax.ShapeDtypeStruct((NC, n_tot), jnp.float32),
        mesh=_sc_mesh(),
        compiler_params=cp,
        scratch_types=[
            pltpu.VMEM((n_tot,), jnp.float32),
            pltpu.VMEM((nwin, KW), jnp.int32),
            pltpu.VMEM((nwin, KW), jnp.int32),
            pltpu.VMEM((nwin, KW), jnp.float32),
            pltpu.VMEM_SHARED((n_tot,), jnp.float32),
            pltpu.SemaphoreType.DMA,
        ],
    )
    def k(z_hbm, src_hbm, dst_hbm, zeros_hbm, out_hbm, zv, srcv, dstv, vals,
          acc, ss):
        c = lax.axis_index("c")
        s = lax.axis_index("s")
        wid = c * NS + s
        pltpu.sync_copy(z_hbm, zv)
        pltpu.sync_copy(src_hbm.at[wid], srcv)
        pltpu.sync_copy(dst_hbm.at[wid], dstv)
        pltpu.sync_copy(zeros_hbm.at[pl.ds(s * rpt, rpt)],
                        acc.at[pl.ds(s * rpt, rpt)])
        plsc.subcore_barrier()

        @pl.loop(0, nwin)
        def _(w):
            for g in range(KW // 16):
                idx = srcv[w, pl.ds(16 * g, 16)]
                vals[w, pl.ds(16 * g, 16)] = plsc.load_gather(zv, [idx])

        @pl.loop(0, nwin)
        def _(w):
            pltpu.async_copy(vals.at[w], acc.at[dstv.at[w]], ss, add=True)

        @pl.loop(0, nwin)
        def _(w):
            pltpu.make_async_copy(vals.at[w], acc.at[dstv.at[w]], ss).wait()

        plsc.subcore_barrier()
        pltpu.sync_copy(acc.at[pl.ds(s * rpt, rpt)],
                        out_hbm.at[c].at[pl.ds(s * rpt, rpt)])

    return k



def _scaled_matmul(x, w, deg0, deg1, n_real, bn):
    n, d = x.shape
    h = w.shape[1]

    def body(x_ref, w_ref, d0_ref, d1_ref, g_ref, dinv_ref):
        i = pl.program_id(0)
        rid = i * bn + lax.broadcasted_iota(jnp.int32, (bn,), 0)
        dinv = lax.rsqrt(1.0 + d0_ref[...] + d1_ref[...])
        dinv = jnp.where(rid < n_real, dinv, 0.0)
        dinv_ref[...] = dinv
        g_ref[...] = jnp.dot(x_ref[...] * dinv[:, None], w_ref[...],
                             precision=lax.Precision.HIGHEST,
                             preferred_element_type=jnp.float32)

    return pl.pallas_call(
        body,
        grid=(n // bn,),
        in_specs=[pl.BlockSpec((bn, d), lambda i: (i, 0)),
                  pl.BlockSpec((d, h), lambda i: (0, 0)),
                  pl.BlockSpec((bn,), lambda i: (i,)),
                  pl.BlockSpec((bn,), lambda i: (i,))],
        out_specs=[pl.BlockSpec((bn, h), lambda i: (i, 0)),
                   pl.BlockSpec((bn,), lambda i: (i,))],
        out_shape=[jax.ShapeDtypeStruct((n, h), jnp.float32),
                   jax.ShapeDtypeStruct((n,), jnp.float32)],
    )(x, w, deg0, deg1)


def _layer2_z(s0, s1, g, dinv, b1, w2row, bn):
    n_tot, hdim = g.shape

    def body(s0_ref, s1_ref, g_ref, dinv_ref, b1_ref, w2_ref, o_ref):
        dinv = dinv_ref[...]
        t = dinv[:, None] * (s0_ref[...] + s1_ref[...] + g_ref[...])
        t = jnp.maximum(t + b1_ref[...], 0.0)
        o_ref[...] = jnp.sum(t * w2_ref[...], axis=1) * dinv

    return pl.pallas_call(
        body,
        grid=(n_tot // bn,),
        in_specs=[pl.BlockSpec((bn, hdim), lambda i: (i, 0)),
                  pl.BlockSpec((bn, hdim), lambda i: (i, 0)),
                  pl.BlockSpec((bn, hdim), lambda i: (i, 0)),
                  pl.BlockSpec((bn,), lambda i: (i,)),
                  pl.BlockSpec((1, hdim), lambda i: (0, 0)),
                  pl.BlockSpec((1, hdim), lambda i: (0, 0))],
        out_specs=pl.BlockSpec((bn,), lambda i: (i,)),
        out_shape=jax.ShapeDtypeStruct((n_tot,), jnp.float32),
    )(s0, s1, g, dinv, b1, w2row)


def _final(s0, s1, zp, dinv, b2, bn):
    n = s0.shape[0]

    def body(s0_ref, s1_ref, z_ref, dinv_ref, b2_ref, o_ref):
        o_ref[...] = (dinv_ref[...] * (s0_ref[...] + s1_ref[...] + z_ref[...])
                      + b2_ref[...])

    return pl.pallas_call(
        body,
        grid=(n // bn,),
        in_specs=[pl.BlockSpec((bn,), lambda i: (i,)),
                  pl.BlockSpec((bn,), lambda i: (i,)),
                  pl.BlockSpec((bn,), lambda i: (i,)),
                  pl.BlockSpec((bn,), lambda i: (i,)),
                  pl.BlockSpec((1,), lambda i: (0,))],
        out_specs=pl.BlockSpec((bn,), lambda i: (i,)),
        out_shape=jax.ShapeDtypeStruct((n,), jnp.float32),
    )(s0, s1, zp, dinv, b2)



def kernel(x, edge_index, W1, b1, W2, b2):
    n, d = x.shape
    h = W1.shape[1]
    e = edge_index.shape[1]

    pad_rows = 240
    n_tot = n + pad_rows
    nwin = -(-e // (NW * KW))
    nwin = -(-nwin // GB) * GB
    e_pad = NW * nwin * KW

    npad = e_pad - e
    pad_idx = (n + jnp.arange(npad, dtype=jnp.int32) % pad_rows)
    src3 = jnp.concatenate([edge_index[0].astype(jnp.int32), pad_idx])
    dst3 = jnp.concatenate([edge_index[1].astype(jnp.int32), pad_idx])
    src3 = src3.reshape(NW, nwin, KW)
    dst3 = dst3.reshape(NW, nwin, KW)

    zeros1 = jnp.zeros((n_tot,), jnp.float32)
    zeros2 = jnp.zeros((n_tot, h), jnp.float32)
    ones = jnp.ones((KW,), jnp.float32)

    x_ext = jnp.pad(x, ((0, pad_rows), (0, 0)))

    degp = _deg_kernel(n_tot, nwin)(dst3, zeros1, ones)
    g_ext, dinv = _scaled_matmul(x_ext, W1, degp[0], degp[1], n, bn=1024)

    sp = _agg_kernel(n_tot, h, nwin)(g_ext, src3, dst3, zeros2)

    zp = _layer2_z(sp[0], sp[1], g_ext, dinv, b1.reshape(1, h),
                   W2.reshape(1, h), bn=1024)

    s2p = _agg1_kernel(n_tot, nwin)(zp, src3, dst3, zeros1)

    return _final(s2p[0], s2p[1], zp, dinv, b2, bn=1024)[:n]

# --- scband reference (transcript-rebuilt; emitter-appended) ---
"""Pipeline reference for scband-gcnregressor-7997229105851 (READ-ONLY COPY).

The authoritative reference and input builder live on the scoring server;
editing this copy changes nothing except your own understanding.
"""

import jax, jax.numpy as jnp
import numpy as np

N = 10000
E = 320000
D = 128
H = 128


def setup_inputs(seed: int = 0) -> dict:
    key = jax.random.key(seed)
    k1, k2, k3, k4 = jax.random.split(key, 4)
    x = jax.random.normal(k1, (N, D), dtype=jnp.float32)
    edge_index = jax.random.randint(k2, (2, E), 0, N)
    # GCNConv parameters (Glorot-ish init), conv1: D->H, conv2: H->1
    W1 = jax.random.normal(k3, (D, H), dtype=jnp.float32) * (1.0 / np.sqrt(D))
    b1 = jnp.zeros((H,), dtype=jnp.float32)
    W2 = jax.random.normal(k4, (H, 1), dtype=jnp.float32) * (1.0 / np.sqrt(H))
    b2 = jnp.zeros((1,), dtype=jnp.float32)
    return {"x": x, "edge_index": edge_index, "W1": W1, "b1": b1, "W2": W2, "b2": b2}


def _gcn_conv(x, edge_index, W, b):
    # Faithful GCNConv: add self-loops, symmetric deg^{-1/2} normalization,
    # linear transform, scatter-add aggregation at dst, then bias.
    n = x.shape[0]
    loop = jnp.arange(n, dtype=edge_index.dtype)
    src = jnp.concatenate([edge_index[0], loop])
    dst = jnp.concatenate([edge_index[1], loop])
    deg = jnp.zeros((n,), dtype=x.dtype).at[dst].add(1.0)
    dinv = jnp.where(deg > 0, 1.0 / jnp.sqrt(deg), 0.0)
    norm = dinv[src] * dinv[dst]
    h = x @ W
    msg = h[src] * norm[:, None]
    out = jnp.zeros((n, W.shape[1]), dtype=x.dtype).at[dst].add(msg)
    return out + b


def reference(x, edge_index, W1, b1, W2, b2):
    h = _gcn_conv(x, edge_index, W1, b1)
    h = jax.nn.relu(h)
    out = _gcn_conv(h, edge_index, W2, b2)
    return jnp.squeeze(out, axis=-1)

if __name__ == "__main__":
    import jax
    _d = setup_inputs()
    print(jax.jit(kernel)(*tuple(_d.values())))

</pallas_src>

<mosaic_0001>
#map = affine_map<(d0, d1) -> (0, 0, 0)>
#map1 = affine_map<(d0, d1) -> (0)>
#map2 = affine_map<(d0, d1) -> (0, 0)>
module attributes {stable_mosaic.version = 14 : i64} {
  func.func @k(%arg0: i32, %arg1: i32, %arg2: memref<32x80x128xi32, #tpu.memory_space<hbm>>, %arg3: memref<10240xf32, #tpu.memory_space<hbm>>, %arg4: memref<128xf32, #tpu.memory_space<hbm>>, %arg5: memref<2x10240xf32, #tpu.memory_space<hbm>>, %arg6: memref<80x128xi32, #tpu.memory_space<vmem>>, %arg7: memref<128xf32, #tpu.memory_space<vmem>>, %arg8: memref<10240xf32, #tpu.memory_space<vmem_shared>>, %arg9: memref<!tpu.dma_semaphore, #tpu.memory_space<semaphore_mem>>) attributes {dimension_semantics = [#tpu.dimension_semantics<core_parallel>, #tpu.dimension_semantics<subcore_parallel>], iteration_bounds = array<i64: 2, 16>, scalar_prefetch = 0 : i64, scratch_operands = 4 : i64, tpu.core_type = #tpu.core_type<sc_vector_subcore>, window_params = [{transform_indices = #map}, {transform_indices = #map1}, {transform_indices = #map1}, {transform_indices = #map2}]} {
    %mul3A = arith.constant 16 : i32
    %mul3A_0 = arith.muli %arg0, %mul3A : i32
    %add3A = arith.addi %mul3A_0, %arg1 : i32
    "tpu.region"() ({
      %run_scoped3A = tpu.sem_alloc : memref<!tpu.dma_semaphore, #tpu.memory_space<semaphore_mem>>
      %dma_start3A = arith.constant 0 : i32
      %dma_start3A_19 = arith.constant 0 : i32
      %dma_start3A_20 = tpu.memref_slice %arg2[%add3A, %dma_start3A, %dma_start3A_19] : memref<32x80x128xi32, #tpu.memory_space<hbm>> -> memref<1x80x128xi32, #tpu.memory_space<hbm>>
      %dma_start3A_21 = tpu.memref_squeeze %dma_start3A_20 : memref<1x80x128xi32, #tpu.memory_space<hbm>> -> memref<80x128xi32, #tpu.memory_space<hbm>>
      %dma_start3A_22 = arith.constant 0 : i32
      %dma_start3A_23 = arith.constant 0 : i32
      %dma_start3A_24 = tpu.memref_slice %arg2[%add3A, %dma_start3A_22, %dma_start3A_23] : memref<32x80x128xi32, #tpu.memory_space<hbm>> -> memref<1x80x128xi32, #tpu.memory_space<hbm>>
      %dma_start3A_25 = tpu.memref_squeeze %dma_start3A_24 : memref<1x80x128xi32, #tpu.memory_space<hbm>> -> memref<80x128xi32, #tpu.memory_space<hbm>>
      tpu.enqueue_dma source(%dma_start3A_25 : memref<80x128xi32, #tpu.memory_space<hbm>>) target(%arg6 : memref<80x128xi32, #tpu.memory_space<vmem>>) target_semaphore(%run_scoped3A : memref<!tpu.dma_semaphore, #tpu.memory_space<semaphore_mem>>)
      %dma_wait3A = arith.constant 0 : i32
      %dma_wait3A_26 = arith.constant 0 : i32
      %dma_wait3A_27 = tpu.memref_slice %arg2[%add3A, %dma_wait3A, %dma_wait3A_26] : memref<32x80x128xi32, #tpu.memory_space<hbm>> -> memref<1x80x128xi32, #tpu.memory_space<hbm>>
      %dma_wait3A_28 = tpu.memref_squeeze %dma_wait3A_27 : memref<1x80x128xi32, #tpu.memory_space<hbm>> -> memref<80x128xi32, #tpu.memory_space<hbm>>
      %dma_wait3A_29 = arith.constant 0 : i32
      %dma_wait3A_30 = arith.constant 0 : i32
      %dma_wait3A_31 = tpu.memref_slice %arg2[%add3A, %dma_wait3A_29, %dma_wait3A_30] : memref<32x80x128xi32, #tpu.memory_space<hbm>> -> memref<1x80x128xi32, #tpu.memory_space<hbm>>
      %dma_wait3A_32 = tpu.memref_squeeze %dma_wait3A_31 : memref<1x80x128xi32, #tpu.memory_space<hbm>> -> memref<80x128xi32, #tpu.memory_space<hbm>>
      tpu.wait_dma2 semaphore(%run_scoped3A : memref<!tpu.dma_semaphore, #tpu.memory_space<semaphore_mem>>) src(%dma_wait3A_32 : memref<80x128xi32, #tpu.memory_space<hbm>>) dst(%arg6 : memref<80x128xi32, #tpu.memory_space<vmem>>)
      tpu.yield
    }) : () -> ()
    "tpu.region"() ({
      %run_scoped3A = tpu.sem_alloc : memref<!tpu.dma_semaphore, #tpu.memory_space<semaphore_mem>>
      tpu.enqueue_dma source(%arg4 : memref<128xf32, #tpu.memory_space<hbm>>) target(%arg7 : memref<128xf32, #tpu.memory_space<vmem>>) target_semaphore(%run_scoped3A : memref<!tpu.dma_semaphore, #tpu.memory_space<semaphore_mem>>)
      tpu.wait_dma2 semaphore(%run_scoped3A : memref<!tpu.dma_semaphore, #tpu.memory_space<semaphore_mem>>) src(%arg4 : memref<128xf32, #tpu.memory_space<hbm>>) dst(%arg7 : memref<128xf32, #tpu.memory_space<vmem>>)
      tpu.yield
    }) : () -> ()
    %mul3A_1 = arith.constant 640 : i32
    %mul3A_2 = arith.muli %arg1, %mul3A_1 : i32
    %mul3A_3 = arith.constant 640 : i32
    %mul3A_4 = arith.muli %arg1, %mul3A_3 : i32
    "tpu.region"() ({
      %run_scoped3A = tpu.sem_alloc : memref<!tpu.dma_semaphore, #tpu.memory_space<semaphore_mem>>
      %dma_start3A = tpu.memref_slice %arg8[%mul3A_4] : memref<10240xf32, #tpu.memory_space<vmem_shared>> -> memref<640xf32, #tpu.memory_space<vmem_shared>>
      %dma_start3A_19 = tpu.memref_slice %arg3[%mul3A_2] : memref<10240xf32, #tpu.memory_space<hbm>> -> memref<640xf32, #tpu.memory_space<hbm>>
      tpu.enqueue_dma source(%dma_start3A_19 : memref<640xf32, #tpu.memory_space<hbm>>) target(%dma_start3A : memref<640xf32, #tpu.memory_space<vmem_shared>>) target_semaphore(%run_scoped3A : memref<!tpu.dma_semaphore, #tpu.memory_space<semaphore_mem>>)
      %dma_wait3A = tpu.memref_slice %arg8[%mul3A_4] : memref<10240xf32, #tpu.memory_space<vmem_shared>> -> memref<640xf32, #tpu.memory_space<vmem_shared>>
      %dma_wait3A_20 = tpu.memref_slice %arg3[%mul3A_2] : memref<10240xf32, #tpu.memory_space<hbm>> -> memref<640xf32, #tpu.memory_space<hbm>>
      tpu.wait_dma2 semaphore(%run_scoped3A : memref<!tpu.dma_semaphore, #tpu.memory_space<semaphore_mem>>) src(%dma_wait3A_20 : memref<640xf32, #tpu.memory_space<hbm>>) dst(%dma_wait3A : memref<640xf32, #tpu.memory_space<vmem_shared>>)
      tpu.yield
    }) : () -> ()
    %barrier3A = arith.constant 0 : index
    tpu.barrier barrier_id(%barrier3A)
    %scan3A = arith.constant 0 : i32
    %scan3A_5 = arith.constant 80 : i32
    %scan3A_6 = arith.addi %scan3A, %scan3A_5 : i32
    %scan3A_7 = arith.constant 1 : i32
    scf.for %scan3A_19 = %scan3A to %scan3A_6 step %scan3A_7  : i32 {
      %mul3A_20 = arith.constant 1 : i32
      %mul3A_21 = arith.muli %scan3A_19, %mul3A_20 : i32
      %add3A_22 = arith.constant 0 : i32
      %add3A_23 = arith.addi %add3A_22, %mul3A_21 : i32
      %dma_start3A = arith.constant 0 : i32
      %dma_start3A_24 = tpu.memref_slice %arg6[%add3A_23, %dma_start3A] : memref<80x128xi32, #tpu.memory_space<vmem>> -> memref<1x128xi32, #tpu.memory_space<vmem>>
      %dma_start3A_25 = tpu.memref_squeeze %dma_start3A_24 : memref<1x128xi32, #tpu.memory_space<vmem>> -> memref<128xi32, #tpu.memory_space<vmem>>
      %dma_start3A_26 = arith.constant 0 : i32
      %dma_start3A_27 = tpu.memref_slice %arg8[%dma_start3A_26] : memref<10240xf32, #tpu.memory_space<vmem_shared>> -> memref<10240xf32, #tpu.memory_space<vmem_shared>>
      tpu.enqueue_indirect_dma source(%arg7 : memref<128xf32, #tpu.memory_space<vmem>>) target(%dma_start3A_27 : memref<10240xf32, #tpu.memory_space<vmem_shared>>) offsets(%dma_start3A_25 : memref<128xi32, #tpu.memory_space<vmem>>) semaphore(%arg9 : memref<!tpu.dma_semaphore, #tpu.memory_space<semaphore_mem>>) {add = true}
    }
    %scan3A_8 = arith.constant 80 : i32
    %scan3A_9 = arith.constant 0 : i32
    %scan3A_10 = arith.constant 80 : i32
    %scan3A_11 = arith.addi %scan3A_9, %scan3A_10 : i32
    %scan3A_12 = arith.constant 1 : i32
    scf.for %scan3A_19 = %scan3A_9 to %scan3A_11 step %scan3A_12  : i32 {
      %mul3A_20 = arith.constant 1 : i32
      %mul3A_21 = arith.muli %scan3A_19, %mul3A_20 : i32
      %add3A_22 = arith.constant 0 : i32
      %add3A_23 = arith.addi %add3A_22, %mul3A_21 : i32
      %dma_wait3A = arith.constant 0 : i32
      %dma_wait3A_24 = tpu.memref_slice %arg6[%add3A_23, %dma_wait3A] : memref<80x128xi32, #tpu.memory_space<vmem>> -> memref<1x128xi32, #tpu.memory_space<vmem>>
      %dma_wait3A_25 = tpu.memref_squeeze %dma_wait3A_24 : memref<1x128xi32, #tpu.memory_space<vmem>> -> memref<128xi32, #tpu.memory_space<vmem>>
      %dma_wait3A_26 = arith.constant 0 : i32
      %dma_wait3A_27 = tpu.memref_slice %arg8[%dma_wait3A_26] : memref<10240xf32, #tpu.memory_space<vmem_shared>> -> memref<10240xf32, #tpu.memory_space<vmem_shared>>
      tpu.wait_indirect_dma semaphore(%arg9 : memref<!tpu.dma_semaphore, #tpu.memory_space<semaphore_mem>>) src(%arg7 : memref<128xf32, #tpu.memory_space<vmem>>) dst(%dma_wait3A_27 : memref<10240xf32, #tpu.memory_space<vmem_shared>>)
    }
    %scan3A_13 = arith.constant 80 : i32
    %barrier3A_14 = arith.constant 0 : index
    tpu.barrier barrier_id(%barrier3A_14)
    %mul3A_15 = arith.constant 640 : i32
    %mul3A_16 = arith.muli %arg1, %mul3A_15 : i32
    %mul3A_17 = arith.constant 640 : i32
    %mul3A_18 = arith.muli %arg1, %mul3A_17 : i32
    "tpu.region"() ({
      %run_scoped3A = tpu.sem_alloc : memref<!tpu.dma_semaphore, #tpu.memory_space<semaphore_mem>>
      %dma_start3A = arith.constant 0 : i32
      %dma_start3A_19 = tpu.memref_slice %arg5[%arg0, %dma_start3A] : memref<2x10240xf32, #tpu.memory_space<hbm>> -> memref<1x10240xf32, #tpu.memory_space<hbm>>
      %dma_start3A_20 = tpu.memref_squeeze %dma_start3A_19 : memref<1x10240xf32, #tpu.memory_space<hbm>> -> memref<10240xf32, #tpu.memory_space<hbm>>
      %dma_start3A_21 = tpu.memref_slice %dma_start3A_20[%mul3A_18] : memref<10240xf32, #tpu.memory_space<hbm>> -> memref<640xf32, #tpu.memory_space<hbm>>
      %dma_start3A_22 = tpu.memref_slice %arg8[%mul3A_16] : memref<10240xf32, #tpu.memory_space<vmem_shared>> -> memref<640xf32, #tpu.memory_space<vmem_shared>>
      tpu.enqueue_dma source(%dma_start3A_22 : memref<640xf32, #tpu.memory_space<vmem_shared>>) target(%dma_start3A_21 : memref<640xf32, #tpu.memory_space<hbm>>) target_semaphore(%run_scoped3A : memref<!tpu.dma_semaphore, #tpu.memory_space<semaphore_mem>>)
      %dma_wait3A = arith.constant 0 : i32
      %dma_wait3A_23 = tpu.memref_slice %arg5[%arg0, %dma_wait3A] : memref<2x10240xf32, #tpu.memory_space<hbm>> -> memref<1x10240xf32, #tpu.memory_space<hbm>>
      %dma_wait3A_24 = tpu.memref_squeeze %dma_wait3A_23 : memref<1x10240xf32, #tpu.memory_space<hbm>> -> memref<10240xf32, #tpu.memory_space<hbm>>
      %dma_wait3A_25 = tpu.memref_slice %dma_wait3A_24[%mul3A_18] : memref<10240xf32, #tpu.memory_space<hbm>> -> memref<640xf32, #tpu.memory_space<hbm>>
      %dma_wait3A_26 = tpu.memref_slice %arg8[%mul3A_16] : memref<10240xf32, #tpu.memory_space<vmem_shared>> -> memref<640xf32, #tpu.memory_space<vmem_shared>>
      tpu.wait_dma2 semaphore(%run_scoped3A : memref<!tpu.dma_semaphore, #tpu.memory_space<semaphore_mem>>) src(%dma_wait3A_26 : memref<640xf32, #tpu.memory_space<vmem_shared>>) dst(%dma_wait3A_25 : memref<640xf32, #tpu.memory_space<hbm>>)
      tpu.yield
    }) : () -> ()
    return
  }
}

#map = affine_map<(d0, d1) -> (0, 0)>
#map1 = affine_map<(d0, d1) -> (0, 0, 0)>
module attributes {stable_mosaic.version = 14 : i64} {
  func.func @k(%arg0: i32, %arg1: i32, %arg2: memref<10240x128xf32, #tpu.memory_space<hbm>>, %arg3: memref<32x80x128xi32, #tpu.memory_space<hbm>>, %arg4: memref<32x80x128xi32, #tpu.memory_space<hbm>>, %arg5: memref<10240x128xf32, #tpu.memory_space<hbm>>, %arg6: memref<2x10240x128xf32, #tpu.memory_space<hbm>>, %arg7: memref<40x128xi32, #tpu.memory_space<vmem>>, %arg8: memref<40x128xi32, #tpu.memory_space<vmem>>, %arg9: memref<128x128xf32, #tpu.memory_space<vmem>>, %arg10: memref<128x128xf32, #tpu.memory_space<vmem>>, %arg11: memref<10240x128xf32, #tpu.memory_space<vmem_shared>>, %arg12: memref<!tpu.dma_semaphore, #tpu.memory_space<semaphore_mem>>, %arg13: memref<!tpu.dma_semaphore, #tpu.memory_space<semaphore_mem>>, %arg14: memref<!tpu.dma_semaphore, #tpu.memory_space<semaphore_mem>>, %arg15: memref<!tpu.dma_semaphore, #tpu.memory_space<semaphore_mem>>) attributes {dimension_semantics = [#tpu.dimension_semantics<core_parallel>, #tpu.dimension_semantics<subcore_parallel>], iteration_bounds = array<i64: 2, 16>, scalar_prefetch = 0 : i64, scratch_operands = 9 : i64, tpu.core_type = #tpu.core_type<sc_vector_subcore>, window_params = [{transform_indices = #map}, {transform_indices = #map1}, {transform_indices = #map1}, {transform_indices = #map}, {transform_indices = #map1}]} {
    %mul3A = arith.constant 16 : i32
    %mul3A_0 = arith.muli %arg0, %mul3A : i32
    %add3A = arith.addi %mul3A_0, %arg1 : i32
    %mul3A_1 = arith.constant 640 : i32
    %mul3A_2 = arith.muli %arg1, %mul3A_1 : i32
    %mul3A_3 = arith.constant 640 : i32
    %mul3A_4 = arith.muli %arg1, %mul3A_3 : i32
    "tpu.region"() ({
      %run_scoped3A = tpu.sem_alloc : memref<!tpu.dma_semaphore, #tpu.memory_space<semaphore_mem>>
      %dma_start3A = arith.constant 0 : i32
      %dma_start3A_14 = tpu.memref_slice %arg11[%mul3A_4, %dma_start3A] : memref<10240x128xf32, #tpu.memory_space<vmem_shared>> -> memref<640x128xf32, #tpu.memory_space<vmem_shared>>
      %dma_start3A_15 = arith.constant 0 : i32
      %dma_start3A_16 = tpu.memref_slice %arg5[%mul3A_2, %dma_start3A_15] : memref<10240x128xf32, #tpu.memory_space<hbm>> -> memref<640x128xf32, #tpu.memory_space<hbm>>
      tpu.enqueue_dma source(%dma_start3A_16 : memref<640x128xf32, #tpu.memory_space<hbm>>) target(%dma_start3A_14 : memref<640x128xf32, #tpu.memory_space<vmem_shared>>) target_semaphore(%run_scoped3A : memref<!tpu.dma_semaphore, #tpu.memory_space<semaphore_mem>>)
      %dma_wait3A = arith.constant 0 : i32
      %dma_wait3A_17 = tpu.memref_slice %arg11[%mul3A_4, %dma_wait3A] : memref<10240x128xf32, #tpu.memory_space<vmem_shared>> -> memref<640x128xf32, #tpu.memory_space<vmem_shared>>
      %dma_wait3A_18 = arith.constant 0 : i32
      %dma_wait3A_19 = tpu.memref_slice %arg5[%mul3A_2, %dma_wait3A_18] : memref<10240x128xf32, #tpu.memory_space<hbm>> -> memref<640x128xf32, #tpu.memory_space<hbm>>
      tpu.wait_dma2 semaphore(%run_scoped3A : memref<!tpu.dma_semaphore, #tpu.memory_space<semaphore_mem>>) src(%dma_wait3A_19 : memref<640x128xf32, #tpu.memory_space<hbm>>) dst(%dma_wait3A_17 : memref<640x128xf32, #tpu.memory_space<vmem_shared>>)
      tpu.yield
    }) : () -> ()
    %barrier3A = arith.constant 0 : index
    tpu.barrier barrier_id(%barrier3A)
    %scan3A = arith.constant 0 : i32
    %scan3A_5 = arith.constant 2 : i32
    %scan3A_6 = arith.addi %scan3A, %scan3A_5 : i32
    %scan3A_7 = arith.constant 1 : i32
    scf.for %scan3A_14 = %scan3A to %scan3A_6 step %scan3A_7  : i32 {
      %mul3A_15 = arith.constant 1 : i32
      %mul3A_16 = arith.muli %scan3A_14, %mul3A_15 : i32
      %add3A_17 = arith.constant 0 : i32
      %add3A_18 = arith.addi %add3A_17, %mul3A_16 : i32
      %mul3A_19 = arith.constant 40 : i32
      %mul3A_20 = arith.muli %add3A_18, %mul3A_19 : i32
      "tpu.region"() ({
        %run_scoped3A = tpu.sem_alloc : memref<!tpu.dma_semaphore, #tpu.memory_space<semaphore_mem>>
        %dma_start3A_1141 = arith.constant 0 : i32
        %dma_start3A_1142 = arith.constant 0 : i32
        %dma_start3A_1143 = tpu.memref_slice %arg3[%add3A, %dma_start3A_1141, %dma_start3A_1142] : memref<32x80x128xi32, #tpu.memory_space<hbm>> -> memref<1x80x128xi32, #tpu.memory_space<hbm>>
        %dma_start3A_1144 = tpu.memref_squeeze %dma_start3A_1143 : memref<1x80x128xi32, #tpu.memory_space<hbm>> -> memref<80x128xi32, #tpu.memory_space<hbm>>
        %dma_start3A_1145 = arith.constant 0 : i32
        %dma_start3A_1146 = tpu.memref_slice %dma_start3A_1144[%mul3A_20, %dma_start3A_1145] : memref<80x128xi32, #tpu.memory_space<hbm>> -> memref<40x128xi32, #tpu.memory_space<hbm>>
        %dma_start3A_1147 = arith.constant 0 : i32
        %dma_start3A_1148 = arith.constant 0 : i32
        %dma_start3A_1149 = tpu.memref_slice %arg3[%add3A, %dma_start3A_1147, %dma_start3A_1148] : memref<32x80x128xi32, #tpu.memory_space<hbm>> -> memref<1x80x128xi32, #tpu.memory_space<hbm>>
        %dma_start3A_1150 = tpu.memref_squeeze %dma_start3A_1149 : memref<1x80x128xi32, #tpu.memory_space<hbm>> -> memref<80x128xi32, #tpu.memory_space<hbm>>
        %dma_start3A_1151 = arith.constant 0 : i32
        %dma_start3A_1152 = tpu.memref_slice %dma_start3A_1150[%mul3A_20, %dma_start3A_1151] : memref<80x128xi32, #tpu.memory_space<hbm>> -> memref<40x128xi32, #tpu.memory_space<hbm>>
        tpu.enqueue_dma source(%dma_start3A_1152 : memref<40x128xi32, #tpu.memory_space<hbm>>) target(%arg7 : memref<40x128xi32, #tpu.memory_space<vmem>>) target_semaphore(%run_scoped3A : memref<!tpu.dma_semaphore, #tpu.memory_space<semaphore_mem>>)
        %dma_wait3A_1153 = arith.constant 0 : i32
        %dma_wait3A_1154 = arith.constant 0 : i32
        %dma_wait3A_1155 = tpu.memref_slice %arg3[%add3A, %dma_wait3A_1153, %dma_wait3A_1154] : memref<32x80x128xi32, #tpu.memory_space<hbm>> -> memref<1x80x128xi32, #tpu.memory_space<hbm>>
        %dma_wait3A_1156 = tpu.memref_squeeze %dma_wait3A_1155 : memref<1x80x128xi32, #tpu.memory_space<hbm>> -> memref<80x128xi32, #tpu.memory_space<hbm>>
        %dma_wait3A_1157 = arith.constant 0 : i32
        %dma_wait3A_1158 = tpu.memref_slice %dma_wait3A_1156[%mul3A_20, %dma_wait3A_1157] : memref<80x128xi32, #tpu.memory_space<hbm>> -> memref<40x128xi32, #tpu.memory_space<hbm>>
        %dma_wait3A_1159 = arith.constant 0 : i32
        %dma_wait3A_1160 = arith.constant 0 : i32
        %dma_wait3A_1161 = tpu.memref_slice %arg3[%add3A, %dma_wait3A_1159, %dma_wait3A_1160] : memref<32x80x128xi32, #tpu.memory_space<hbm>> -> memref<1x80x128xi32, #tpu.memory_space<hbm>>
        %dma_wait3A_1162 = tpu.memref_squeeze %dma_wait3A_1161 : memref<1x80x128xi32, #tpu.memory_space<hbm>> -> memref<80x128xi32, #tpu.memory_space<hbm>>
        %dma_wait3A_1163 = arith.constant 0 : i32
        %dma_wait3A_1164 = tpu.memref_slice %dma_wait3A_1162[%mul3A_20, %dma_wait3A_1163] : memref<80x128xi32, #tpu.memory_space<hbm>> -> memref<40x128xi32, #tpu.memory_space<hbm>>
        tpu.wait_dma2 semaphore(%run_scoped3A : memref<!tpu.dma_semaphore, #tpu.memory_space<semaphore_mem>>) src(%dma_wait3A_1164 : memref<40x128xi32, #tpu.memory_space<hbm>>) dst(%arg7 : memref<40x128xi32, #tpu.memory_space<vmem>>)
        tpu.yield
      }) : () -> ()
      %mul3A_21 = arith.constant 40 : i32
      %mul3A_22 = arith.muli %add3A_18, %mul3A_21 : i32
      "tpu.region"() ({
        %run_scoped3A = tpu.sem_alloc : memref<!tpu.dma_semaphore, #tpu.memory_space<semaphore_mem>>
        %dma_start3A_1141 = arith.constant 0 : i32
        %dma_start3A_1142 = arith.constant 0 : i32
        %dma_start3A_1143 = tpu.memref_slice %arg4[%add3A, %dma_start3A_1141, %dma_start3A_1142] : memref<32x80x128xi32, #tpu.memory_space<hbm>> -> memref<1x80x128xi32, #tpu.memory_space<hbm>>
        %dma_start3A_1144 = tpu.memref_squeeze %dma_start3A_1143 : memref<1x80x128xi32, #tpu.memory_space<hbm>> -> memref<80x128xi32, #tpu.memory_space<hbm>>
        %dma_start3A_1145 = arith.constant 0 : i32
        %dma_start3A_1146 = tpu.memref_slice %dma_start3A_1144[%mul3A_22, %dma_start3A_1145] : memref<80x128xi32, #tpu.memory_space<hbm>> -> memref<40x128xi32, #tpu.memory_space<hbm>>
        %dma_start3A_1147 = arith.constant 0 : i32
        %dma_start3A_1148 = arith.constant 0 : i32
        %dma_start3A_1149 = tpu.memref_slice %arg4[%add3A, %dma_start3A_1147, %dma_start3A_1148] : memref<32x80x128xi32, #tpu.memory_space<hbm>> -> memref<1x80x128xi32, #tpu.memory_space<hbm>>
        %dma_start3A_1150 = tpu.memref_squeeze %dma_start3A_1149 : memref<1x80x128xi32, #tpu.memory_space<hbm>> -> memref<80x128xi32, #tpu.memory_space<hbm>>
        %dma_start3A_1151 = arith.constant 0 : i32
        %dma_start3A_1152 = tpu.memref_slice %dma_start3A_1150[%mul3A_22, %dma_start3A_1151] : memref<80x128xi32, #tpu.memory_space<hbm>> -> memref<40x128xi32, #tpu.memory_space<hbm>>
        tpu.enqueue_dma source(%dma_start3A_1152 : memref<40x128xi32, #tpu.memory_space<hbm>>) target(%arg8 : memref<40x128xi32, #tpu.memory_space<vmem>>) target_semaphore(%run_scoped3A : memref<!tpu.dma_semaphore, #tpu.memory_space<semaphore_mem>>)
        %dma_wait3A_1153 = arith.constant 0 : i32
        %dma_wait3A_1154 = arith.constant 0 : i32
        %dma_wait3A_1155 = tpu.memref_slice %arg4[%add3A, %dma_wait3A_1153, %dma_wait3A_1154] : memref<32x80x128xi32, #tpu.memory_space<hbm>> -> memref<1x80x128xi32, #tpu.memory_space<hbm>>
        %dma_wait3A_1156 = tpu.memref_squeeze %dma_wait3A_1155 : memref<1x80x128xi32, #tpu.memory_space<hbm>> -> memref<80x128xi32, #tpu.memory_space<hbm>>
        %dma_wait3A_1157 = arith.constant 0 : i32
        %dma_wait3A_1158 = tpu.memref_slice %dma_wait3A_1156[%mul3A_22, %dma_wait3A_1157] : memref<80x128xi32, #tpu.memory_space<hbm>> -> memref<40x128xi32, #tpu.memory_space<hbm>>
        %dma_wait3A_1159 = arith.constant 0 : i32
        %dma_wait3A_1160 = arith.constant 0 : i32
        %dma_wait3A_1161 = tpu.memref_slice %arg4[%add3A, %dma_wait3A_1159, %dma_wait3A_1160] : memref<32x80x128xi32, #tpu.memory_space<hbm>> -> memref<1x80x128xi32, #tpu.memory_space<hbm>>
        %dma_wait3A_1162 = tpu.memref_squeeze %dma_wait3A_1161 : memref<1x80x128xi32, #tpu.memory_space<hbm>> -> memref<80x128xi32, #tpu.memory_space<hbm>>
        %dma_wait3A_1163 = arith.constant 0 : i32
        %dma_wait3A_1164 = tpu.memref_slice %dma_wait3A_1162[%mul3A_22, %dma_wait3A_1163] : memref<80x128xi32, #tpu.memory_space<hbm>> -> memref<40x128xi32, #tpu.memory_space<hbm>>
        tpu.wait_dma2 semaphore(%run_scoped3A : memref<!tpu.dma_semaphore, #tpu.memory_space<semaphore_mem>>) src(%dma_wait3A_1164 : memref<40x128xi32, #tpu.memory_space<hbm>>) dst(%arg8 : memref<40x128xi32, #tpu.memory_space<vmem>>)
        tpu.yield
      }) : () -> ()
      %dma_start3A = arith.constant 0 : i32
      %dma_start3A_23 = arith.constant 0 : i32
      %dma_start3A_24 = tpu.memref_slice %arg7[%dma_start3A, %dma_start3A_23] : memref<40x128xi32, #tpu.memory_space<vmem>> -> memref<1x128xi32, #tpu.memory_space<vmem>>
      %dma_start3A_25 = tpu.memref_squeeze %dma_start3A_24 : memref<1x128xi32, #tpu.memory_space<vmem>> -> memref<128xi32, #tpu.memory_space<vmem>>
      %dma_start3A_26 = arith.constant 0 : i32
      %dma_start3A_27 = arith.constant 0 : i32
      %dma_start3A_28 = tpu.memref_slice %arg2[%dma_start3A_26, %dma_start3A_27] : memref<10240x128xf32, #tpu.memory_space<hbm>> -> memref<10240x128xf32, #tpu.memory_space<hbm>>
      tpu.enqueue_indirect_dma source(%dma_start3A_28 : memref<10240x128xf32, #tpu.memory_space<hbm>>) target(%arg9 : memref<128x128xf32, #tpu.memory_space<vmem>>) offsets(%dma_start3A_25 : memref<128xi32, #tpu.memory_space<vmem>>) semaphore(%arg12 : memref<!tpu.dma_semaphore, #tpu.memory_space<semaphore_mem>>)
      %dma_start3A_29 = arith.constant 1 : i32
      %dma_start3A_30 = arith.constant 0 : i32
      %dma_start3A_31 = tpu.memref_slice %arg7[%dma_start3A_29, %dma_start3A_30] : memref<40x128xi32, #tpu.memory_space<vmem>> -> memref<1x128xi32, #tpu.memory_space<vmem>>
      %dma_start3A_32 = tpu.memref_squeeze %dma_start3A_31 : memref<1x128xi32, #tpu.memory_space<vmem>> -> memref<128xi32, #tpu.memory_space<vmem>>
      %dma_start3A_33 = arith.constant 0 : i32
      %dma_start3A_34 = arith.constant 0 : i32
      %dma_start3A_35 = tpu.memref_slice %arg2[%dma_start3A_33, %dma_start3A_34] : memref<10240x128xf32, #tpu.memory_space<hbm>> -> memref<10240x128xf32, #tpu.memory_space<hbm>>
      tpu.enqueue_indirect_dma source(%dma_start3A_35 : memref<10240x128xf32, #tpu.memory_space<hbm>>) target(%arg10 : memref<128x128xf32, #tpu.memory_space<vmem>>) offsets(%dma_start3A_32 : memref<128xi32, #tpu.memory_space<vmem>>) semaphore(%arg13 : memref<!tpu.dma_semaphore, #tpu.memory_space<semaphore_mem>>)
      %dma_wait3A = arith.constant 0 : i32
      %dma_wait3A_36 = arith.constant 0 : i32
      %dma_wait3A_37 = tpu.memref_slice %arg7[%dma_wait3A, %dma_wait3A_36] : memref<40x128xi32, #tpu.memory_space<vmem>> -> memref<1x128xi32, #tpu.memory_space<vmem>>
      %dma_wait3A_38 = tpu.memref_squeeze %dma_wait3A_37 : memref<1x128xi32, #tpu.memory_space<vmem>> -> memref<128xi32, #tpu.memory_space<vmem>>
      %dma_wait3A_39 = arith.constant 0 : i32
      %dma_wait3A_40 = arith.constant 0 : i32
      %dma_wait3A_41 = tpu.memref_slice %arg2[%dma_wait3A_39, %dma_wait3A_40] : memref<10240x128xf32, #tpu.memory_space<hbm>> -> memref<10240x128xf32, #tpu.memory_space<hbm>>
      tpu.wait_indirect_dma semaphore(%arg12 : memref<!tpu.dma_semaphore, #tpu.memory_space<semaphore_mem>>) src(%dma_wait3A_41 : memref<10240x128xf32, #tpu.memory_space<hbm>>) dst(%arg9 : memref<128x128xf32, #tpu.memory_space<vmem>>)
      %dma_start3A_42 = arith.constant 0 : i32
      %dma_start3A_43 = arith.constant 0 : i32
      %dma_start3A_44 = tpu.memref_slice %arg8[%dma_start3A_42, %dma_start3A_43] : memref<40x128xi32, #tpu.memory_space<vmem>> -> memref<1x128xi32, #tpu.memory_space<vmem>>
      %dma_start3A_45 = tpu.memref_squeeze %dma_start3A_44 : memref<1x128xi32, #tpu.memory_space<vmem>> -> memref<128xi32, #tpu.memory_space<vmem>>
      %dma_start3A_46 = arith.constant 0 : i32
      %dma_start3A_47 = arith.constant 0 : i32
      %dma_start3A_48 = tpu.memref_slice %arg11[%dma_start3A_46, %dma_start3A_47] : memref<10240x128xf32, #tpu.memory_space<vmem_shared>> -> memref<10240x128xf32, #tpu.memory_space<vmem_shared>>
      tpu.enqueue_indirect_dma source(%arg9 : memref<128x128xf32, #tpu.memory_space<vmem>>) target(%dma_start3A_48 : memref<10240x128xf32, #tpu.memory_space<vmem_shared>>) offsets(%dma_start3A_45 : memref<128xi32, #tpu.memory_space<vmem>>) semaphore(%arg14 : memref<!tpu.dma_semaphore, #tpu.memory_space<semaphore_mem>>) {add = true}
      %dma_wait3A_49 = arith.constant 0 : i32
      %dma_wait3A_50 = arith.constant 0 : i32
      %dma_wait3A_51 = tpu.memref_slice %arg8[%dma_wait3A_49, %dma_wait3A_50] : memref<40x128xi32, #tpu.memory_space<vmem>> -> memref<1x128xi32, #tpu.memory_space<vmem>>
      %dma_wait3A_52 = tpu.memref_squeeze %dma_wait3A_51 : memref<1x128xi32, #tpu.memory_space<vmem>> -> memref<128xi32, #tpu.memory_space<vmem>>
      %dma_wait3A_53 = arith.constant 0 : i32
      %dma_wait3A_54 = arith.constant 0 : i32
      %dma_wait3A_55 = tpu.memref_slice %arg11[%dma_wait3A_53, %dma_wait3A_54] : memref<10240x128xf32, #tpu.memory_space<vmem_shared>> -> memref<10240x128xf32, #tpu.memory_space<vmem_shared>>
      tpu.wait_indirect_dma semaphore(%arg14 : memref<!tpu.dma_semaphore, #tpu.memory_space<semaphore_mem>>) src(%arg9 : memref<128x128xf32, #tpu.memory_space<vmem>>) dst(%dma_wait3A_55 : memref<10240x128xf32, #tpu.memory_space<vmem_shared>>)
      %dma_start3A_56 = arith.constant 2 : i32
      %dma_start3A_57 = arith.constant 0 : i32
      %dma_start3A_58 = tpu.memref_slice %arg7[%dma_start3A_56, %dma_start3A_57] : memref<40x128xi32, #tpu.memory_space<vmem>> -> memref<1x128xi32, #tpu.memory_space<vmem>>
      %dma_start3A_59 = tpu.memref_squeeze %dma_start3A_58 : memref<1x128xi32, #tpu.memory_space<vmem>> -> memref<128xi32, #tpu.memory_space<vmem>>
      %dma_start3A_60 = arith.constant 0 : i32
      %dma_start3A_61 = arith.constant 0 : i32
      %dma_start3A_62 = tpu.memref_slice %arg2[%dma_start3A_60, %dma_start3A_61] : memref<10240x128xf32, #tpu.memory_space<hbm>> -> memref<10240x128xf32, #tpu.memory_space<hbm>>
      tpu.enqueue_indirect_dma source(%dma_start3A_62 : memref<10240x128xf32, #tpu.memory_space<hbm>>) target(%arg9 : memref<128x128xf32, #tpu.memory_space<vmem>>) offsets(%dma_start3A_59 : memref<128xi32, #tpu.memory_space<vmem>>) semaphore(%arg12 : memref<!tpu.dma_semaphore, #tpu.memory_space<semaphore_mem>>)
      %dma_wait3A_63 = arith.constant 1 : i32
      %dma_wait3A_64 = arith.constant 0 : i32
      %dma_wait3A_65 = tpu.memref_slice %arg7[%dma_wait3A_63, %dma_wait3A_64] : memref<40x128xi32, #tpu.memory_space<vmem>> -> memref<1x128xi32, #tpu.memory_space<vmem>>
      %dma_wait3A_66 = tpu.memref_squeeze %dma_wait3A_65 : memref<1x128xi32, #tpu.memory_space<vmem>> -> memref<128xi32, #tpu.memory_space<vmem>>
      %dma_wait3A_67 = arith.constant 0 : i32
      %dma_wait3A_68 = arith.constant 0 : i32
      %dma_wait3A_69 = tpu.memref_slice %arg2[%dma_wait3A_67, %dma_wait3A_68] : memref<10240x128xf32, #tpu.memory_space<hbm>> -> memref<10240x128xf32, #tpu.memory_space<hbm>>
      tpu.wait_indirect_dma semaphore(%arg13 : memref<!tpu.dma_semaphore, #tpu.memory_space<semaphore_mem>>) src(%dma_wait3A_69 : memref<10240x128xf32, #tpu.memory_space<hbm>>) dst(%arg10 : memref<128x128xf32, #tpu.memory_space<vmem>>)
      %dma_start3A_70 = arith.constant 1 : i32
      %dma_start3A_71 = arith.constant 0 : i32
      %dma_start3A_72 = tpu.memref_slice %arg8[%dma_start3A_70, %dma_start3A_71] : memref<40x128xi32, #tpu.memory_space<vmem>> -> memref<1x128xi32, #tpu.memory_space<vmem>>
      %dma_start3A_73 = tpu.memref_squeeze %dma_start3A_72 : memref<1x128xi32, #tpu.memory_space<vmem>> -> memref<128xi32, #tpu.memory_space<vmem>>
      %dma_start3A_74 = arith.constant 0 : i32
      %dma_start3A_75 = arith.constant 0 : i32
      %dma_start3A_76 = tpu.memref_slice %arg11[%dma_start3A_74, %dma_start3A_75] : memref<10240x128xf32, #tpu.memory_space<vmem_shared>> -> memref<10240x128xf32, #tpu.memory_space<vmem_shared>>
      tpu.enqueue_indirect_dma source(%arg10 : memref<128x128xf32, #tpu.memory_space<vmem>>) target(%dma_start3A_76 : memref<10240x128xf32, #tpu.memory_space<vmem_shared>>) offsets(%dma_start3A_73 : memref<128xi32, #tpu.memory_space<vmem>>) semaphore(%arg15 : memref<!tpu.dma_semaphore, #tpu.memory_space<semaphore_mem>>) {add = true}
      %dma_wait3A_77 = arith.constant 1 : i32
      %dma_wait3A_78 = arith.constant 0 : i32
      %dma_wait3A_79 = tpu.memref_slice %arg8[%dma_wait3A_77, %dma_wait3A_78] : memref<40x128xi32, #tpu.memory_space<vmem>> -> memref<1x128xi32, #tpu.memory_space<vmem>>
      %dma_wait3A_80 = tpu.memref_squeeze %dma_wait3A_79 : memref<1x128xi32, #tpu.memory_space<vmem>> -> memref<128xi32, #tpu.memory_space<vmem>>
      %dma_wait3A_81 = arith.constant 0 : i32
      %dma_wait3A_82 = arith.constant 0 : i32
      %dma_wait3A_83 = tpu.memref_slice %arg11[%dma_wait3A_81, %dma_wait3A_82] : memref<10240x128xf32, #tpu.memory_space<vmem_shared>> -> memref<10240x128xf32, #tpu.memory_space<vmem_shared>>
      tpu.wait_indirect_dma semaphore(%arg15 : memref<!tpu.dma_semaphore, #tpu.memory_space<semaphore_mem>>) src(%arg10 : memref<128x128xf32, #tpu.memory_space<vmem>>) dst(%dma_wait3A_83 : memref<10240x128xf32, #tpu.memory_space<vmem_shared>>)
      %dma_start3A_84 = arith.constant 3 : i32
      %dma_start3A_85 = arith.constant 0 : i32
      %dma_start3A_86 = tpu.memref_slice %arg7[%dma_start3A_84, %dma_start3A_85] : memref<40x128xi32, #tpu.memory_space<vmem>> -> memref<1x128xi32, #tpu.memory_space<vmem>>
      %dma_start3A_87 = tpu.memref_squeeze %dma_start3A_86 : memref<1x128xi32, #tpu.memory_space<vmem>> -> memref<128xi32, #tpu.memory_space<vmem>>
      %dma_start3A_88 = arith.constant 0 : i32
      %dma_start3A_89 = arith.constant 0 : i32
      %dma_start3A_90 = tpu.memref_slice %arg2[%dma_start3A_88, %dma_start3A_89] : memref<10240x128xf32, #tpu.memory_space<hbm>> -> memref<10240x128xf32, #tpu.memory_space<hbm>>
      tpu.enqueue_indirect_dma source(%dma_start3A_90 : memref<10240x128xf32, #tpu.memory_space<hbm>>) target(%arg10 : memref<128x128xf32, #tpu.memory_space<vmem>>) offsets(%dma_start3A_87 : memref<128xi32, #tpu.memory_space<vmem>>) semaphore(%arg13 : memref<!tpu.dma_semaphore, #tpu.memory_space<semaphore_mem>>)
      %dma_wait3A_91 = arith.constant 2 : i32
      %dma_wait3A_92 = arith.constant 0 : i32
      %dma_wait3A_93 = tpu.memref_slice %arg7[%dma_wait3A_91, %dma_wait3A_92] : memref<40x128xi32, #tpu.memory_space<vmem>> -> memref<1x128xi32, #tpu.memory_space<vmem>>
      %dma_wait3A_94 = tpu.memref_squeeze %dma_wait3A_93 : memref<1x128xi32, #tpu.memory_space<vmem>> -> memref<128xi32, #tpu.memory_space<vmem>>
      %dma_wait3A_95 = arith.constant 0 : i32
      %dma_wait3A_96 = arith.constant 0 : i32
      %dma_wait3A_97 = tpu.memref_slice %arg2[%dma_wait3A_95, %dma_wait3A_96] : memref<10240x128xf32, #tpu.memory_space<hbm>> -> memref<10240x128xf32, #tpu.memory_space<hbm>>
      tpu.wait_indirect_dma semaphore(%arg12 : memref<!tpu.dma_semaphore, #tpu.memory_space<semaphore_mem>>) src(%dma_wait3A_97 : memref<10240x128xf32, #tpu.memory_space<hbm>>) dst(%arg9 : memref<128x128xf32, #tpu.memory_space<vmem>>)
      %dma_start3A_98 = arith.constant 2 : i32
      %dma_start3A_99 = arith.constant 0 : i32
      %dma_start3A_100 = tpu.memref_slice %arg8[%dma_start3A_98, %dma_start3A_99] : memref<40x128xi32, #tpu.memory_space<vmem>> -> memref<1x128xi32, #tpu.memory_space<vmem>>
      %dma_start3A_101 = tpu.memref_squeeze %dma_start3A_100 : memref<1x128xi32, #tpu.memory_space<vmem>> -> memref<128xi32, #tpu.memory_space<vmem>>
      %dma_start3A_102 = arith.constant 0 : i32
      %dma_start3A_103 = arith.constant 0 : i32
      %dma_start3A_104 = tpu.memref_slice %arg11[%dma_start3A_102, %dma_start3A_103] : memref<10240x128xf32, #tpu.memory_space<vmem_shared>> -> memref<10240x128xf32, #tpu.memory_space<vmem_shared>>
      tpu.enqueue_indirect_dma source(%arg9 : memref<128x128xf32, #tpu.memory_space<vmem>>) target(%dma_start3A_104 : memref<10240x128xf32, #tpu.memory_space<vmem_shared>>) offsets(%dma_start3A_101 : memref<128xi32, #tpu.memory_space<vmem>>) semaphore(%arg14 : memref<!tpu.dma_semaphore, #tpu.memory_space<semaphore_mem>>) {add = true}
      %dma_wait3A_105 = arith.constant 2 : i32
      %dma_wait3A_106 = arith.constant 0 : i32
      %dma_wait3A_107 = tpu.memref_slice %arg8[%dma_wait3A_105, %dma_wait3A_106] : memref<40x128xi32, #tpu.memory_space<vmem>> -> memref<1x128xi32, #tpu.memory_space<vmem>>
      %dma_wait3A_108 = tpu.memref_squeeze %dma_wait3A_107 : memref<1x128xi32, #tpu.memory_space<vmem>> -> memref<128xi32, #tpu.memory_space<vmem>>
      %dma_wait3A_109 = arith.constant 0 : i32
      %dma_wait3A_110 = arith.constant 0 : i32
      %dma_wait3A_111 = tpu.memref_slice %arg11[%dma_wait3A_109, %dma_wait3A_110] : memref<10240x128xf32, #tpu.memory_space<vmem_shared>> -> memref<10240x128xf32, #tpu.memory_space<vmem_shared>>
      tpu.wait_indirect_dma semaphore(%arg14 : memref<!tpu.dma_semaphore, #tpu.memory_space<semaphore_mem>>) src(%arg9 : memref<128x128xf32, #tpu.memory_space<vmem>>) dst(%dma_wait3A_111 : memref<10240x128xf32, #tpu.memory_space<vmem_shared>>)
      %dma_start3A_112 = arith.constant 4 : i32
      %dma_start3A_113 = arith.constant 0 : i32
      %dma_start3A_114 = tpu.memref_slice %arg7[%dma_start3A_112, %dma_start3A_113] : memref<40x128xi32, #tpu.memory_space<vmem>> -> memref<1x128xi32, #tpu.memory_space<vmem>>
      %dma_start3A_115 = tpu.memref_squeeze %dma_start3A_114 : memref<1x128xi32, #tpu.memory_space<vmem>> -> memref<128xi32, #tpu.memory_space<vmem>>
      %dma_start3A_116 = arith.constant 0 : i32
      %dma_start3A_117 = arith.constant 0 : i32
      %dma_start3A_118 = tpu.memref_slice %arg2[%dma_start3A_116, %dma_start3A_117] : memref<10240x128xf32, #tpu.memory_space<hbm>> -> memref<10240x128xf32, #tpu.memory_space<hbm>>
      tpu.enqueue_indirect_dma source(%dma_start3A_118 : memref<10240x128xf32, #tpu.memory_space<hbm>>) target(%arg9 : memref<128x128xf32, #tpu.memory_space<vmem>>) offsets(%dma_start3A_115 : memref<128xi32, #tpu.memory_space<vmem>>) semaphore(%arg12 : memref<!tpu.dma_semaphore, #tpu.memory_space<semaphore_mem>>)
      %dma_wait3A_119 = arith.constant 3 : i32
      %dma_wait3A_120 = arith.constant 0 : i32
      %dma_wait3A_121 = tpu.memref_slice %arg7[%dma_wait3A_119, %dma_wait3A_120] : memref<40x128xi32, #tpu.memory_space<vmem>> -> memref<1x128xi32, #tpu.memory_space<vmem>>
      %dma_wait3A_122 = tpu.memref_squeeze %dma_wait3A_121 : memref<1x128xi32, #tpu.memory_space<vmem>> -> memref<128xi32, #tpu.memory_space<vmem>>
      %dma_wait3A_123 = arith.constant 0 : i32
      %dma_wait3A_124 = arith.constant 0 : i32
      %dma_wait3A_125 = tpu.memref_slice %arg2[%dma_wait3A_123, %dma_wait3A_124] : memref<10240x128xf32, #tpu.memory_space<hbm>> -> memref<10240x128xf32, #tpu.memory_space<hbm>>
      tpu.wait_indirect_dma semaphore(%arg13 : memref<!tpu.dma_semaphore, #tpu.memory_space<semaphore_mem>>) src(%dma_wait3A_125 : memref<10240x128xf32, #tpu.memory_space<hbm>>) dst(%arg10 : memref<128x128xf32, #tpu.memory_space<vmem>>)
      %dma_start3A_126 = arith.constant 3 : i32
      %dma_start3A_127 = arith.constant 0 : i32
      %dma_start3A_128 = tpu.memref_slice %arg8[%dma_start3A_126, %dma_start3A_127] : memref<40x128xi32, #tpu.memory_space<vmem>> -> memref<1x128xi32, #tpu.memory_space<vmem>>
      %dma_start3A_129 = tpu.memref_squeeze %dma_start3A_128 : memref<1x128xi32, #tpu.memory_space<vmem>> -> memref<128xi32, #tpu.memory_space<vmem>>
      %dma_start3A_130 = arith.constant 0 : i32
      %dma_start3A_131 = arith.constant 0 : i32
      %dma_start3A_132 = tpu.memref_slice %arg11[%dma_start3A_130, %dma_start3A_131] : memref<10240x128xf32, #tpu.memory_space<vmem_shared>> -> memref<10240x128xf32, #tpu.memory_space<vmem_shared>>
      tpu.enqueue_indirect_dma source(%arg10 : memref<128x128xf32, #tpu.memory_space<vmem>>) target(%dma_start3A_132 : memref<10240x128xf32, #tpu.memory_space<vmem_shared>>) offsets(%dma_start3A_129 : memref<128xi32, #tpu.memory_space<vmem>>) semaphore(%arg15 : memref<!tpu.dma_semaphore, #tpu.memory_space<semaphore_mem>>) {add = true}
      %dma_wait3A_133 = arith.constant 3 : i32
      %dma_wait3A_134 = arith.constant 0 : i32
      %dma_wait3A_135 = tpu.memref_slice %arg8[%dma_wait3A_133, %dma_wait3A_134] : memref<40x128xi32, #tpu.memory_space<vmem>> -> memref<1x128xi32, #tpu.memory_space<vmem>>
      %dma_wait3A_136 = tpu.memref_squeeze %dma_wait3A_135 : memref<1x128xi32, #tpu.memory_space<vmem>> -> memref<128xi32, #tpu.memory_space<vmem>>
      %dma_wait3A_137 = arith.constant 0 : i32
      %dma_wait3A_138 = arith.constant 0 : i32
      %dma_wait3A_139 = tpu.memref_slice %arg11[%dma_wait3A_137, %dma_wait3A_138] : memref<10240x128xf32, #tpu.memory_space<vmem_shared>> -> memref<10240x128xf32, #tpu.memory_space<vmem_shared>>
      tpu.wait_indirect_dma semaphore(%arg15 : memref<!tpu.dma_semaphore, #tpu.memory_space<semaphore_mem>>) src(%arg10 : memref<128x128xf32, #tpu.memory_space<vmem>>) dst(%dma_wait3A_139 : memref<10240x128xf32, #tpu.memory_space<vmem_shared>>)
      %dma_start3A_140 = arith.constant 5 : i32
      %dma_start3A_141 = arith.constant 0 : i32
      %dma_start3A_142 = tpu.memref_slice %arg7[%dma_start3A_140, %dma_start3A_141] : memref<40x128xi32, #tpu.memory_space<vmem>> -> memref<1x128xi32, #tpu.memory_space<vmem>>
      %dma_start3A_143 = tpu.memref_squeeze %dma_start3A_142 : memref<1x128xi32, #tpu.memory_space<vmem>> -> memref<128xi32, #tpu.memory_space<vmem>>
      %dma_start3A_144 = arith.constant 0 : i32
      %dma_start3A_145 = arith.constant 0 : i32
      %dma_start3A_146 = tpu.memref_slice %arg2[%dma_start3A_144, %dma_start3A_145] : memref<10240x128xf32, #tpu.memory_space<hbm>> -> memref<10240x128xf32, #tpu.memory_space<hbm>>
      tpu.enqueue_indirect_dma source(%dma_start3A_146 : memref<10240x128xf32, #tpu.memory_space<hbm>>) target(%arg10 : memref<128x128xf32, #tpu.memory_space<vmem>>) offsets(%dma_start3A_143 : memref<128xi32, #tpu.memory_space<vmem>>) semaphore(%arg13 : memref<!tpu.dma_semaphore, #tpu.memory_space<semaphore_mem>>)
      %dma_wait3A_147 = arith.constant 4 : i32
      %dma_wait3A_148 = arith.constant 0 : i32
      %dma_wait3A_149 = tpu.memref_slice %arg7[%dma_wait3A_147, %dma_wait3A_148] : memref<40x128xi32, #tpu.memory_space<vmem>> -> memref<1x128xi32, #tpu.memory_space<vmem>>
      %dma_wait3A_150 = tpu.memref_squeeze %dma_wait3A_149 : memref<1x128xi32, #tpu.memory_space<vmem>> -> memref<128xi32, #tpu.memory_space<vmem>>
      %dma_wait3A_151 = arith.constant 0 : i32
      %dma_wait3A_152 = arith.constant 0 : i32
      %dma_wait3A_153 = tpu.memref_slice %arg2[%dma_wait3A_151, %dma_wait3A_152] : memref<10240x128xf32, #tpu.memory_space<hbm>> -> memref<10240x128xf32, #tpu.memory_space<hbm>>
      tpu.wait_indirect_dma semaphore(%arg12 : memref<!tpu.dma_semaphore, #tpu.memory_space<semaphore_mem>>) src(%dma_wait3A_153 : memref<10240x128xf32, #tpu.memory_space<hbm>>) dst(%arg9 : memref<128x128xf32, #tpu.memory_space<vmem>>)
      %dma_start3A_154 = arith.constant 4 : i32
      %dma_start3A_155 = arith.constant 0 : i32
      %dma_start3A_156 = tpu.memref_slice %arg8[%dma_start3A_154, %dma_start3A_155] : memref<40x128xi32, #tpu.memory_space<vmem>> -> memref<1x128xi32, #tpu.memory_space<vmem>>
      %dma_start3A_157 = tpu.memref_squeeze %dma_start3A_156 : memref<1x128xi32, #tpu.memory_space<vmem>> -> memref<128xi32, #tpu.memory_space<vmem>>
      %dma_start3A_158 = arith.constant 0 : i32
      %dma_start3A_159 = arith.constant 0 : i32
      %dma_start3A_160 = tpu.memref_slice %arg11[%dma_start3A_158, %dma_start3A_159] : memref<10240x128xf32, #tpu.memory_space<vmem_shared>> -> memref<10240x128xf32, #tpu.memory_space<vmem_shared>>
      tpu.enqueue_indirect_dma source(%arg9 : memref<128x128xf32, #tpu.memory_space<vmem>>) target(%dma_start3A_160 : memref<10240x128xf32, #tpu.memory_space<vmem_shared>>) offsets(%dma_start3A_157 : memref<128xi32, #tpu.memory_space<vmem>>) semaphore(%arg14 : memref<!tpu.dma_semaphore, #tpu.memory_space<semaphore_mem>>) {add = true}
      %dma_wait3A_161 = arith.constant 4 : i32
      %dma_wait3A_162 = arith.constant 0 : i32
      %dma_wait3A_163 = tpu.memref_slice %arg8[%dma_wait3A_161, %dma_wait3A_162] : memref<40x128xi32, #tpu.memory_space<vmem>> -> memref<1x128xi32, #tpu.memory_space<vmem>>
      %dma_wait3A_164 = tpu.memref_squeeze %dma_wait3A_163 : memref<1x128xi32, #tpu.memory_space<vmem>> -> memref<128xi32, #tpu.memory_space<vmem>>
      %dma_wait3A_165 = arith.constant 0 : i32
      %dma_wait3A_166 = arith.constant 0 : i32
      %dma_wait3A_167 = tpu.memref_slice %arg11[%dma_wait3A_165, %dma_wait3A_166] : memref<10240x128xf32, #tpu.memory_space<vmem_shared>> -> memref<10240x128xf32, #tpu.memory_space<vmem_shared>>
      tpu.wait_indirect_dma semaphore(%arg14 : memref<!tpu.dma_semaphore, #tpu.memory_space<semaphore_mem>>) src(%arg9 : memref<128x128xf32, #tpu.memory_space<vmem>>) dst(%dma_wait3A_167 : memref<10240x128xf32, #tpu.memory_space<vmem_shared>>)
      %dma_start3A_168 = arith.constant 6 : i32
      %dma_start3A_169 = arith.constant 0 : i32
      %dma_start3A_170 = tpu.memref_slice %arg7[%dma_start3A_168, %dma_start3A_169] : memref<40x128xi32, #tpu.memory_space<vmem>> -> memref<1x128xi32, #tpu.memory_space<vmem>>
      %dma_start3A_171 = tpu.memref_squeeze %dma_start3A_170 : memref<1x128xi32, #tpu.memory_space<vmem>> -> memref<128xi32, #tpu.memory_space<vmem>>
      %dma_start3A_172 = arith.constant 0 : i32
      %dma_start3A_173 = arith.constant 0 : i32
      %dma_start3A_174 = tpu.memref_slice %arg2[%dma_start3A_172, %dma_start3A_173] : memref<10240x128xf32, #tpu.memory_space<hbm>> -> memref<10240x128xf32, #tpu.memory_space<hbm>>
      tpu.enqueue_indirect_dma source(%dma_start3A_174 : memref<10240x128xf32, #tpu.memory_space<hbm>>) target(%arg9 : memref<128x128xf32, #tpu.memory_space<vmem>>) offsets(%dma_start3A_171 : memref<128xi32, #tpu.memory_space<vmem>>) semaphore(%arg12 : memref<!tpu.dma_semaphore, #tpu.memory_space<semaphore_mem>>)
      %dma_wait3A_175 = arith.constant 5 : i32
      %dma_wait3A_176 = arith.constant 0 : i32
      %dma_wait3A_177 = tpu.memref_slice %arg7[%dma_wait3A_175, %dma_wait3A_176] : memref<40x128xi32, #tpu.memory_space<vmem>> -> memref<1x128xi32, #tpu.memory_space<vmem>>
      %dma_wait3A_178 = tpu.memref_squeeze %dma_wait3A_177 : memref<1x128xi32, #tpu.memory_space<vmem>> -> memref<128xi32, #tpu.memory_space<vmem>>
      %dma_wait3A_179 = arith.constant 0 : i32
      %dma_wait3A_180 = arith.constant 0 : i32
      %dma_wait3A_181 = tpu.memref_slice %arg2[%dma_wait3A_179, %dma_wait3A_180] : memref<10240x128xf32, #tpu.memory_space<hbm>> -> memref<10240x128xf32, #tpu.memory_space<hbm>>
      tpu.wait_indirect_dma semaphore(%arg13 : memref<!tpu.dma_semaphore, #tpu.memory_space<semaphore_mem>>) src(%dma_wait3A_181 : memref<10240x128xf32, #tpu.memory_space<hbm>>) dst(%arg10 : memref<128x128xf32, #tpu.memory_space<vmem>>)
      %dma_start3A_182 = arith.constant 5 : i32
      %dma_start3A_183 = arith.constant 0 : i32
      %dma_start3A_184 = tpu.memref_slice %arg8[%dma_start3A_182, %dma_start3A_183] : memref<40x128xi32, #tpu.memory_space<vmem>> -> memref<1x128xi32, #tpu.memory_space<vmem>>
      %dma_start3A_185 = tpu.memref_squeeze %dma_start3A_184 : memref<1x128xi32, #tpu.memory_space<vmem>> -> memref<128xi32, #tpu.memory_space<vmem>>
      %dma_start3A_186 = arith.constant 0 : i32
      %dma_start3A_187 = arith.constant 0 : i32
      %dma_start3A_188 = tpu.memref_slice %arg11[%dma_start3A_186, %dma_start3A_187] : memref<10240x128xf32, #tpu.memory_space<vmem_shared>> -> memref<10240x128xf32, #tpu.memory_space<vmem_shared>>
      tpu.enqueue_indirect_dma source(%arg10 : memref<128x128xf32, #tpu.memory_space<vmem>>) target(%dma_start3A_188 : memref<10240x128xf32, #tpu.memory_space<vmem_shared>>) offsets(%dma_start3A_185 : memref<128xi32, #tpu.memory_space<vmem>>) semaphore(%arg15 : memref<!tpu.dma_semaphore, #tpu.memory_space<semaphore_mem>>) {add = true}
      %dma_wait3A_189 = arith.constant 5 : i32
      %dma_wait3A_190 = arith.constant 0 : i32
      %dma_wait3A_191 = tpu.memref_slice %arg8[%dma_wait3A_189, %dma_wait3A_190] : memref<40x128xi32, #tpu.memory_space<vmem>> -> memref<1x128xi32, #tpu.memory_space<vmem>>
      %dma_wait3A_192 = tpu.memref_squeeze %dma_wait3A_191 : memref<1x128xi32, #tpu.memory_space<vmem>> -> memref<128xi32, #tpu.memory_space<vmem>>
      %dma_wait3A_193 = arith.constant 0 : i32
      %dma_wait3A_194 = arith.constant 0 : i32
      %dma_wait3A_195 = tpu.memref_slice %arg11[%dma_wait3A_193, %dma_wait3A_194] : memref<10240x128xf32, #tpu.memory_space<vmem_shared>> -> memref<10240x128xf32, #tpu.memory_space<vmem_shared>>
      tpu.wait_indirect_dma semaphore(%arg15 : memref<!tpu.dma_semaphore, #tpu.memory_space<semaphore_mem>>) src(%arg10 : memref<128x128xf32, #tpu.memory_space<vmem>>) dst(%dma_wait3A_195 : memref<10240x128xf32, #tpu.memory_space<vmem_shared>>)
      %dma_start3A_196 = arith.constant 7 : i32
      %dma_start3A_197 = arith.constant 0 : i32
      %dma_start3A_198 = tpu.memref_slice %arg7[%dma_start3A_196, %dma_start3A_197] : memref<40x128xi32, #tpu.memory_space<vmem>> -> memref<1x128xi32, #tpu.memory_space<vmem>>
      %dma_start3A_199 = tpu.memref_squeeze %dma_start3A_198 : memref<1x128xi32, #tpu.memory_space<vmem>> -> memref<128xi32, #tpu.memory_space<vmem>>
      %dma_start3A_200 = arith.constant 0 : i32
      %dma_start3A_201 = arith.constant 0 : i32
      %dma_start3A_202 = tpu.memref_slice %arg2[%dma_start3A_200, %dma_start3A_201] : memref<10240x128xf32, #tpu.memory_space<hbm>> -> memref<10240x128xf32, #tpu.memory_space<hbm>>
      tpu.enqueue_indirect_dma source(%dma_start3A_202 : memref<10240x128xf32, #tpu.memory_space<hbm>>) target(%arg10 : memref<128x128xf32, #tpu.memory_space<vmem>>) offsets(%dma_start3A_199 : memref<128xi32, #tpu.memory_space<vmem>>) semaphore(%arg13 : memref<!tpu.dma_semaphore, #tpu.memory_space<semaphore_mem>>)
      %dma_wait3A_203 = arith.constant 6 : i32
      %dma_wait3A_204 = arith.constant 0 : i32
      %dma_wait3A_205 = tpu.memref_slice %arg7[%dma_wait3A_203, %dma_wait3A_204] : memref<40x128xi32, #tpu.memory_space<vmem>> -> memref<1x128xi32, #tpu.memory_space<vmem>>
      %dma_wait3A_206 = tpu.memref_squeeze %dma_wait3A_205 : memref<1x128xi32, #tpu.memory_space<vmem>> -> memref<128xi32, #tpu.memory_space<vmem>>
      %dma_wait3A_207 = arith.constant 0 : i32
      %dma_wait3A_208 = arith.constant 0 : i32
      %dma_wait3A_209 = tpu.memref_slice %arg2[%dma_wait3A_207, %dma_wait3A_208] : memref<10240x128xf32, #tpu.memory_space<hbm>> -> memref<10240x128xf32, #tpu.memory_space<hbm>>
      tpu.wait_indirect_dma semaphore(%arg12 : memref<!tpu.dma_semaphore, #tpu.memory_space<semaphore_mem>>) src(%dma_wait3A_209 : memref<10240x128xf32, #tpu.memory_space<hbm>>) dst(%arg9 : memref<128x128xf32, #tpu.memory_space<vmem>>)
      %dma_start3A_210 = arith.constant 6 : i32
      %dma_start3A_211 = arith.constant 0 : i32
      %dma_start3A_212 = tpu.memref_slice %arg8[%dma_start3A_210, %dma_start3A_211] : memref<40x128xi32, #tpu.memory_space<vmem>> -> memref<1x128xi32, #tpu.memory_space<vmem>>
      %dma_start3A_213 = tpu.memref_squeeze %dma_start3A_212 : memref<1x128xi32, #tpu.memory_space<vmem>> -> memref<128xi32, #tpu.memory_space<vmem>>
      %dma_start3A_214 = arith.constant 0 : i32
      %dma_start3A_215 = arith.constant 0 : i32
      %dma_start3A_216 = tpu.memref_slice %arg11[%dma_start3A_214, %dma_start3A_215] : memref<10240x128xf32, #tpu.memory_space<vmem_shared>> -> memref<10240x128xf32, #tpu.memory_space<vmem_shared>>
      tpu.enqueue_indirect_dma source(%arg9 : memref<128x128xf32, #tpu.memory_space<vmem>>) target(%dma_start3A_216 : memref<10240x128xf32, #tpu.memory_space<vmem_shared>>) offsets(%dma_start3A_213 : memref<128xi32, #tpu.memory_space<vmem>>) semaphore(%arg14 : memref<!tpu.dma_semaphore, #tpu.memory_space<semaphore_mem>>) {add = true}
      %dma_wait3A_217 = arith.constant 6 : i32
      %dma_wait3A_218 = arith.constant 0 : i32
      %dma_wait3A_219 = tpu.memref_slice %arg8[%dma_wait3A_217, %dma_wait3A_218] : memref<40x128xi32, #tpu.memory_space<vmem>> -> memref<1x128xi32, #tpu.memory_space<vmem>>
      %dma_wait3A_220 = tpu.memref_squeeze %dma_wait3A_219 : memref<1x128xi32, #tpu.memory_space<vmem>> -> memref<128xi32, #tpu.memory_space<vmem>>
      %dma_wait3A_221 = arith.constant 0 : i32
      %dma_wait3A_222 = arith.constant 0 : i32
      %dma_wait3A_223 = tpu.memref_slice %arg11[%dma_wait3A_221, %dma_wait3A_222] : memref<10240x128xf32, #tpu.memory_space<vmem_shared>> -> memref<10240x128xf32, #tpu.memory_space<vmem_shared>>
      tpu.wait_indirect_dma semaphore(%arg14 : memref<!tpu.dma_semaphore, #tpu.memory_space<semaphore_mem>>) src(%arg9 : memref<128x128xf32, #tpu.memory_space<vmem>>) dst(%dma_wait3A_223 : memref<10240x128xf32, #tpu.memory_space<vmem_shared>>)
      %dma_start3A_224 = arith.constant 8 : i32
      %dma_start3A_225 = arith.constant 0 : i32
      %dma_start3A_226 = tpu.memref_slice %arg7[%dma_start3A_224, %dma_start3A_225] : memref<40x128xi32, #tpu.memory_space<vmem>> -> memref<1x128xi32, #tpu.memory_space<vmem>>
      %dma_start3A_227 = tpu.memref_squeeze %dma_start3A_226 : memref<1x128xi32, #tpu.memory_space<vmem>> -> memref<128xi32, #tpu.memory_space<vmem>>
      %dma_start3A_228 = arith.constant 0 : i32
      %dma_start3A_229 = arith.constant 0 : i32
      %dma_start3A_230 = tpu.memref_slice %arg2[%dma_start3A_228, %dma_start3A_229] : memref<10240x128xf32, #tpu.memory_space<hbm>> -> memref<10240x128xf32, #tpu.memory_space<hbm>>
      tpu.enqueue_indirect_dma source(%dma_start3A_230 : memref<10240x128xf32, #tpu.memory_space<hbm>>) target(%arg9 : memref<128x128xf32, #tpu.memory_space<vmem>>) offsets(%dma_start3A_227 : memref<128xi32, #tpu.memory_space<vmem>>) semaphore(%arg12 : memref<!tpu.dma_semaphore, #tpu.memory_space<semaphore_mem>>)
      %dma_wait3A_231 = arith.constant 7 : i32
      %dma_wait3A_232 = arith.constant 0 : i32
      %dma_wait3A_233 = tpu.memref_slice %arg7[%dma_wait3A_231, %dma_wait3A_232] : memref<40x128xi32, #tpu.memory_space<vmem>> -> memref<1x128xi32, #tpu.memory_space<vmem>>
      %dma_wait3A_234 = tpu.memref_squeeze %dma_wait3A_233 : memref<1x128xi32, #tpu.memory_space<vmem>> -> memref<128xi32, #tpu.memory_space<vmem>>
      %dma_wait3A_235 = arith.constant 0 : i32
      %dma_wait3A_236 = arith.constant 0 : i32
      %dma_wait3A_237 = tpu.memref_slice %arg2[%dma_wait3A_235, %dma_wait3A_236] : memref<10240x128xf32, #tpu.memory_space<hbm>> -> memref<10240x128xf32, #tpu.memory_space<hbm>>
      tpu.wait_indirect_dma semaphore(%arg13 : memref<!tpu.dma_semaphore, #tpu.memory_space<semaphore_mem>>) src(%dma_wait3A_237 : memref<10240x128xf32, #tpu.memory_space<hbm>>) dst(%arg10 : memref<128x128xf32, #tpu.memory_space<vmem>>)
      %dma_start3A_238 = arith.constant 7 : i32
      %dma_start3A_239 = arith.constant 0 : i32
      %dma_start3A_240 = tpu.memref_slice %arg8[%dma_start3A_238, %dma_start3A_239] : memref<40x128xi32, #tpu.memory_space<vmem>> -> memref<1x128xi32, #tpu.memory_space<vmem>>
      %dma_start3A_241 = tpu.memref_squeeze %dma_start3A_240 : memref<1x128xi32, #tpu.memory_space<vmem>> -> memref<128xi32, #tpu.memory_space<vmem>>
      %dma_start3A_242 = arith.constant 0 : i32
      %dma_start3A_243 = arith.constant 0 : i32
      %dma_start3A_244 = tpu.memref_slice %arg11[%dma_start3A_242, %dma_start3A_243] : memref<10240x128xf32, #tpu.memory_space<vmem_shared>> -> memref<10240x128xf32, #tpu.memory_space<vmem_shared>>
      tpu.enqueue_indirect_dma source(%arg10 : memref<128x128xf32, #tpu.memory_space<vmem>>) target(%dma_start3A_244 : memref<10240x128xf32, #tpu.memory_space<vmem_shared>>) offsets(%dma_start3A_241 : memref<128xi32, #tpu.memory_space<vmem>>) semaphore(%arg15 : memref<!tpu.dma_semaphore, #tpu.memory_space<semaphore_mem>>) {add = true}
      %dma_wait3A_245 = arith.constant 7 : i32
      %dma_wait3A_246 = arith.constant 0 : i32
      %dma_wait3A_247 = tpu.memref_slice %arg8[%dma_wait3A_245, %dma_wait3A_246] : memref<40x128xi32, #tpu.memory_space<vmem>> -> memref<1x128xi32, #tpu.memory_space<vmem>>
      %dma_wait3A_248 = tpu.memref_squeeze %dma_wait3A_247 : memref<1x128xi32, #tpu.memory_space<vmem>> -> memref<128xi32, #tpu.memory_space<vmem>>
      %dma_wait3A_249 = arith.constant 0 : i32
      %dma_wait3A_250 = arith.constant 0 : i32
      %dma_wait3A_251 = tpu.memref_slice %arg11[%dma_wait3A_249, %dma_wait3A_250] : memref<10240x128xf32, #tpu.memory_space<vmem_shared>> -> memref<10240x128xf32, #tpu.memory_space<vmem_shared>>
      tpu.wait_indirect_dma semaphore(%arg15 : memref<!tpu.dma_semaphore, #tpu.memory_space<semaphore_mem>>) src(%arg10 : memref<128x128xf32, #tpu.memory_space<vmem>>) dst(%dma_wait3A_251 : memref<10240x128xf32, #tpu.memory_space<vmem_shared>>)
      %dma_start3A_252 = arith.constant 9 : i32
      %dma_start3A_253 = arith.constant 0 : i32
      %dma_start3A_254 = tpu.memref_slice %arg7[%dma_start3A_252, %dma_start3A_253] : memref<40x128xi32, #tpu.memory_space<vmem>> -> memref<1x128xi32, #tpu.memory_space<vmem>>
      %dma_start3A_255 = tpu.memref_squeeze %dma_start3A_254 : memref<1x128xi32, #tpu.memory_space<vmem>> -> memref<128xi32, #tpu.memory_space<vmem>>
      %dma_start3A_256 = arith.constant 0 : i32
      %dma_start3A_257 = arith.constant 0 : i32
      %dma_start3A_258 = tpu.memref_slice %arg2[%dma_start3A_256, %dma_start3A_257] : memref<10240x128xf32, #tpu.memory_space<hbm>> -> memref<10240x128xf32, #tpu.memory_space<hbm>>
      tpu.enqueue_indirect_dma source(%dma_start3A_258 : memref<10240x128xf32, #tpu.memory_space<hbm>>) target(%arg10 : memref<128x128xf32, #tpu.memory_space<vmem>>) offsets(%dma_start3A_255 : memref<128xi32, #tpu.memory_space<vmem>>) semaphore(%arg13 : memref<!tpu.dma_semaphore, #tpu.memory_space<semaphore_mem>>)
      %dma_wait3A_259 = arith.constant 8 : i32
      %dma_wait3A_260 = arith.constant 0 : i32
      %dma_wait3A_261 = tpu.memref_slice %arg7[%dma_wait3A_259, %dma_wait3A_260] : memref<40x128xi32, #tpu.memory_space<vmem>> -> memref<1x128xi32, #tpu.memory_space<vmem>>
      %dma_wait3A_262 = tpu.memref_squeeze %dma_wait3A_261 : memref<1x128xi32, #tpu.memory_space<vmem>> -> memref<128xi32, #tpu.memory_space<vmem>>
      %dma_wait3A_263 = arith.constant 0 : i32
      %dma_wait3A_264 = arith.constant 0 : i32
      %dma_wait3A_265 = tpu.memref_slice %arg2[%dma_wait3A_263, %dma_wait3A_264] : memref<10240x128xf32, #tpu.memory_space<hbm>> -> memref<10240x128xf32, #tpu.memory_space<hbm>>
      tpu.wait_indirect_dma semaphore(%arg12 : memref<!tpu.dma_semaphore, #tpu.memory_space<semaphore_mem>>) src(%dma_wait3A_265 : memref<10240x128xf32, #tpu.memory_space<hbm>>) dst(%arg9 : memref<128x128xf32, #tpu.memory_space<vmem>>)
      %dma_start3A_266 = arith.constant 8 : i32
      %dma_start3A_267 = arith.constant 0 : i32
      %dma_start3A_268 = tpu.memref_slice %arg8[%dma_start3A_266, %dma_start3A_267] : memref<40x128xi32, #tpu.memory_space<vmem>> -> memref<1x128xi32, #tpu.memory_space<vmem>>
      %dma_start3A_269 = tpu.memref_squeeze %dma_start3A_268 : memref<1x128xi32, #tpu.memory_space<vmem>> -> memref<128xi32, #tpu.memory_space<vmem>>
      %dma_start3A_270 = arith.constant 0 : i32
      %dma_start3A_271 = arith.constant 0 : i32
      %dma_start3A_272 = tpu.memref_slice %arg11[%dma_start3A_270, %dma_start3A_271] : memref<10240x128xf32, #tpu.memory_space<vmem_shared>> -> memref<10240x128xf32, #tpu.memory_space<vmem_shared>>
      tpu.enqueue_indirect_dma source(%arg9 : memref<128x128xf32, #tpu.memory_space<vmem>>) target(%dma_start3A_272 : memref<10240x128xf32, #tpu.memory_space<vmem_shared>>) offsets(%dma_start3A_269 : memref<128xi32, #tpu.memory_space<vmem>>) semaphore(%arg14 : memref<!tpu.dma_semaphore, #tpu.memory_space<semaphore_mem>>) {add = true}
      %dma_wait3A_273 = arith.constant 8 : i32
      %dma_wait3A_274 = arith.constant 0 : i32
      %dma_wait3A_275 = tpu.memref_slice %arg8[%dma_wait3A_273, %dma_wait3A_274] : memref<40x128xi32, #tpu.memory_space<vmem>> -> memref<1x128xi32, #tpu.memory_space<vmem>>
      %dma_wait3A_276 = tpu.memref_squeeze %dma_wait3A_275 : memref<1x128xi32, #tpu.memory_space<vmem>> -> memref<128xi32, #tpu.memory_space<vmem>>
      %dma_wait3A_277 = arith.constant 0 : i32
      %dma_wait3A_278 = arith.constant 0 : i32
      %dma_wait3A_279 = tpu.memref_slice %arg11[%dma_wait3A_277, %dma_wait3A_278] : memref<10240x128xf32, #tpu.memory_space<vmem_shared>> -> memref<10240x128xf32, #tpu.memory_space<vmem_shared>>
      tpu.wait_indirect_dma semaphore(%arg14 : memref<!tpu.dma_semaphore, #tpu.memory_space<semaphore_mem>>) src(%arg9 : memref<128x128xf32, #tpu.memory_space<vmem>>) dst(%dma_wait3A_279 : memref<10240x128xf32, #tpu.memory_space<vmem_shared>>)
      %dma_start3A_280 = arith.constant 10 : i32
      %dma_start3A_281 = arith.constant 0 : i32
      %dma_start3A_282 = tpu.memref_slice %arg7[%dma_start3A_280, %dma_start3A_281] : memref<40x128xi32, #tpu.memory_space<vmem>> -> memref<1x128xi32, #tpu.memory_space<vmem>>
      %dma_start3A_283 = tpu.memref_squeeze %dma_start3A_282 : memref<1x128xi32, #tpu.memory_space<vmem>> -> memref<128xi32, #tpu.memory_space<vmem>>
      %dma_start3A_284 = arith.constant 0 : i32
      %dma_start3A_285 = arith.constant 0 : i32
      %dma_start3A_286 = tpu.memref_slice %arg2[%dma_start3A_284, %dma_start3A_285] : memref<10240x128xf32, #tpu.memory_space<hbm>> -> memref<10240x128xf32, #tpu.memory_space<hbm>>
      tpu.enqueue_indirect_dma source(%dma_start3A_286 : memref<10240x128xf32, #tpu.memory_space<hbm>>) target(%arg9 : memref<128x128xf32, #tpu.memory_space<vmem>>) offsets(%dma_start3A_283 : memref<128xi32, #tpu.memory_space<vmem>>) semaphore(%arg12 : memref<!tpu.dma_semaphore, #tpu.memory_space<semaphore_mem>>)
      %dma_wait3A_287 = arith.constant 9 : i32
      %dma_wait3A_288 = arith.constant 0 : i32
      %dma_wait3A_289 = tpu.memref_slice %arg7[%dma_wait3A_287, %dma_wait3A_288] : memref<40x128xi32, #tpu.memory_space<vmem>> -> memref<1x128xi32, #tpu.memory_space<vmem>>
      %dma_wait3A_290 = tpu.memref_squeeze %dma_wait3A_289 : memref<1x128xi32, #tpu.memory_space<vmem>> -> memref<128xi32, #tpu.memory_space<vmem>>
      %dma_wait3A_291 = arith.constant 0 : i32
      %dma_wait3A_292 = arith.constant 0 : i32
      %dma_wait3A_293 = tpu.memref_slice %arg2[%dma_wait3A_291, %dma_wait3A_292] : memref<10240x128xf32, #tpu.memory_space<hbm>> -> memref<10240x128xf32, #tpu.memory_space<hbm>>
      tpu.wait_indirect_dma semaphore(%arg13 : memref<!tpu.dma_semaphore, #tpu.memory_space<semaphore_mem>>) src(%dma_wait3A_293 : memref<10240x128xf32, #tpu.memory_space<hbm>>) dst(%arg10 : memref<128x128xf32, #tpu.memory_space<vmem>>)
      %dma_start3A_294 = arith.constant 9 : i32
      %dma_start3A_295 = arith.constant 0 : i32
      %dma_start3A_296 = tpu.memref_slice %arg8[%dma_start3A_294, %dma_start3A_295] : memref<40x128xi32, #tpu.memory_space<vmem>> -> memref<1x128xi32, #tpu.memory_space<vmem>>
      %dma_start3A_297 = tpu.memref_squeeze %dma_start3A_296 : memref<1x128xi32, #tpu.memory_space<vmem>> -> memref<128xi32, #tpu.memory_space<vmem>>
      %dma_start3A_298 = arith.constant 0 : i32
      %dma_start3A_299 = arith.constant 0 : i32
      %dma_start3A_300 = tpu.memref_slice %arg11[%dma_start3A_298, %dma_start3A_299] : memref<10240x128xf32, #tpu.memory_space<vmem_shared>> -> memref<10240x128xf32, #tpu.memory_space<vmem_shared>>
      tpu.enqueue_indirect_dma source(%arg10 : memref<128x128xf32, #tpu.memory_space<vmem>>) target(%dma_start3A_300 : memref<10240x128xf32, #tpu.memory_space<vmem_shared>>) offsets(%dma_start3A_297 : memref<128xi32, #tpu.memory_space<vmem>>) semaphore(%arg15 : memref<!tpu.dma_semaphore, #tpu.memory_space<semaphore_mem>>) {add = true}
      %dma_wait3A_301 = arith.constant 9 : i32
      %dma_wait3A_302 = arith.constant 0 : i32
      %dma_wait3A_303 = tpu.memref_slice %arg8[%dma_wait3A_301, %dma_wait3A_302] : memref<40x128xi32, #tpu.memory_space<vmem>> -> memref<1x128xi32, #tpu.memory_space<vmem>>
      %dma_wait3A_304 = tpu.memref_squeeze %dma_wait3A_303 : memref<1x128xi32, #tpu.memory_space<vmem>> -> memref<128xi32, #tpu.memory_space<vmem>>
      %dma_wait3A_305 = arith.constant 0 : i32
      %dma_wait3A_306 = arith.constant 0 : i32
      %dma_wait3A_307 = tpu.memref_slice %arg11[%dma_wait3A_305, %dma_wait3A_306] : memref<10240x128xf32, #tpu.memory_space<vmem_shared>> -> memref<10240x128xf32, #tpu.memory_space<vmem_shared>>
      tpu.wait_indirect_dma semaphore(%arg15 : memref<!tpu.dma_semaphore, #tpu.memory_space<semaphore_mem>>) src(%arg10 : memref<128x128xf32, #tpu.memory_space<vmem>>) dst(%dma_wait3A_307 : memref<10240x128xf32, #tpu.memory_space<vmem_shared>>)
      %dma_start3A_308 = arith.constant 11 : i32
      %dma_start3A_309 = arith.constant 0 : i32
      %dma_start3A_310 = tpu.memref_slice %arg7[%dma_start3A_308, %dma_start3A_309] : memref<40x128xi32, #tpu.memory_space<vmem>> -> memref<1x128xi32, #tpu.memory_space<vmem>>
      %dma_start3A_311 = tpu.memref_squeeze %dma_start3A_310 : memref<1x128xi32, #tpu.memory_space<vmem>> -> memref<128xi32, #tpu.memory_space<vmem>>
      %dma_start3A_312 = arith.constant 0 : i32
      %dma_start3A_313 = arith.constant 0 : i32
      %dma_start3A_314 = tpu.memref_slice %arg2[%dma_start3A_312, %dma_start3A_313] : memref<10240x128xf32, #tpu.memory_space<hbm>> -> memref<10240x128xf32, #tpu.memory_space<hbm>>
      tpu.enqueue_indirect_dma source(%dma_start3A_314 : memref<10240x128xf32, #tpu.memory_space<hbm>>) target(%arg10 : memref<128x128xf32, #tpu.memory_space<vmem>>) offsets(%dma_start3A_311 : memref<128xi32, #tpu.memory_space<vmem>>) semaphore(%arg13 : memref<!tpu.dma_semaphore, #tpu.memory_space<semaphore_mem>>)
      %dma_wait3A_315 = arith.constant 10 : i32
      %dma_wait3A_316 = arith.constant 0 : i32
      %dma_wait3A_317 = tpu.memref_slice %arg7[%dma_wait3A_315, %dma_wait3A_316] : memref<40x128xi32, #tpu.memory_space<vmem>> -> memref<1x128xi32, #tpu.memory_space<vmem>>
      %dma_wait3A_318 = tpu.memref_squeeze %dma_wait3A_317 : memref<1x128xi32, #tpu.memory_space<vmem>> -> memref<128xi32, #tpu.memory_space<vmem>>
      %dma_wait3A_319 = arith.constant 0 : i32
      %dma_wait3A_320 = arith.constant 0 : i32
      %dma_wait3A_321 = tpu.memref_slice %arg2[%dma_wait3A_319, %dma_wait3A_320] : memref<10240x128xf32, #tpu.memory_space<hbm>> -> memref<10240x128xf32, #tpu.memory_space<hbm>>
      tpu.wait_indirect_dma semaphore(%arg12 : memref<!tpu.dma_semaphore, #tpu.memory_space<semaphore_mem>>) src(%dma_wait3A_321 : memref<10240x128xf32, #tpu.memory_space<hbm>>) dst(%arg9 : memref<128x128xf32, #tpu.memory_space<vmem>>)
      %dma_start3A_322 = arith.constant 10 : i32
      %dma_start3A_323 = arith.constant 0 : i32
      %dma_start3A_324 = tpu.memref_slice %arg8[%dma_start3A_322, %dma_start3A_323] : memref<40x128xi32, #tpu.memory_space<vmem>> -> memref<1x128xi32, #tpu.memory_space<vmem>>
      %dma_start3A_325 = tpu.memref_squeeze %dma_start3A_324 : memref<1x128xi32, #tpu.memory_space<vmem>> -> memref<128xi32, #tpu.memory_space<vmem>>
      %dma_start3A_326 = arith.constant 0 : i32
      %dma_start3A_327 = arith.constant 0 : i32
      %dma_start3A_328 = tpu.memref_slice %arg11[%dma_start3A_326, %dma_start3A_327] : memref<10240x128xf32, #tpu.memory_space<vmem_shared>> -> memref<10240x128xf32, #tpu.memory_space<vmem_shared>>
      tpu.enqueue_indirect_dma source(%arg9 : memref<128x128xf32, #tpu.memory_space<vmem>>) target(%dma_start3A_328 : memref<10240x128xf32, #tpu.memory_space<vmem_shared>>) offsets(%dma_start3A_325 : memref<128xi32, #tpu.memory_space<vmem>>) semaphore(%arg14 : memref<!tpu.dma_semaphore, #tpu.memory_space<semaphore_mem>>) {add = true}
      %dma_wait3A_329 = arith.constant 10 : i32
      %dma_wait3A_330 = arith.constant 0 : i32
      %dma_wait3A_331 = tpu.memref_slice %arg8[%dma_wait3A_329, %dma_wait3A_330] : memref<40x128xi32, #tpu.memory_space<vmem>> -> memref<1x128xi32, #tpu.memory_space<vmem>>
      %dma_wait3A_332 = tpu.memref_squeeze %dma_wait3A_331 : memref<1x128xi32, #tpu.memory_space<vmem>> -> memref<128xi32, #tpu.memory_space<vmem>>
      %dma_wait3A_333 = arith.constant 0 : i32
      %dma_wait3A_334 = arith.constant 0 : i32
      %dma_wait3A_335 = tpu.memref_slice %arg11[%dma_wait3A_333, %dma_wait3A_334] : memref<10240x128xf32, #tpu.memory_space<vmem_shared>> -> memref<10240x128xf32, #tpu.memory_space<vmem_shared>>
      tpu.wait_indirect_dma semaphore(%arg14 : memref<!tpu.dma_semaphore, #tpu.memory_space<semaphore_mem>>) src(%arg9 : memref<128x128xf32, #tpu.memory_space<vmem>>) dst(%dma_wait3A_335 : memref<10240x128xf32, #tpu.memory_space<vmem_shared>>)
      %dma_start3A_336 = arith.constant 12 : i32
      %dma_start3A_337 = arith.constant 0 : i32
      %dma_start3A_338 = tpu.memref_slice %arg7[%dma_start3A_336, %dma_start3A_337] : memref<40x128xi32, #tpu.memory_space<vmem>> -> memref<1x128xi32, #tpu.memory_space<vmem>>
      %dma_start3A_339 = tpu.memref_squeeze %dma_start3A_338 : memref<1x128xi32, #tpu.memory_space<vmem>> -> memref<128xi32, #tpu.memory_space<vmem>>
      %dma_start3A_340 = arith.constant 0 : i32
      %dma_start3A_341 = arith.constant 0 : i32
      %dma_start3A_342 = tpu.memref_slice %arg2[%dma_start3A_340, %dma_start3A_341] : memref<10240x128xf32, #tpu.memory_space<hbm>> -> memref<10240x128xf32, #tpu.memory_space<hbm>>
      tpu.enqueue_indirect_dma source(%dma_start3A_342 : memref<10240x128xf32, #tpu.memory_space<hbm>>) target(%arg9 : memref<128x128xf32, #tpu.memory_space<vmem>>) offsets(%dma_start3A_339 : memref<128xi32, #tpu.memory_space<vmem>>) semaphore(%arg12 : memref<!tpu.dma_semaphore, #tpu.memory_space<semaphore_mem>>)
      %dma_wait3A_343 = arith.constant 11 : i32
      %dma_wait3A_344 = arith.constant 0 : i32
      %dma_wait3A_345 = tpu.memref_slice %arg7[%dma_wait3A_343, %dma_wait3A_344] : memref<40x128xi32, #tpu.memory_space<vmem>> -> memref<1x128xi32, #tpu.memory_space<vmem>>
      %dma_wait3A_346 = tpu.memref_squeeze %dma_wait3A_345 : memref<1x128xi32, #tpu.memory_space<vmem>> -> memref<128xi32, #tpu.memory_space<vmem>>
      %dma_wait3A_347 = arith.constant 0 : i32
      %dma_wait3A_348 = arith.constant 0 : i32
      %dma_wait3A_349 = tpu.memref_slice %arg2[%dma_wait3A_347, %dma_wait3A_348] : memref<10240x128xf32, #tpu.memory_space<hbm>> -> memref<10240x128xf32, #tpu.memory_space<hbm>>
      tpu.wait_indirect_dma semaphore(%arg13 : memref<!tpu.dma_semaphore, #tpu.memory_space<semaphore_mem>>) src(%dma_wait3A_349 : memref<10240x128xf32, #tpu.memory_space<hbm>>) dst(%arg10 : memref<128x128xf32, #tpu.memory_space<vmem>>)
      %dma_start3A_350 = arith.constant 11 : i32
      %dma_start3A_351 = arith.constant 0 : i32
      %dma_start3A_352 = tpu.memref_slice %arg8[%dma_start3A_350, %dma_start3A_351] : memref<40x128xi32, #tpu.memory_space<vmem>> -> memref<1x128xi32, #tpu.memory_space<vmem>>
      %dma_start3A_353 = tpu.memref_squeeze %dma_start3A_352 : memref<1x128xi32, #tpu.memory_space<vmem>> -> memref<128xi32, #tpu.memory_space<vmem>>
      %dma_start3A_354 = arith.constant 0 : i32
      %dma_start3A_355 = arith.constant 0 : i32
      %dma_start3A_356 = tpu.memref_slice %arg11[%dma_start3A_354, %dma_start3A_355] : memref<10240x128xf32, #tpu.memory_space<vmem_shared>> -> memref<10240x128xf32, #tpu.memory_space<vmem_shared>>
      tpu.enqueue_indirect_dma source(%arg10 : memref<128x128xf32, #tpu.memory_space<vmem>>) target(%dma_start3A_356 : memref<10240x128xf32, #tpu.memory_space<vmem_shared>>) offsets(%dma_start3A_353 : memref<128xi32, #tpu.memory_space<vmem>>) semaphore(%arg15 : memref<!tpu.dma_semaphore, #tpu.memory_space<semaphore_mem>>) {add = true}
      %dma_wait3A_357 = arith.constant 11 : i32
      %dma_wait3A_358 = arith.constant 0 : i32
      %dma_wait3A_359 = tpu.memref_slice %arg8[%dma_wait3A_357, %dma_wait3A_358] : memref<40x128xi32, #tpu.memory_space<vmem>> -> memref<1x128xi32, #tpu.memory_space<vmem>>
      %dma_wait3A_360 = tpu.memref_squeeze %dma_wait3A_359 : memref<1x128xi32, #tpu.memory_space<vmem>> -> memref<128xi32, #tpu.memory_space<vmem>>
      %dma_wait3A_361 = arith.constant 0 : i32
      %dma_wait3A_362 = arith.constant 0 : i32
      %dma_wait3A_363 = tpu.memref_slice %arg11[%dma_wait3A_361, %dma_wait3A_362] : memref<10240x128xf32, #tpu.memory_space<vmem_shared>> -> memref<10240x128xf32, #tpu.memory_space<vmem_shared>>
      tpu.wait_indirect_dma semaphore(%arg15 : memref<!tpu.dma_semaphore, #tpu.memory_space<semaphore_mem>>) src(%arg10 : memref<128x128xf32, #tpu.memory_space<vmem>>) dst(%dma_wait3A_363 : memref<10240x128xf32, #tpu.memory_space<vmem_shared>>)
      %dma_start3A_364 = arith.constant 13 : i32
      %dma_start3A_365 = arith.constant 0 : i32
      %dma_start3A_366 = tpu.memref_slice %arg7[%dma_start3A_364, %dma_start3A_365] : memref<40x128xi32, #tpu.memory_space<vmem>> -> memref<1x128xi32, #tpu.memory_space<vmem>>
      %dma_start3A_367 = tpu.memref_squeeze %dma_start3A_366 : memref<1x128xi32, #tpu.memory_space<vmem>> -> memref<128xi32, #tpu.memory_space<vmem>>
      %dma_start3A_368 = arith.constant 0 : i32
      %dma_start3A_369 = arith.constant 0 : i32
      %dma_start3A_370 = tpu.memref_slice %arg2[%dma_start3A_368, %dma_start3A_369] : memref<10240x128xf32, #tpu.memory_space<hbm>> -> memref<10240x128xf32, #tpu.memory_space<hbm>>
      tpu.enqueue_indirect_dma source(%dma_start3A_370 : memref<10240x128xf32, #tpu.memory_space<hbm>>) target(%arg10 : memref<128x128xf32, #tpu.memory_space<vmem>>) offsets(%dma_start3A_367 : memref<128xi32, #tpu.memory_space<vmem>>) semaphore(%arg13 : memref<!tpu.dma_semaphore, #tpu.memory_space<semaphore_mem>>)
      %dma_wait3A_371 = arith.constant 12 : i32
      %dma_wait3A_372 = arith.constant 0 : i32
      %dma_wait3A_373 = tpu.memref_slice %arg7[%dma_wait3A_371, %dma_wait3A_372] : memref<40x128xi32, #tpu.memory_space<vmem>> -> memref<1x128xi32, #tpu.memory_space<vmem>>
      %dma_wait3A_374 = tpu.memref_squeeze %dma_wait3A_373 : memref<1x128xi32, #tpu.memory_space<vmem>> -> memref<128xi32, #tpu.memory_space<vmem>>
      %dma_wait3A_375 = arith.constant 0 : i32
      %dma_wait3A_376 = arith.constant 0 : i32
      %dma_wait3A_377 = tpu.memref_slice %arg2[%dma_wait3A_375, %dma_wait3A_376] : memref<10240x128xf32, #tpu.memory_space<hbm>> -> memref<10240x128xf32, #tpu.memory_space<hbm>>
      tpu.wait_indirect_dma semaphore(%arg12 : memref<!tpu.dma_semaphore, #tpu.memory_space<semaphore_mem>>) src(%dma_wait3A_377 : memref<10240x128xf32, #tpu.memory_space<hbm>>) dst(%arg9 : memref<128x128xf32, #tpu.memory_space<vmem>>)
      %dma_start3A_378 = arith.constant 12 : i32
      %dma_start3A_379 = arith.constant 0 : i32
      %dma_start3A_380 = tpu.memref_slice %arg8[%dma_start3A_378, %dma_start3A_379] : memref<40x128xi32, #tpu.memory_space<vmem>> -> memref<1x128xi32, #tpu.memory_space<vmem>>
      %dma_start3A_381 = tpu.memref_squeeze %dma_start3A_380 : memref<1x128xi32, #tpu.memory_space<vmem>> -> memref<128xi32, #tpu.memory_space<vmem>>
      %dma_start3A_382 = arith.constant 0 : i32
      %dma_start3A_383 = arith.constant 0 : i32
      %dma_start3A_384 = tpu.memref_slice %arg11[%dma_start3A_382, %dma_start3A_383] : memref<10240x128xf32, #tpu.memory_space<vmem_shared>> -> memref<10240x128xf32, #tpu.memory_space<vmem_shared>>
      tpu.enqueue_indirect_dma source(%arg9 : memref<128x128xf32, #tpu.memory_space<vmem>>) target(%dma_start3A_384 : memref<10240x128xf32, #tpu.memory_space<vmem_shared>>) offsets(%dma_start3A_381 : memref<128xi32, #tpu.memory_space<vmem>>) semaphore(%arg14 : memref<!tpu.dma_semaphore, #tpu.memory_space<semaphore_mem>>) {add = true}
      %dma_wait3A_385 = arith.constant 12 : i32
      %dma_wait3A_386 = arith.constant 0 : i32
      %dma_wait3A_387 = tpu.memref_slice %arg8[%dma_wait3A_385, %dma_wait3A_386] : memref<40x128xi32, #tpu.memory_space<vmem>> -> memref<1x128xi32, #tpu.memory_space<vmem>>
      %dma_wait3A_388 = tpu.memref_squeeze %dma_wait3A_387 : memref<1x128xi32, #tpu.memory_space<vmem>> -> memref<128xi32, #tpu.memory_space<vmem>>
      %dma_wait3A_389 = arith.constant 0 : i32
      %dma_wait3A_390 = arith.constant 0 : i32
      %dma_wait3A_391 = tpu.memref_slice %arg11[%dma_wait3A_389, %dma_wait3A_390] : memref<10240x128xf32, #tpu.memory_space<vmem_shared>> -> memref<10240x128xf32, #tpu.memory_space<vmem_shared>>
      tpu.wait_indirect_dma semaphore(%arg14 : memref<!tpu.dma_semaphore, #tpu.memory_space<semaphore_mem>>) src(%arg9 : memref<128x128xf32, #tpu.memory_space<vmem>>) dst(%dma_wait3A_391 : memref<10240x128xf32, #tpu.memory_space<vmem_shared>>)
      %dma_start3A_392 = arith.constant 14 : i32
      %dma_start3A_393 = arith.constant 0 : i32
      %dma_start3A_394 = tpu.memref_slice %arg7[%dma_start3A_392, %dma_start3A_393] : memref<40x128xi32, #tpu.memory_space<vmem>> -> memref<1x128xi32, #tpu.memory_space<vmem>>
      %dma_start3A_395 = tpu.memref_squeeze %dma_start3A_394 : memref<1x128xi32, #tpu.memory_space<vmem>> -> memref<128xi32, #tpu.memory_space<vmem>>
      %dma_start3A_396 = arith.constant 0 : i32
      %dma_start3A_397 = arith.constant 0 : i32
      %dma_start3A_398 = tpu.memref_slice %arg2[%dma_start3A_396, %dma_start3A_397] : memref<10240x128xf32, #tpu.memory_space<hbm>> -> memref<10240x128xf32, #tpu.memory_space<hbm>>
      tpu.enqueue_indirect_dma source(%dma_start3A_398 : memref<10240x128xf32, #tpu.memory_space<hbm>>) target(%arg9 : memref<128x128xf32, #tpu.memory_space<vmem>>) offsets(%dma_start3A_395 : memref<128xi32, #tpu.memory_space<vmem>>) semaphore(%arg12 : memref<!tpu.dma_semaphore, #tpu.memory_space<semaphore_mem>>)
      %dma_wait3A_399 = arith.constant 13 : i32
      %dma_wait3A_400 = arith.constant 0 : i32
      %dma_wait3A_401 = tpu.memref_slice %arg7[%dma_wait3A_399, %dma_wait3A_400] : memref<40x128xi32, #tpu.memory_space<vmem>> -> memref<1x128xi32, #tpu.memory_space<vmem>>
      %dma_wait3A_402 = tpu.memref_squeeze %dma_wait3A_401 : memref<1x128xi32, #tpu.memory_space<vmem>> -> memref<128xi32, #tpu.memory_space<vmem>>
      %dma_wait3A_403 = arith.constant 0 : i32
      %dma_wait3A_404 = arith.constant 0 : i32
      %dma_wait3A_405 = tpu.memref_slice %arg2[%dma_wait3A_403, %dma_wait3A_404] : memref<10240x128xf32, #tpu.memory_space<hbm>> -> memref<10240x128xf32, #tpu.memory_space<hbm>>
      tpu.wait_indirect_dma semaphore(%arg13 : memref<!tpu.dma_semaphore, #tpu.memory_space<semaphore_mem>>) src(%dma_wait3A_405 : memref<10240x128xf32, #tpu.memory_space<hbm>>) dst(%arg10 : memref<128x128xf32, #tpu.memory_space<vmem>>)
      %dma_start3A_406 = arith.constant 13 : i32
      %dma_start3A_407 = arith.constant 0 : i32
      %dma_start3A_408 = tpu.memref_slice %arg8[%dma_start3A_406, %dma_start3A_407] : memref<40x128xi32, #tpu.memory_space<vmem>> -> memref<1x128xi32, #tpu.memory_space<vmem>>
      %dma_start3A_409 = tpu.memref_squeeze %dma_start3A_408 : memref<1x128xi32, #tpu.memory_space<vmem>> -> memref<128xi32, #tpu.memory_space<vmem>>
      %dma_start3A_410 = arith.constant 0 : i32
      %dma_start3A_411 = arith.constant 0 : i32
      %dma_start3A_412 = tpu.memref_slice %arg11[%dma_start3A_410, %dma_start3A_411] : memref<10240x128xf32, #tpu.memory_space<vmem_shared>> -> memref<10240x128xf32, #tpu.memory_space<vmem_shared>>
      tpu.enqueue_indirect_dma source(%arg10 : memref<128x128xf32, #tpu.memory_space<vmem>>) target(%dma_start3A_412 : memref<10240x128xf32, #tpu.memory_space<vmem_shared>>) offsets(%dma_start3A_409 : memref<128xi32, #tpu.memory_space<vmem>>) semaphore(%arg15 : memref<!tpu.dma_semaphore, #tpu.memory_space<semaphore_mem>>) {add = true}
      %dma_wait3A_413 = arith.constant 13 : i32
      %dma_wait3A_414 = arith.constant 0 : i32
      %dma_wait3A_415 = tpu.memref_slice %arg8[%dma_wait3A_413, %dma_wait3A_414] : memref<40x128xi32, #tpu.memory_space<vmem>> -> memref<1x128xi32, #tpu.memory_space<vmem>>
      %dma_wait3A_416 = tpu.memref_squeeze %dma_wait3A_415 : memref<1x128xi32, #tpu.memory_space<vmem>> -> memref<128xi32, #tpu.memory_space<vmem>>
      %dma_wait3A_417 = arith.constant 0 : i32
      %dma_wait3A_418 = arith.constant 0 : i32
      %dma_wait3A_419 = tpu.memref_slice %arg11[%dma_wait3A_417, %dma_wait3A_418] : memref<10240x128xf32, #tpu.memory_space<vmem_shared>> -> memref<10240x128xf32, #tpu.memory_space<vmem_shared>>
      tpu.wait_indirect_dma semaphore(%arg15 : memref<!tpu.dma_semaphore, #tpu.memory_space<semaphore_mem>>) src(%arg10 : memref<128x128xf32, #tpu.memory_space<vmem>>) dst(%dma_wait3A_419 : memref<10240x128xf32, #tpu.memory_space<vmem_shared>>)
      %dma_start3A_420 = arith.constant 15 : i32
      %dma_start3A_421 = arith.constant 0 : i32
      %dma_start3A_422 = tpu.memref_slice %arg7[%dma_start3A_420, %dma_start3A_421] : memref<40x128xi32, #tpu.memory_space<vmem>> -> memref<1x128xi32, #tpu.memory_space<vmem>>
      %dma_start3A_423 = tpu.memref_squeeze %dma_start3A_422 : memref<1x128xi32, #tpu.memory_space<vmem>> -> memref<128xi32, #tpu.memory_space<vmem>>
      %dma_start3A_424 = arith.constant 0 : i32
      %dma_start3A_425 = arith.constant 0 : i32
      %dma_start3A_426 = tpu.memref_slice %arg2[%dma_start3A_424, %dma_start3A_425] : memref<10240x128xf32, #tpu.memory_space<hbm>> -> memref<10240x128xf32, #tpu.memory_space<hbm>>
      tpu.enqueue_indirect_dma source(%dma_start3A_426 : memref<10240x128xf32, #tpu.memory_space<hbm>>) target(%arg10 : memref<128x128xf32, #tpu.memory_space<vmem>>) offsets(%dma_start3A_423 : memref<128xi32, #tpu.memory_space<vmem>>) semaphore(%arg13 : memref<!tpu.dma_semaphore, #tpu.memory_space<semaphore_mem>>)
      %dma_wait3A_427 = arith.constant 14 : i32
      %dma_wait3A_428 = arith.constant 0 : i32
      %dma_wait3A_429 = tpu.memref_slice %arg7[%dma_wait3A_427, %dma_wait3A_428] : memref<40x128xi32, #tpu.memory_space<vmem>> -> memref<1x128xi32, #tpu.memory_space<vmem>>
      %dma_wait3A_430 = tpu.memref_squeeze %dma_wait3A_429 : memref<1x128xi32, #tpu.memory_space<vmem>> -> memref<128xi32, #tpu.memory_space<vmem>>
      %dma_wait3A_431 = arith.constant 0 : i32
      %dma_wait3A_432 = arith.constant 0 : i32
      %dma_wait3A_433 = tpu.memref_slice %arg2[%dma_wait3A_431, %dma_wait3A_432] : memref<10240x128xf32, #tpu.memory_space<hbm>> -> memref<10240x128xf32, #tpu.memory_space<hbm>>
      tpu.wait_indirect_dma semaphore(%arg12 : memref<!tpu.dma_semaphore, #tpu.memory_space<semaphore_mem>>) src(%dma_wait3A_433 : memref<10240x128xf32, #tpu.memory_space<hbm>>) dst(%arg9 : memref<128x128xf32, #tpu.memory_space<vmem>>)
      %dma_start3A_434 = arith.constant 14 : i32
      %dma_start3A_435 = arith.constant 0 : i32
      %dma_start3A_436 = tpu.memref_slice %arg8[%dma_start3A_434, %dma_start3A_435] : memref<40x128xi32, #tpu.memory_space<vmem>> -> memref<1x128xi32, #tpu.memory_space<vmem>>
      %dma_start3A_437 = tpu.memref_squeeze %dma_start3A_436 : memref<1x128xi32, #tpu.memory_space<vmem>> -> memref<128xi32, #tpu.memory_space<vmem>>
      %dma_start3A_438 = arith.constant 0 : i32
      %dma_start3A_439 = arith.constant 0 : i32
      %dma_start3A_440 = tpu.memref_slice %arg11[%dma_start3A_438, %dma_start3A_439] : memref<10240x128xf32, #tpu.memory_space<vmem_shared>> -> memref<10240x128xf32, #tpu.memory_space<vmem_shared>>
      tpu.enqueue_indirect_dma source(%arg9 : memref<128x128xf32, #tpu.memory_space<vmem>>) target(%dma_start3A_440 : memref<10240x128xf32, #tpu.memory_space<vmem_shared>>) offsets(%dma_start3A_437 : memref<128xi32, #tpu.memory_space<vmem>>) semaphore(%arg14 : memref<!tpu.dma_semaphore, #tpu.memory_space<semaphore_mem>>) {add = true}
      %dma_wait3A_441 = arith.constant 14 : i32
      %dma_wait3A_442 = arith.constant 0 : i32
      %dma_wait3A_443 = tpu.memref_slice %arg8[%dma_wait3A_441, %dma_wait3A_442] : memref<40x128xi32, #tpu.memory_space<vmem>> -> memref<1x128xi32, #tpu.memory_space<vmem>>
      %dma_wait3A_444 = tpu.memref_squeeze %dma_wait3A_443 : memref<1x128xi32, #tpu.memory_space<vmem>> -> memref<128xi32, #tpu.memory_space<vmem>>
      %dma_wait3A_445 = arith.constant 0 : i32
      %dma_wait3A_446 = arith.constant 0 : i32
      %dma_wait3A_447 = tpu.memref_slice %arg11[%dma_wait3A_445, %dma_wait3A_446] : memref<10240x128xf32, #tpu.memory_space<vmem_shared>> -> memref<10240x128xf32, #tpu.memory_space<vmem_shared>>
      tpu.wait_indirect_dma semaphore(%arg14 : memref<!tpu.dma_semaphore, #tpu.memory_space<semaphore_mem>>) src(%arg9 : memref<128x128xf32, #tpu.memory_space<vmem>>) dst(%dma_wait3A_447 : memref<10240x128xf32, #tpu.memory_space<vmem_shared>>)
      %dma_start3A_448 = arith.constant 16 : i32
      %dma_start3A_449 = arith.constant 0 : i32
      %dma_start3A_450 = tpu.memref_slice %arg7[%dma_start3A_448, %dma_start3A_449] : memref<40x128xi32, #tpu.memory_space<vmem>> -> memref<1x128xi32, #tpu.memory_space<vmem>>
      %dma_start3A_451 = tpu.memref_squeeze %dma_start3A_450 : memref<1x128xi32, #tpu.memory_space<vmem>> -> memref<128xi32, #tpu.memory_space<vmem>>
      %dma_start3A_452 = arith.constant 0 : i32
      %dma_start3A_453 = arith.constant 0 : i32
      %dma_start3A_454 = tpu.memref_slice %arg2[%dma_start3A_452, %dma_start3A_453] : memref<10240x128xf32, #tpu.memory_space<hbm>> -> memref<10240x128xf32, #tpu.memory_space<hbm>>
      tpu.enqueue_indirect_dma source(%dma_start3A_454 : memref<10240x128xf32, #tpu.memory_space<hbm>>) target(%arg9 : memref<128x128xf32, #tpu.memory_space<vmem>>) offsets(%dma_start3A_451 : memref<128xi32, #tpu.memory_space<vmem>>) semaphore(%arg12 : memref<!tpu.dma_semaphore, #tpu.memory_space<semaphore_mem>>)
      %dma_wait3A_455 = arith.constant 15 : i32
      %dma_wait3A_456 = arith.constant 0 : i32
      %dma_wait3A_457 = tpu.memref_slice %arg7[%dma_wait3A_455, %dma_wait3A_456] : memref<40x128xi32, #tpu.memory_space<vmem>> -> memref<1x128xi32, #tpu.memory_space<vmem>>
      %dma_wait3A_458 = tpu.memref_squeeze %dma_wait3A_457 : memref<1x128xi32, #tpu.memory_space<vmem>> -> memref<128xi32, #tpu.memory_space<vmem>>
      %dma_wait3A_459 = arith.constant 0 : i32
      %dma_wait3A_460 = arith.constant 0 : i32
      %dma_wait3A_461 = tpu.memref_slice %arg2[%dma_wait3A_459, %dma_wait3A_460] : memref<10240x128xf32, #tpu.memory_space<hbm>> -> memref<10240x128xf32, #tpu.memory_space<hbm>>
      tpu.wait_indirect_dma semaphore(%arg13 : memref<!tpu.dma_semaphore, #tpu.memory_space<semaphore_mem>>) src(%dma_wait3A_461 : memref<10240x128xf32, #tpu.memory_space<hbm>>) dst(%arg10 : memref<128x128xf32, #tpu.memory_space<vmem>>)
      %dma_start3A_462 = arith.constant 15 : i32
      %dma_start3A_463 = arith.constant 0 : i32
      %dma_start3A_464 = tpu.memref_slice %arg8[%dma_start3A_462, %dma_start3A_463] : memref<40x128xi32, #tpu.memory_space<vmem>> -> memref<1x128xi32, #tpu.memory_space<vmem>>
      %dma_start3A_465 = tpu.memref_squeeze %dma_start3A_464 : memref<1x128xi32, #tpu.memory_space<vmem>> -> memref<128xi32, #tpu.memory_space<vmem>>
      %dma_start3A_466 = arith.constant 0 : i32
      %dma_start3A_467 = arith.constant 0 : i32
      %dma_start3A_468 = tpu.memref_slice %arg11[%dma_start3A_466, %dma_start3A_467] : memref<10240x128xf32, #tpu.memory_space<vmem_shared>> -> memref<10240x128xf32, #tpu.memory_space<vmem_shared>>
      tpu.enqueue_indirect_dma source(%arg10 : memref<128x128xf32, #tpu.memory_space<vmem>>) target(%dma_start3A_468 : memref<10240x128xf32, #tpu.memory_space<vmem_shared>>) offsets(%dma_start3A_465 : memref<128xi32, #tpu.memory_space<vmem>>) semaphore(%arg15 : memref<!tpu.dma_semaphore, #tpu.memory_space<semaphore_mem>>) {add = true}
      %dma_wait3A_469 = arith.constant 15 : i32
      %dma_wait3A_470 = arith.constant 0 : i32
      %dma_wait3A_471 = tpu.memref_slice %arg8[%dma_wait3A_469, %dma_wait3A_470] : memref<40x128xi32, #tpu.memory_space<vmem>> -> memref<1x128xi32, #tpu.memory_space<vmem>>
      %dma_wait3A_472 = tpu.memref_squeeze %dma_wait3A_471 : memref<1x128xi32, #tpu.memory_space<vmem>> -> memref<128xi32, #tpu.memory_space<vmem>>
      %dma_wait3A_473 = arith.constant 0 : i32
      %dma_wait3A_474 = arith.constant 0 : i32
      %dma_wait3A_475 = tpu.memref_slice %arg11[%dma_wait3A_473, %dma_wait3A_474] : memref<10240x128xf32, #tpu.memory_space<vmem_shared>> -> memref<10240x128xf32, #tpu.memory_space<vmem_shared>>
      tpu.wait_indirect_dma semaphore(%arg15 : memref<!tpu.dma_semaphore, #tpu.memory_space<semaphore_mem>>) src(%arg10 : memref<128x128xf32, #tpu.memory_space<vmem>>) dst(%dma_wait3A_475 : memref<10240x128xf32, #tpu.memory_space<vmem_shared>>)
      %dma_start3A_476 = arith.constant 17 : i32
      %dma_start3A_477 = arith.constant 0 : i32
      %dma_start3A_478 = tpu.memref_slice %arg7[%dma_start3A_476, %dma_start3A_477] : memref<40x128xi32, #tpu.memory_space<vmem>> -> memref<1x128xi32, #tpu.memory_space<vmem>>
      %dma_start3A_479 = tpu.memref_squeeze %dma_start3A_478 : memref<1x128xi32, #tpu.memory_space<vmem>> -> memref<128xi32, #tpu.memory_space<vmem>>
      %dma_start3A_480 = arith.constant 0 : i32
      %dma_start3A_481 = arith.constant 0 : i32
      %dma_start3A_482 = tpu.memref_slice %arg2[%dma_start3A_480, %dma_start3A_481] : memref<10240x128xf32, #tpu.memory_space<hbm>> -> memref<10240x128xf32, #tpu.memory_space<hbm>>
      tpu.enqueue_indirect_dma source(%dma_start3A_482 : memref<10240x128xf32, #tpu.memory_space<hbm>>) target(%arg10 : memref<128x128xf32, #tpu.memory_space<vmem>>) offsets(%dma_start3A_479 : memref<128xi32, #tpu.memory_space<vmem>>) semaphore(%arg13 : memref<!tpu.dma_semaphore, #tpu.memory_space<semaphore_mem>>)
      %dma_wait3A_483 = arith.constant 16 : i32
      %dma_wait3A_484 = arith.constant 0 : i32
      %dma_wait3A_485 = tpu.memref_slice %arg7[%dma_wait3A_483, %dma_wait3A_484] : memref<40x128xi32, #tpu.memory_space<vmem>> -> memref<1x128xi32, #tpu.memory_space<vmem>>
      %dma_wait3A_486 = tpu.memref_squeeze %dma_wait3A_485 : memref<1x128xi32, #tpu.memory_space<vmem>> -> memref<128xi32, #tpu.memory_space<vmem>>
      %dma_wait3A_487 = arith.constant 0 : i32
      %dma_wait3A_488 = arith.constant 0 : i32
      %dma_wait3A_489 = tpu.memref_slice %arg2[%dma_wait3A_487, %dma_wait3A_488] : memref<10240x128xf32, #tpu.memory_space<hbm>> -> memref<10240x128xf32, #tpu.memory_space<hbm>>
      tpu.wait_indirect_dma semaphore(%arg12 : memref<!tpu.dma_semaphore, #tpu.memory_space<semaphore_mem>>) src(%dma_wait3A_489 : memref<10240x128xf32, #tpu.memory_space<hbm>>) dst(%arg9 : memref<128x128xf32, #tpu.memory_space<vmem>>)
      %dma_start3A_490 = arith.constant 16 : i32
      %dma_start3A_491 = arith.constant 0 : i32
      %dma_start3A_492 = tpu.memref_slice %arg8[%dma_start3A_490, %dma_start3A_491] : memref<40x128xi32, #tpu.memory_space<vmem>> -> memref<1x128xi32, #tpu.memory_space<vmem>>
      %dma_start3A_493 = tpu.memref_squeeze %dma_start3A_492 : memref<1x128xi32, #tpu.memory_space<vmem>> -> memref<128xi32, #tpu.memory_space<vmem>>
      %dma_start3A_494 = arith.constant 0 : i32
      %dma_start3A_495 = arith.constant 0 : i32
      %dma_start3A_496 = tpu.memref_slice %arg11[%dma_start3A_494, %dma_start3A_495] : memref<10240x128xf32, #tpu.memory_space<vmem_shared>> -> memref<10240x128xf32, #tpu.memory_space<vmem_shared>>
      tpu.enqueue_indirect_dma source(%arg9 : memref<128x128xf32, #tpu.memory_space<vmem>>) target(%dma_start3A_496 : memref<10240x128xf32, #tpu.memory_space<vmem_shared>>) offsets(%dma_start3A_493 : memref<128xi32, #tpu.memory_space<vmem>>) semaphore(%arg14 : memref<!tpu.dma_semaphore, #tpu.memory_space<semaphore_mem>>) {add = true}
      %dma_wait3A_497 = arith.constant 16 : i32
      %dma_wait3A_498 = arith.constant 0 : i32
      %dma_wait3A_499 = tpu.memref_slice %arg8[%dma_wait3A_497, %dma_wait3A_498] : memref<40x128xi32, #tpu.memory_space<vmem>> -> memref<1x128xi32, #tpu.memory_space<vmem>>
      %dma_wait3A_500 = tpu.memref_squeeze %dma_wait3A_499 : memref<1x128xi32, #tpu.memory_space<vmem>> -> memref<128xi32, #tpu.memory_space<vmem>>
      %dma_wait3A_501 = arith.constant 0 : i32
      %dma_wait3A_502 = arith.constant 0 : i32
      %dma_wait3A_503 = tpu.memref_slice %arg11[%dma_wait3A_501, %dma_wait3A_502] : memref<10240x128xf32, #tpu.memory_space<vmem_shared>> -> memref<10240x128xf32, #tpu.memory_space<vmem_shared>>
      tpu.wait_indirect_dma semaphore(%arg14 : memref<!tpu.dma_semaphore, #tpu.memory_space<semaphore_mem>>) src(%arg9 : memref<128x128xf32, #tpu.memory_space<vmem>>) dst(%dma_wait3A_503 : memref<10240x128xf32, #tpu.memory_space<vmem_shared>>)
      %dma_start3A_504 = arith.constant 18 : i32
      %dma_start3A_505 = arith.constant 0 : i32
      %dma_start3A_506 = tpu.memref_slice %arg7[%dma_start3A_504, %dma_start3A_505] : memref<40x128xi32, #tpu.memory_space<vmem>> -> memref<1x128xi32, #tpu.memory_space<vmem>>
      %dma_start3A_507 = tpu.memref_squeeze %dma_start3A_506 : memref<1x128xi32, #tpu.memory_space<vmem>> -> memref<128xi32, #tpu.memory_space<vmem>>
      %dma_start3A_508 = arith.constant 0 : i32
      %dma_start3A_509 = arith.constant 0 : i32
      %dma_start3A_510 = tpu.memref_slice %arg2[%dma_start3A_508, %dma_start3A_509] : memref<10240x128xf32, #tpu.memory_space<hbm>> -> memref<10240x128xf32, #tpu.memory_space<hbm>>
      tpu.enqueue_indirect_dma source(%dma_start3A_510 : memref<10240x128xf32, #tpu.memory_space<hbm>>) target(%arg9 : memref<128x128xf32, #tpu.memory_space<vmem>>) offsets(%dma_start3A_507 : memref<128xi32, #tpu.memory_space<vmem>>) semaphore(%arg12 : memref<!tpu.dma_semaphore, #tpu.memory_space<semaphore_mem>>)
      %dma_wait3A_511 = arith.constant 17 : i32
      %dma_wait3A_512 = arith.constant 0 : i32
      %dma_wait3A_513 = tpu.memref_slice %arg7[%dma_wait3A_511, %dma_wait3A_512] : memref<40x128xi32, #tpu.memory_space<vmem>> -> memref<1x128xi32, #tpu.memory_space<vmem>>
      %dma_wait3A_514 = tpu.memref_squeeze %dma_wait3A_513 : memref<1x128xi32, #tpu.memory_space<vmem>> -> memref<128xi32, #tpu.memory_space<vmem>>
      %dma_wait3A_515 = arith.constant 0 : i32
      %dma_wait3A_516 = arith.constant 0 : i32
      %dma_wait3A_517 = tpu.memref_slice %arg2[%dma_wait3A_515, %dma_wait3A_516] : memref<10240x128xf32, #tpu.memory_space<hbm>> -> memref<10240x128xf32, #tpu.memory_space<hbm>>
      tpu.wait_indirect_dma semaphore(%arg13 : memref<!tpu.dma_semaphore, #tpu.memory_space<semaphore_mem>>) src(%dma_wait3A_517 : memref<10240x128xf32, #tpu.memory_space<hbm>>) dst(%arg10 : memref<128x128xf32, #tpu.memory_space<vmem>>)
      %dma_start3A_518 = arith.constant 17 : i32
      %dma_start3A_519 = arith.constant 0 : i32
      %dma_start3A_520 = tpu.memref_slice %arg8[%dma_start3A_518, %dma_start3A_519] : memref<40x128xi32, #tpu.memory_space<vmem>> -> memref<1x128xi32, #tpu.memory_space<vmem>>
      %dma_start3A_521 = tpu.memref_squeeze %dma_start3A_520 : memref<1x128xi32, #tpu.memory_space<vmem>> -> memref<128xi32, #tpu.memory_space<vmem>>
      %dma_start3A_522 = arith.constant 0 : i32
      %dma_start3A_523 = arith.constant 0 : i32
      %dma_start3A_524 = tpu.memref_slice %arg11[%dma_start3A_522, %dma_start3A_523] : memref<10240x128xf32, #tpu.memory_space<vmem_shared>> -> memref<10240x128xf32, #tpu.memory_space<vmem_shared>>
      tpu.enqueue_indirect_dma source(%arg10 : memref<128x128xf32, #tpu.memory_space<vmem>>) target(%dma_start3A_524 : memref<10240x128xf32, #tpu.memory_space<vmem_shared>>) offsets(%dma_start3A_521 : memref<128xi32, #tpu.memory_space<vmem>>) semaphore(%arg15 : memref<!tpu.dma_semaphore, #tpu.memory_space<semaphore_mem>>) {add = true}
      %dma_wait3A_525 = arith.constant 17 : i32
      %dma_wait3A_526 = arith.constant 0 : i32
      %dma_wait3A_527 = tpu.memref_slice %arg8[%dma_wait3A_525, %dma_wait3A_526] : memref<40x128xi32, #tpu.memory_space<vmem>> -> memref<1x128xi32, #tpu.memory_space<vmem>>
      %dma_wait3A_528 = tpu.memref_squeeze %dma_wait3A_527 : memref<1x128xi32, #tpu.memory_space<vmem>> -> memref<128xi32, #tpu.memory_space<vmem>>
      %dma_wait3A_529 = arith.constant 0 : i32
      %dma_wait3A_530 = arith.constant 0 : i32
      %dma_wait3A_531 = tpu.memref_slice %arg11[%dma_wait3A_529, %dma_wait3A_530] : memref<10240x128xf32, #tpu.memory_space<vmem_shared>> -> memref<10240x128xf32, #tpu.memory_space<vmem_shared>>
      tpu.wait_indirect_dma semaphore(%arg15 : memref<!tpu.dma_semaphore, #tpu.memory_space<semaphore_mem>>) src(%arg10 : memref<128x128xf32, #tpu.memory_space<vmem>>) dst(%dma_wait3A_531 : memref<10240x128xf32, #tpu.memory_space<vmem_shared>>)
      %dma_start3A_532 = arith.constant 19 : i32
      %dma_start3A_533 = arith.constant 0 : i32
      %dma_start3A_534 = tpu.memref_slice %arg7[%dma_start3A_532, %dma_start3A_533] : memref<40x128xi32, #tpu.memory_space<vmem>> -> memref<1x128xi32, #tpu.memory_space<vmem>>
      %dma_start3A_535 = tpu.memref_squeeze %dma_start3A_534 : memref<1x128xi32, #tpu.memory_space<vmem>> -> memref<128xi32, #tpu.memory_space<vmem>>
      %dma_start3A_536 = arith.constant 0 : i32
      %dma_start3A_537 = arith.constant 0 : i32
      %dma_start3A_538 = tpu.memref_slice %arg2[%dma_start3A_536, %dma_start3A_537] : memref<10240x128xf32, #tpu.memory_space<hbm>> -> memref<10240x128xf32, #tpu.memory_space<hbm>>
      tpu.enqueue_indirect_dma source(%dma_start3A_538 : memref<10240x128xf32, #tpu.memory_space<hbm>>) target(%arg10 : memref<128x128xf32, #tpu.memory_space<vmem>>) offsets(%dma_start3A_535 : memref<128xi32, #tpu.memory_space<vmem>>) semaphore(%arg13 : memref<!tpu.dma_semaphore, #tpu.memory_space<semaphore_mem>>)
      %dma_wait3A_539 = arith.constant 18 : i32
      %dma_wait3A_540 = arith.constant 0 : i32
      %dma_wait3A_541 = tpu.memref_slice %arg7[%dma_wait3A_539, %dma_wait3A_540] : memref<40x128xi32, #tpu.memory_space<vmem>> -> memref<1x128xi32, #tpu.memory_space<vmem>>
      %dma_wait3A_542 = tpu.memref_squeeze %dma_wait3A_541 : memref<1x128xi32, #tpu.memory_space<vmem>> -> memref<128xi32, #tpu.memory_space<vmem>>
      %dma_wait3A_543 = arith.constant 0 : i32
      %dma_wait3A_544 = arith.constant 0 : i32
      %dma_wait3A_545 = tpu.memref_slice %arg2[%dma_wait3A_543, %dma_wait3A_544] : memref<10240x128xf32, #tpu.memory_space<hbm>> -> memref<10240x128xf32, #tpu.memory_space<hbm>>
      tpu.wait_indirect_dma semaphore(%arg12 : memref<!tpu.dma_semaphore, #tpu.memory_space<semaphore_mem>>) src(%dma_wait3A_545 : memref<10240x128xf32, #tpu.memory_space<hbm>>) dst(%arg9 : memref<128x128xf32, #tpu.memory_space<vmem>>)
      %dma_start3A_546 = arith.constant 18 : i32
      %dma_start3A_547 = arith.constant 0 : i32
      %dma_start3A_548 = tpu.memref_slice %arg8[%dma_start3A_546, %dma_start3A_547] : memref<40x128xi32, #tpu.memory_space<vmem>> -> memref<1x128xi32, #tpu.memory_space<vmem>>
      %dma_start3A_549 = tpu.memref_squeeze %dma_start3A_548 : memref<1x128xi32, #tpu.memory_space<vmem>> -> memref<128xi32, #tpu.memory_space<vmem>>
      %dma_start3A_550 = arith.constant 0 : i32
      %dma_start3A_551 = arith.constant 0 : i32
      %dma_start3A_552 = tpu.memref_slice %arg11[%dma_start3A_550, %dma_start3A_551] : memref<10240x128xf32, #tpu.memory_space<vmem_shared>> -> memref<10240x128xf32, #tpu.memory_space<vmem_shared>>
      tpu.enqueue_indirect_dma source(%arg9 : memref<128x128xf32, #tpu.memory_space<vmem>>) target(%dma_start3A_552 : memref<10240x128xf32, #tpu.memory_space<vmem_shared>>) offsets(%dma_start3A_549 : memref<128xi32, #tpu.memory_space<vmem>>) semaphore(%arg14 : memref<!tpu.dma_semaphore, #tpu.memory_space<semaphore_mem>>) {add = true}
      %dma_wait3A_553 = arith.constant 18 : i32
      %dma_wait3A_554 = arith.constant 0 : i32
      %dma_wait3A_555 = tpu.memref_slice %arg8[%dma_wait3A_553, %dma_wait3A_554] : memref<40x128xi32, #tpu.memory_space<vmem>> -> memref<1x128xi32, #tpu.memory_space<vmem>>
      %dma_wait3A_556 = tpu.memref_squeeze %dma_wait3A_555 : memref<1x128xi32, #tpu.memory_space<vmem>> -> memref<128xi32, #tpu.memory_space<vmem>>
      %dma_wait3A_557 = arith.constant 0 : i32
      %dma_wait3A_558 = arith.constant 0 : i32
      %dma_wait3A_559 = tpu.memref_slice %arg11[%dma_wait3A_557, %dma_wait3A_558] : memref<10240x128xf32, #tpu.memory_space<vmem_shared>> -> memref<10240x128xf32, #tpu.memory_space<vmem_shared>>
      tpu.wait_indirect_dma semaphore(%arg14 : memref<!tpu.dma_semaphore, #tpu.memory_space<semaphore_mem>>) src(%arg9 : memref<128x128xf32, #tpu.memory_space<vmem>>) dst(%dma_wait3A_559 : memref<10240x128xf32, #tpu.memory_space<vmem_shared>>)
      %dma_start3A_560 = arith.constant 20 : i32
      %dma_start3A_561 = arith.constant 0 : i32
      %dma_start3A_562 = tpu.memref_slice %arg7[%dma_start3A_560, %dma_start3A_561] : memref<40x128xi32, #tpu.memory_space<vmem>> -> memref<1x128xi32, #tpu.memory_space<vmem>>
      %dma_start3A_563 = tpu.memref_squeeze %dma_start3A_562 : memref<1x128xi32, #tpu.memory_space<vmem>> -> memref<128xi32, #tpu.memory_space<vmem>>
      %dma_start3A_564 = arith.constant 0 : i32
      %dma_start3A_565 = arith.constant 0 : i32
      %dma_start3A_566 = tpu.memref_slice %arg2[%dma_start3A_564, %dma_start3A_565] : memref<10240x128xf32, #tpu.memory_space<hbm>> -> memref<10240x128xf32, #tpu.memory_space<hbm>>
      tpu.enqueue_indirect_dma source(%dma_start3A_566 : memref<10240x128xf32, #tpu.memory_space<hbm>>) target(%arg9 : memref<128x128xf32, #tpu.memory_space<vmem>>) offsets(%dma_start3A_563 : memref<128xi32, #tpu.memory_space<vmem>>) semaphore(%arg12 : memref<!tpu.dma_semaphore, #tpu.memory_space<semaphore_mem>>)
      %dma_wait3A_567 = arith.constant 19 : i32
      %dma_wait3A_568 = arith.constant 0 : i32
      %dma_wait3A_569 = tpu.memref_slice %arg7[%dma_wait3A_567, %dma_wait3A_568] : memref<40x128xi32, #tpu.memory_space<vmem>> -> memref<1x128xi32, #tpu.memory_space<vmem>>
      %dma_wait3A_570 = tpu.memref_squeeze %dma_wait3A_569 : memref<1x128xi32, #tpu.memory_space<vmem>> -> memref<128xi32, #tpu.memory_space<vmem>>
      %dma_wait3A_571 = arith.constant 0 : i32
      %dma_wait3A_572 = arith.constant 0 : i32
      %dma_wait3A_573 = tpu.memref_slice %arg2[%dma_wait3A_571, %dma_wait3A_572] : memref<10240x128xf32, #tpu.memory_space<hbm>> -> memref<10240x128xf32, #tpu.memory_space<hbm>>
      tpu.wait_indirect_dma semaphore(%arg13 : memref<!tpu.dma_semaphore, #tpu.memory_space<semaphore_mem>>) src(%dma_wait3A_573 : memref<10240x128xf32, #tpu.memory_space<hbm>>) dst(%arg10 : memref<128x128xf32, #tpu.memory_space<vmem>>)
      %dma_start3A_574 = arith.constant 19 : i32
      %dma_start3A_575 = arith.constant 0 : i32
      %dma_start3A_576 = tpu.memref_slice %arg8[%dma_start3A_574, %dma_start3A_575] : memref<40x128xi32, #tpu.memory_space<vmem>> -> memref<1x128xi32, #tpu.memory_space<vmem>>
      %dma_start3A_577 = tpu.memref_squeeze %dma_start3A_576 : memref<1x128xi32, #tpu.memory_space<vmem>> -> memref<128xi32, #tpu.memory_space<vmem>>
      %dma_start3A_578 = arith.constant 0 : i32
      %dma_start3A_579 = arith.constant 0 : i32
      %dma_start3A_580 = tpu.memref_slice %arg11[%dma_start3A_578, %dma_start3A_579] : memref<10240x128xf32, #tpu.memory_space<vmem_shared>> -> memref<10240x128xf32, #tpu.memory_space<vmem_shared>>
      tpu.enqueue_indirect_dma source(%arg10 : memref<128x128xf32, #tpu.memory_space<vmem>>) target(%dma_start3A_580 : memref<10240x128xf32, #tpu.memory_space<vmem_shared>>) offsets(%dma_start3A_577 : memref<128xi32, #tpu.memory_space<vmem>>) semaphore(%arg15 : memref<!tpu.dma_semaphore, #tpu.memory_space<semaphore_mem>>) {add = true}
      %dma_wait3A_581 = arith.constant 19 : i32
      %dma_wait3A_582 = arith.constant 0 : i32
      %dma_wait3A_583 = tpu.memref_slice %arg8[%dma_wait3A_581, %dma_wait3A_582] : memref<40x128xi32, #tpu.memory_space<vmem>> -> memref<1x128xi32, #tpu.memory_space<vmem>>
      %dma_wait3A_584 = tpu.memref_squeeze %dma_wait3A_583 : memref<1x128xi32, #tpu.memory_space<vmem>> -> memref<128xi32, #tpu.memory_space<vmem>>
      %dma_wait3A_585 = arith.constant 0 : i32
      %dma_wait3A_586 = arith.constant 0 : i32
      %dma_wait3A_587 = tpu.memref_slice %arg11[%dma_wait3A_585, %dma_wait3A_586] : memref<10240x128xf32, #tpu.memory_space<vmem_shared>> -> memref<10240x128xf32, #tpu.memory_space<vmem_shared>>
      tpu.wait_indirect_dma semaphore(%arg15 : memref<!tpu.dma_semaphore, #tpu.memory_space<semaphore_mem>>) src(%arg10 : memref<128x128xf32, #tpu.memory_space<vmem>>) dst(%dma_wait3A_587 : memref<10240x128xf32, #tpu.memory_space<vmem_shared>>)
      %dma_start3A_588 = arith.constant 21 : i32
      %dma_start3A_589 = arith.constant 0 : i32
      %dma_start3A_590 = tpu.memref_slice %arg7[%dma_start3A_588, %dma_start3A_589] : memref<40x128xi32, #tpu.memory_space<vmem>> -> memref<1x128xi32, #tpu.memory_space<vmem>>
      %dma_start3A_591 = tpu.memref_squeeze %dma_start3A_590 : memref<1x128xi32, #tpu.memory_space<vmem>> -> memref<128xi32, #tpu.memory_space<vmem>>
      %dma_start3A_592 = arith.constant 0 : i32
      %dma_start3A_593 = arith.constant 0 : i32
      %dma_start3A_594 = tpu.memref_slice %arg2[%dma_start3A_592, %dma_start3A_593] : memref<10240x128xf32, #tpu.memory_space<hbm>> -> memref<10240x128xf32, #tpu.memory_space<hbm>>
      tpu.enqueue_indirect_dma source(%dma_start3A_594 : memref<10240x128xf32, #tpu.memory_space<hbm>>) target(%arg10 : memref<128x128xf32, #tpu.memory_space<vmem>>) offsets(%dma_start3A_591 : memref<128xi32, #tpu.memory_space<vmem>>) semaphore(%arg13 : memref<!tpu.dma_semaphore, #tpu.memory_space<semaphore_mem>>)
      %dma_wait3A_595 = arith.constant 20 : i32
      %dma_wait3A_596 = arith.constant 0 : i32
      %dma_wait3A_597 = tpu.memref_slice %arg7[%dma_wait3A_595, %dma_wait3A_596] : memref<40x128xi32, #tpu.memory_space<vmem>> -> memref<1x128xi32, #tpu.memory_space<vmem>>
      %dma_wait3A_598 = tpu.memref_squeeze %dma_wait3A_597 : memref<1x128xi32, #tpu.memory_space<vmem>> -> memref<128xi32, #tpu.memory_space<vmem>>
      %dma_wait3A_599 = arith.constant 0 : i32
      %dma_wait3A_600 = arith.constant 0 : i32
      %dma_wait3A_601 = tpu.memref_slice %arg2[%dma_wait3A_599, %dma_wait3A_600] : memref<10240x128xf32, #tpu.memory_space<hbm>> -> memref<10240x128xf32, #tpu.memory_space<hbm>>
      tpu.wait_indirect_dma semaphore(%arg12 : memref<!tpu.dma_semaphore, #tpu.memory_space<semaphore_mem>>) src(%dma_wait3A_601 : memref<10240x128xf32, #tpu.memory_space<hbm>>) dst(%arg9 : memref<128x128xf32, #tpu.memory_space<vmem>>)
      %dma_start3A_602 = arith.constant 20 : i32
      %dma_start3A_603 = arith.constant 0 : i32
      %dma_start3A_604 = tpu.memref_slice %arg8[%dma_start3A_602, %dma_start3A_603] : memref<40x128xi32, #tpu.memory_space<vmem>> -> memref<1x128xi32, #tpu.memory_space<vmem>>
      %dma_start3A_605 = tpu.memref_squeeze %dma_start3A_604 : memref<1x128xi32, #tpu.memory_space<vmem>> -> memref<128xi32, #tpu.memory_space<vmem>>
      %dma_start3A_606 = arith.constant 0 : i32
      %dma_start3A_607 = arith.constant 0 : i32
      %dma_start3A_608 = tpu.memref_slice %arg11[%dma_start3A_606, %dma_start3A_607] : memref<10240x128xf32, #tpu.memory_space<vmem_shared>> -> memref<10240x128xf32, #tpu.memory_space<vmem_shared>>
      tpu.enqueue_indirect_dma source(%arg9 : memref<128x128xf32, #tpu.memory_space<vmem>>) target(%dma_start3A_608 : memref<10240x128xf32, #tpu.memory_space<vmem_shared>>) offsets(%dma_start3A_605 : memref<128xi32, #tpu.memory_space<vmem>>) semaphore(%arg14 : memref<!tpu.dma_semaphore, #tpu.memory_space<semaphore_mem>>) {add = true}
      %dma_wait3A_609 = arith.constant 20 : i32
      %dma_wait3A_610 = arith.constant 0 : i32
      %dma_wait3A_611 = tpu.memref_slice %arg8[%dma_wait3A_609, %dma_wait3A_610] : memref<40x128xi32, #tpu.memory_space<vmem>> -> memref<1x128xi32, #tpu.memory_space<vmem>>
      %dma_wait3A_612 = tpu.memref_squeeze %dma_wait3A_611 : memref<1x128xi32, #tpu.memory_space<vmem>> -> memref<128xi32, #tpu.memory_space<vmem>>
      %dma_wait3A_613 = arith.constant 0 : i32
      %dma_wait3A_614 = arith.constant 0 : i32
      %dma_wait3A_615 = tpu.memref_slice %arg11[%dma_wait3A_613, %dma_wait3A_614] : memref<10240x128xf32, #tpu.memory_space<vmem_shared>> -> memref<10240x128xf32, #tpu.memory_space<vmem_shared>>
      tpu.wait_indirect_dma semaphore(%arg14 : memref<!tpu.dma_semaphore, #tpu.memory_space<semaphore_mem>>) src(%arg9 : memref<128x128xf32, #tpu.memory_space<vmem>>) dst(%dma_wait3A_615 : memref<10240x128xf32, #tpu.memory_space<vmem_shared>>)
      %dma_start3A_616 = arith.constant 22 : i32
      %dma_start3A_617 = arith.constant 0 : i32
      %dma_start3A_618 = tpu.memref_slice %arg7[%dma_start3A_616, %dma_start3A_617] : memref<40x128xi32, #tpu.memory_space<vmem>> -> memref<1x128xi32, #tpu.memory_space<vmem>>
      %dma_start3A_619 = tpu.memref_squeeze %dma_start3A_618 : memref<1x128xi32, #tpu.memory_space<vmem>> -> memref<128xi32, #tpu.memory_space<vmem>>
      %dma_start3A_620 = arith.constant 0 : i32
      %dma_start3A_621 = arith.constant 0 : i32
      %dma_start3A_622 = tpu.memref_slice %arg2[%dma_start3A_620, %dma_start3A_621] : memref<10240x128xf32, #tpu.memory_space<hbm>> -> memref<10240x128xf32, #tpu.memory_space<hbm>>
      tpu.enqueue_indirect_dma source(%dma_start3A_622 : memref<10240x128xf32, #tpu.memory_space<hbm>>) target(%arg9 : memref<128x128xf32, #tpu.memory_space<vmem>>) offsets(%dma_start3A_619 : memref<128xi32, #tpu.memory_space<vmem>>) semaphore(%arg12 : memref<!tpu.dma_semaphore, #tpu.memory_space<semaphore_mem>>)
      %dma_wait3A_623 = arith.constant 21 : i32
      %dma_wait3A_624 = arith.constant 0 : i32
      %dma_wait3A_625 = tpu.memref_slice %arg7[%dma_wait3A_623, %dma_wait3A_624] : memref<40x128xi32, #tpu.memory_space<vmem>> -> memref<1x128xi32, #tpu.memory_space<vmem>>
      %dma_wait3A_626 = tpu.memref_squeeze %dma_wait3A_625 : memref<1x128xi32, #tpu.memory_space<vmem>> -> memref<128xi32, #tpu.memory_space<vmem>>
      %dma_wait3A_627 = arith.constant 0 : i32
      %dma_wait3A_628 = arith.constant 0 : i32
      %dma_wait3A_629 = tpu.memref_slice %arg2[%dma_wait3A_627, %dma_wait3A_628] : memref<10240x128xf32, #tpu.memory_space<hbm>> -> memref<10240x128xf32, #tpu.memory_space<hbm>>
      tpu.wait_indirect_dma semaphore(%arg13 : memref<!tpu.dma_semaphore, #tpu.memory_space<semaphore_mem>>) src(%dma_wait3A_629 : memref<10240x128xf32, #tpu.memory_space<hbm>>) dst(%arg10 : memref<128x128xf32, #tpu.memory_space<vmem>>)
      %dma_start3A_630 = arith.constant 21 : i32
      %dma_start3A_631 = arith.constant 0 : i32
      %dma_start3A_632 = tpu.memref_slice %arg8[%dma_start3A_630, %dma_start3A_631] : memref<40x128xi32, #tpu.memory_space<vmem>> -> memref<1x128xi32, #tpu.memory_space<vmem>>
      %dma_start3A_633 = tpu.memref_squeeze %dma_start3A_632 : memref<1x128xi32, #tpu.memory_space<vmem>> -> memref<128xi32, #tpu.memory_space<vmem>>
      %dma_start3A_634 = arith.constant 0 : i32
      %dma_start3A_635 = arith.constant 0 : i32
      %dma_start3A_636 = tpu.memref_slice %arg11[%dma_start3A_634, %dma_start3A_635] : memref<10240x128xf32, #tpu.memory_space<vmem_shared>> -> memref<10240x128xf32, #tpu.memory_space<vmem_shared>>
      tpu.enqueue_indirect_dma source(%arg10 : memref<128x128xf32, #tpu.memory_space<vmem>>) target(%dma_start3A_636 : memref<10240x128xf32, #tpu.memory_space<vmem_shared>>) offsets(%dma_start3A_633 : memref<128xi32, #tpu.memory_space<vmem>>) semaphore(%arg15 : memref<!tpu.dma_semaphore, #tpu.memory_space<semaphore_mem>>) {add = true}
      %dma_wait3A_637 = arith.constant 21 : i32
      %dma_wait3A_638 = arith.constant 0 : i32
      %dma_wait3A_639 = tpu.memref_slice %arg8[%dma_wait3A_637, %dma_wait3A_638] : memref<40x128xi32, #tpu.memory_space<vmem>> -> memref<1x128xi32, #tpu.memory_space<vmem>>
      %dma_wait3A_640 = tpu.memref_squeeze %dma_wait3A_639 : memref<1x128xi32, #tpu.memory_space<vmem>> -> memref<128xi32, #tpu.memory_space<vmem>>
      %dma_wait3A_641 = arith.constant 0 : i32
      %dma_wait3A_642 = arith.constant 0 : i32
      %dma_wait3A_643 = tpu.memref_slice %arg11[%dma_wait3A_641, %dma_wait3A_642] : memref<10240x128xf32, #tpu.memory_space<vmem_shared>> -> memref<10240x128xf32, #tpu.memory_space<vmem_shared>>
      tpu.wait_indirect_dma semaphore(%arg15 : memref<!tpu.dma_semaphore, #tpu.memory_space<semaphore_mem>>) src(%arg10 : memref<128x128xf32, #tpu.memory_space<vmem>>) dst(%dma_wait3A_643 : memref<10240x128xf32, #tpu.memory_space<vmem_shared>>)
      %dma_start3A_644 = arith.constant 23 : i32
      %dma_start3A_645 = arith.constant 0 : i32
      %dma_start3A_646 = tpu.memref_slice %arg7[%dma_start3A_644, %dma_start3A_645] : memref<40x128xi32, #tpu.memory_space<vmem>> -> memref<1x128xi32, #tpu.memory_space<vmem>>
      %dma_start3A_647 = tpu.memref_squeeze %dma_start3A_646 : memref<1x128xi32, #tpu.memory_space<vmem>> -> memref<128xi32, #tpu.memory_space<vmem>>
      %dma_start3A_648 = arith.constant 0 : i32
      %dma_start3A_649 = arith.constant 0 : i32
      %dma_start3A_650 = tpu.memref_slice %arg2[%dma_start3A_648, %dma_start3A_649] : memref<10240x128xf32, #tpu.memory_space<hbm>> -> memref<10240x128xf32, #tpu.memory_space<hbm>>
      tpu.enqueue_indirect_dma source(%dma_start3A_650 : memref<10240x128xf32, #tpu.memory_space<hbm>>) target(%arg10 : memref<128x128xf32, #tpu.memory_space<vmem>>) offsets(%dma_start3A_647 : memref<128xi32, #tpu.memory_space<vmem>>) semaphore(%arg13 : memref<!tpu.dma_semaphore, #tpu.memory_space<semaphore_mem>>)
      %dma_wait3A_651 = arith.constant 22 : i32
      %dma_wait3A_652 = arith.constant 0 : i32
      %dma_wait3A_653 = tpu.memref_slice %arg7[%dma_wait3A_651, %dma_wait3A_652] : memref<40x128xi32, #tpu.memory_space<vmem>> -> memref<1x128xi32, #tpu.memory_space<vmem>>
      %dma_wait3A_654 = tpu.memref_squeeze %dma_wait3A_653 : memref<1x128xi32, #tpu.memory_space<vmem>> -> memref<128xi32, #tpu.memory_space<vmem>>
      %dma_wait3A_655 = arith.constant 0 : i32
      %dma_wait3A_656 = arith.constant 0 : i32
      %dma_wait3A_657 = tpu.memref_slice %arg2[%dma_wait3A_655, %dma_wait3A_656] : memref<10240x128xf32, #tpu.memory_space<hbm>> -> memref<10240x128xf32, #tpu.memory_space<hbm>>
      tpu.wait_indirect_dma semaphore(%arg12 : memref<!tpu.dma_semaphore, #tpu.memory_space<semaphore_mem>>) src(%dma_wait3A_657 : memref<10240x128xf32, #tpu.memory_space<hbm>>) dst(%arg9 : memref<128x128xf32, #tpu.memory_space<vmem>>)
      %dma_start3A_658 = arith.constant 22 : i32
      %dma_start3A_659 = arith.constant 0 : i32
      %dma_start3A_660 = tpu.memref_slice %arg8[%dma_start3A_658, %dma_start3A_659] : memref<40x128xi32, #tpu.memory_space<vmem>> -> memref<1x128xi32, #tpu.memory_space<vmem>>
      %dma_start3A_661 = tpu.memref_squeeze %dma_start3A_660 : memref<1x128xi32, #tpu.memory_space<vmem>> -> memref<128xi32, #tpu.memory_space<vmem>>
      %dma_start3A_662 = arith.constant 0 : i32
      %dma_start3A_663 = arith.constant 0 : i32
      %dma_start3A_664 = tpu.memref_slice %arg11[%dma_start3A_662, %dma_start3A_663] : memref<10240x128xf32, #tpu.memory_space<vmem_shared>> -> memref<10240x128xf32, #tpu.memory_space<vmem_shared>>
      tpu.enqueue_indirect_dma source(%arg9 : memref<128x128xf32, #tpu.memory_space<vmem>>) target(%dma_start3A_664 : memref<10240x128xf32, #tpu.memory_space<vmem_shared>>) offsets(%dma_start3A_661 : memref<128xi32, #tpu.memory_space<vmem>>) semaphore(%arg14 : memref<!tpu.dma_semaphore, #tpu.memory_space<semaphore_mem>>) {add = true}
      %dma_wait3A_665 = arith.constant 22 : i32
      %dma_wait3A_666 = arith.constant 0 : i32
      %dma_wait3A_667 = tpu.memref_slice %arg8[%dma_wait3A_665, %dma_wait3A_666] : memref<40x128xi32, #tpu.memory_space<vmem>> -> memref<1x128xi32, #tpu.memory_space<vmem>>
      %dma_wait3A_668 = tpu.memref_squeeze %dma_wait3A_667 : memref<1x128xi32, #tpu.memory_space<vmem>> -> memref<128xi32, #tpu.memory_space<vmem>>
      %dma_wait3A_669 = arith.constant 0 : i32
      %dma_wait3A_670 = arith.constant 0 : i32
      %dma_wait3A_671 = tpu.memref_slice %arg11[%dma_wait3A_669, %dma_wait3A_670] : memref<10240x128xf32, #tpu.memory_space<vmem_shared>> -> memref<10240x128xf32, #tpu.memory_space<vmem_shared>>
      tpu.wait_indirect_dma semaphore(%arg14 : memref<!tpu.dma_semaphore, #tpu.memory_space<semaphore_mem>>) src(%arg9 : memref<128x128xf32, #tpu.memory_space<vmem>>) dst(%dma_wait3A_671 : memref<10240x128xf32, #tpu.memory_space<vmem_shared>>)
      %dma_start3A_672 = arith.constant 24 : i32
      %dma_start3A_673 = arith.constant 0 : i32
      %dma_start3A_674 = tpu.memref_slice %arg7[%dma_start3A_672, %dma_start3A_673] : memref<40x128xi32, #tpu.memory_space<vmem>> -> memref<1x128xi32, #tpu.memory_space<vmem>>
      %dma_start3A_675 = tpu.memref_squeeze %dma_start3A_674 : memref<1x128xi32, #tpu.memory_space<vmem>> -> memref<128xi32, #tpu.memory_space<vmem>>
      %dma_start3A_676 = arith.constant 0 : i32
      %dma_start3A_677 = arith.constant 0 : i32
      %dma_start3A_678 = tpu.memref_slice %arg2[%dma_start3A_676, %dma_start3A_677] : memref<10240x128xf32, #tpu.memory_space<hbm>> -> memref<10240x128xf32, #tpu.memory_space<hbm>>
      tpu.enqueue_indirect_dma source(%dma_start3A_678 : memref<10240x128xf32, #tpu.memory_space<hbm>>) target(%arg9 : memref<128x128xf32, #tpu.memory_space<vmem>>) offsets(%dma_start3A_675 : memref<128xi32, #tpu.memory_space<vmem>>) semaphore(%arg12 : memref<!tpu.dma_semaphore, #tpu.memory_space<semaphore_mem>>)
      %dma_wait3A_679 = arith.constant 23 : i32
      %dma_wait3A_680 = arith.constant 0 : i32
      %dma_wait3A_681 = tpu.memref_slice %arg7[%dma_wait3A_679, %dma_wait3A_680] : memref<40x128xi32, #tpu.memory_space<vmem>> -> memref<1x128xi32, #tpu.memory_space<vmem>>
      %dma_wait3A_682 = tpu.memref_squeeze %dma_wait3A_681 : memref<1x128xi32, #tpu.memory_space<vmem>> -> memref<128xi32, #tpu.memory_space<vmem>>
      %dma_wait3A_683 = arith.constant 0 : i32
      %dma_wait3A_684 = arith.constant 0 : i32
      %dma_wait3A_685 = tpu.memref_slice %arg2[%dma_wait3A_683, %dma_wait3A_684] : memref<10240x128xf32, #tpu.memory_space<hbm>> -> memref<10240x128xf32, #tpu.memory_space<hbm>>
      tpu.wait_indirect_dma semaphore(%arg13 : memref<!tpu.dma_semaphore, #tpu.memory_space<semaphore_mem>>) src(%dma_wait3A_685 : memref<10240x128xf32, #tpu.memory_space<hbm>>) dst(%arg10 : memref<128x128xf32, #tpu.memory_space<vmem>>)
      %dma_start3A_686 = arith.constant 23 : i32
      %dma_start3A_687 = arith.constant 0 : i32
      %dma_start3A_688 = tpu.memref_slice %arg8[%dma_start3A_686, %dma_start3A_687] : memref<40x128xi32, #tpu.memory_space<vmem>> -> memref<1x128xi32, #tpu.memory_space<vmem>>
      %dma_start3A_689 = tpu.memref_squeeze %dma_start3A_688 : memref<1x128xi32, #tpu.memory_space<vmem>> -> memref<128xi32, #tpu.memory_space<vmem>>
      %dma_start3A_690 = arith.constant 0 : i32
      %dma_start3A_691 = arith.constant 0 : i32
      %dma_start3A_692 = tpu.memref_slice %arg11[%dma_start3A_690, %dma_start3A_691] : memref<10240x128xf32, #tpu.memory_space<vmem_shared>> -> memref<10240x128xf32, #tpu.memory_space<vmem_shared>>
      tpu.enqueue_indirect_dma source(%arg10 : memref<128x128xf32, #tpu.memory_space<vmem>>) target(%dma_start3A_692 : memref<10240x128xf32, #tpu.memory_space<vmem_shared>>) offsets(%dma_start3A_689 : memref<128xi32, #tpu.memory_space<vmem>>) semaphore(%arg15 : memref<!tpu.dma_semaphore, #tpu.memory_space<semaphore_mem>>) {add = true}
      %dma_wait3A_693 = arith.constant 23 : i32
      %dma_wait3A_694 = arith.constant 0 : i32
      %dma_wait3A_695 = tpu.memref_slice %arg8[%dma_wait3A_693, %dma_wait3A_694] : memref<40x128xi32, #tpu.memory_space<vmem>> -> memref<1x128xi32, #tpu.memory_space<vmem>>
      %dma_wait3A_696 = tpu.memref_squeeze %dma_wait3A_695 : memref<1x128xi32, #tpu.memory_space<vmem>> -> memref<128xi32, #tpu.memory_space<vmem>>
      %dma_wait3A_697 = arith.constant 0 : i32
      %dma_wait3A_698 = arith.constant 0 : i32
      %dma_wait3A_699 = tpu.memref_slice %arg11[%dma_wait3A_697, %dma_wait3A_698] : memref<10240x128xf32, #tpu.memory_space<vmem_shared>> -> memref<10240x128xf32, #tpu.memory_space<vmem_shared>>
      tpu.wait_indirect_dma semaphore(%arg15 : memref<!tpu.dma_semaphore, #tpu.memory_space<semaphore_mem>>) src(%arg10 : memref<128x128xf32, #tpu.memory_space<vmem>>) dst(%dma_wait3A_699 : memref<10240x128xf32, #tpu.memory_space<vmem_shared>>)
      %dma_start3A_700 = arith.constant 25 : i32
      %dma_start3A_701 = arith.constant 0 : i32
      %dma_start3A_702 = tpu.memref_slice %arg7[%dma_start3A_700, %dma_start3A_701] : memref<40x128xi32, #tpu.memory_space<vmem>> -> memref<1x128xi32, #tpu.memory_space<vmem>>
      %dma_start3A_703 = tpu.memref_squeeze %dma_start3A_702 : memref<1x128xi32, #tpu.memory_space<vmem>> -> memref<128xi32, #tpu.memory_space<vmem>>
      %dma_start3A_704 = arith.constant 0 : i32
      %dma_start3A_705 = arith.constant 0 : i32
      %dma_start3A_706 = tpu.memref_slice %arg2[%dma_start3A_704, %dma_start3A_705] : memref<10240x128xf32, #tpu.memory_space<hbm>> -> memref<10240x128xf32, #tpu.memory_space<hbm>>
      tpu.enqueue_indirect_dma source(%dma_start3A_706 : memref<10240x128xf32, #tpu.memory_space<hbm>>) target(%arg10 : memref<128x128xf32, #tpu.memory_space<vmem>>) offsets(%dma_start3A_703 : memref<128xi32, #tpu.memory_space<vmem>>) semaphore(%arg13 : memref<!tpu.dma_semaphore, #tpu.memory_space<semaphore_mem>>)
      %dma_wait3A_707 = arith.constant 24 : i32
      %dma_wait3A_708 = arith.constant 0 : i32
      %dma_wait3A_709 = tpu.memref_slice %arg7[%dma_wait3A_707, %dma_wait3A_708] : memref<40x128xi32, #tpu.memory_space<vmem>> -> memref<1x128xi32, #tpu.memory_space<vmem>>
      %dma_wait3A_710 = tpu.memref_squeeze %dma_wait3A_709 : memref<1x128xi32, #tpu.memory_space<vmem>> -> memref<128xi32, #tpu.memory_space<vmem>>
      %dma_wait3A_711 = arith.constant 0 : i32
      %dma_wait3A_712 = arith.constant 0 : i32
      %dma_wait3A_713 = tpu.memref_slice %arg2[%dma_wait3A_711, %dma_wait3A_712] : memref<10240x128xf32, #tpu.memory_space<hbm>> -> memref<10240x128xf32, #tpu.memory_space<hbm>>
      tpu.wait_indirect_dma semaphore(%arg12 : memref<!tpu.dma_semaphore, #tpu.memory_space<semaphore_mem>>) src(%dma_wait3A_713 : memref<10240x128xf32, #tpu.memory_space<hbm>>) dst(%arg9 : memref<128x128xf32, #tpu.memory_space<vmem>>)
      %dma_start3A_714 = arith.constant 24 : i32
      %dma_start3A_715 = arith.constant 0 : i32
      %dma_start3A_716 = tpu.memref_slice %arg8[%dma_start3A_714, %dma_start3A_715] : memref<40x128xi32, #tpu.memory_space<vmem>> -> memref<1x128xi32, #tpu.memory_space<vmem>>
      %dma_start3A_717 = tpu.memref_squeeze %dma_start3A_716 : memref<1x128xi32, #tpu.memory_space<vmem>> -> memref<128xi32, #tpu.memory_space<vmem>>
      %dma_start3A_718 = arith.constant 0 : i32
      %dma_start3A_719 = arith.constant 0 : i32
      %dma_start3A_720 = tpu.memref_slice %arg11[%dma_start3A_718, %dma_start3A_719] : memref<10240x128xf32, #tpu.memory_space<vmem_shared>> -> memref<10240x128xf32, #tpu.memory_space<vmem_shared>>
      tpu.enqueue_indirect_dma source(%arg9 : memref<128x128xf32, #tpu.memory_space<vmem>>) target(%dma_start3A_720 : memref<10240x128xf32, #tpu.memory_space<vmem_shared>>) offsets(%dma_start3A_717 : memref<128xi32, #tpu.memory_space<vmem>>) semaphore(%arg14 : memref<!tpu.dma_semaphore, #tpu.memory_space<semaphore_mem>>) {add = true}
      %dma_wait3A_721 = arith.constant 24 : i32
      %dma_wait3A_722 = arith.constant 0 : i32
      %dma_wait3A_723 = tpu.memref_slice %arg8[%dma_wait3A_721, %dma_wait3A_722] : memref<40x128xi32, #tpu.memory_space<vmem>> -> memref<1x128xi32, #tpu.memory_space<vmem>>
      %dma_wait3A_724 = tpu.memref_squeeze %dma_wait3A_723 : memref<1x128xi32, #tpu.memory_space<vmem>> -> memref<128xi32, #tpu.memory_space<vmem>>
      %dma_wait3A_725 = arith.constant 0 : i32
      %dma_wait3A_726 = arith.constant 0 : i32
      %dma_wait3A_727 = tpu.memref_slice %arg11[%dma_wait3A_725, %dma_wait3A_726] : memref<10240x128xf32, #tpu.memory_space<vmem_shared>> -> memref<10240x128xf32, #tpu.memory_space<vmem_shared>>
      tpu.wait_indirect_dma semaphore(%arg14 : memref<!tpu.dma_semaphore, #tpu.memory_space<semaphore_mem>>) src(%arg9 : memref<128x128xf32, #tpu.memory_space<vmem>>) dst(%dma_wait3A_727 : memref<10240x128xf32, #tpu.memory_space<vmem_shared>>)
      %dma_start3A_728 = arith.constant 26 : i32
      %dma_start3A_729 = arith.constant 0 : i32
      %dma_start3A_730 = tpu.memref_slice %arg7[%dma_start3A_728, %dma_start3A_729] : memref<40x128xi32, #tpu.memory_space<vmem>> -> memref<1x128xi32, #tpu.memory_space<vmem>>
      %dma_start3A_731 = tpu.memref_squeeze %dma_start3A_730 : memref<1x128xi32, #tpu.memory_space<vmem>> -> memref<128xi32, #tpu.memory_space<vmem>>
      %dma_start3A_732 = arith.constant 0 : i32
      %dma_start3A_733 = arith.constant 0 : i32
      %dma_start3A_734 = tpu.memref_slice %arg2[%dma_start3A_732, %dma_start3A_733] : memref<10240x128xf32, #tpu.memory_space<hbm>> -> memref<10240x128xf32, #tpu.memory_space<hbm>>
      tpu.enqueue_indirect_dma source(%dma_start3A_734 : memref<10240x128xf32, #tpu.memory_space<hbm>>) target(%arg9 : memref<128x128xf32, #tpu.memory_space<vmem>>) offsets(%dma_start3A_731 : memref<128xi32, #tpu.memory_space<vmem>>) semaphore(%arg12 : memref<!tpu.dma_semaphore, #tpu.memory_space<semaphore_mem>>)
      %dma_wait3A_735 = arith.constant 25 : i32
      %dma_wait3A_736 = arith.constant 0 : i32
      %dma_wait3A_737 = tpu.memref_slice %arg7[%dma_wait3A_735, %dma_wait3A_736] : memref<40x128xi32, #tpu.memory_space<vmem>> -> memref<1x128xi32, #tpu.memory_space<vmem>>
      %dma_wait3A_738 = tpu.memref_squeeze %dma_wait3A_737 : memref<1x128xi32, #tpu.memory_space<vmem>> -> memref<128xi32, #tpu.memory_space<vmem>>
      %dma_wait3A_739 = arith.constant 0 : i32
      %dma_wait3A_740 = arith.constant 0 : i32
      %dma_wait3A_741 = tpu.memref_slice %arg2[%dma_wait3A_739, %dma_wait3A_740] : memref<10240x128xf32, #tpu.memory_space<hbm>> -> memref<10240x128xf32, #tpu.memory_space<hbm>>
      tpu.wait_indirect_dma semaphore(%arg13 : memref<!tpu.dma_semaphore, #tpu.memory_space<semaphore_mem>>) src(%dma_wait3A_741 : memref<10240x128xf32, #tpu.memory_space<hbm>>) dst(%arg10 : memref<128x128xf32, #tpu.memory_space<vmem>>)
      %dma_start3A_742 = arith.constant 25 : i32
      %dma_start3A_743 = arith.constant 0 : i32
      %dma_start3A_744 = tpu.memref_slice %arg8[%dma_start3A_742, %dma_start3A_743] : memref<40x128xi32, #tpu.memory_space<vmem>> -> memref<1x128xi32, #tpu.memory_space<vmem>>
      %dma_start3A_745 = tpu.memref_squeeze %dma_start3A_744 : memref<1x128xi32, #tpu.memory_space<vmem>> -> memref<128xi32, #tpu.memory_space<vmem>>
      %dma_start3A_746 = arith.constant 0 : i32
      %dma_start3A_747 = arith.constant 0 : i32
      %dma_start3A_748 = tpu.memref_slice %arg11[%dma_start3A_746, %dma_start3A_747] : memref<10240x128xf32, #tpu.memory_space<vmem_shared>> -> memref<10240x128xf32, #tpu.memory_space<vmem_shared>>
      tpu.enqueue_indirect_dma source(%arg10 : memref<128x128xf32, #tpu.memory_space<vmem>>) target(%dma_start3A_748 : memref<10240x128xf32, #tpu.memory_space<vmem_shared>>) offsets(%dma_start3A_745 : memref<128xi32, #tpu.memory_space<vmem>>) semaphore(%arg15 : memref<!tpu.dma_semaphore, #tpu.memory_space<semaphore_mem>>) {add = true}
      %dma_wait3A_749 = arith.constant 25 : i32
      %dma_wait3A_750 = arith.constant 0 : i32
      %dma_wait3A_751 = tpu.memref_slice %arg8[%dma_wait3A_749, %dma_wait3A_750] : memref<40x128xi32, #tpu.memory_space<vmem>> -> memref<1x128xi32, #tpu.memory_space<vmem>>
      %dma_wait3A_752 = tpu.memref_squeeze %dma_wait3A_751 : memref<1x128xi32, #tpu.memory_space<vmem>> -> memref<128xi32, #tpu.memory_space<vmem>>
      %dma_wait3A_753 = arith.constant 0 : i32
      %dma_wait3A_754 = arith.constant 0 : i32
      %dma_wait3A_755 = tpu.memref_slice %arg11[%dma_wait3A_753, %dma_wait3A_754] : memref<10240x128xf32, #tpu.memory_space<vmem_shared>> -> memref<10240x128xf32, #tpu.memory_space<vmem_shared>>
      tpu.wait_indirect_dma semaphore(%arg15 : memref<!tpu.dma_semaphore, #tpu.memory_space<semaphore_mem>>) src(%arg10 : memref<128x128xf32, #tpu.memory_space<vmem>>) dst(%dma_wait3A_755 : memref<10240x128xf32, #tpu.memory_space<vmem_shared>>)
      %dma_start3A_756 = arith.constant 27 : i32
      %dma_start3A_757 = arith.constant 0 : i32
      %dma_start3A_758 = tpu.memref_slice %arg7[%dma_start3A_756, %dma_start3A_757] : memref<40x128xi32, #tpu.memory_space<vmem>> -> memref<1x128xi32, #tpu.memory_space<vmem>>
      %dma_start3A_759 = tpu.memref_squeeze %dma_start3A_758 : memref<1x128xi32, #tpu.memory_space<vmem>> -> memref<128xi32, #tpu.memory_space<vmem>>
      %dma_start3A_760 = arith.constant 0 : i32
      %dma_start3A_761 = arith.constant 0 : i32
      %dma_start3A_762 = tpu.memref_slice %arg2[%dma_start3A_760, %dma_start3A_761] : memref<10240x128xf32, #tpu.memory_space<hbm>> -> memref<10240x128xf32, #tpu.memory_space<hbm>>
      tpu.enqueue_indirect_dma source(%dma_start3A_762 : memref<10240x128xf32, #tpu.memory_space<hbm>>) target(%arg10 : memref<128x128xf32, #tpu.memory_space<vmem>>) offsets(%dma_start3A_759 : memref<128xi32, #tpu.memory_space<vmem>>) semaphore(%arg13 : memref<!tpu.dma_semaphore, #tpu.memory_space<semaphore_mem>>)
      %dma_wait3A_763 = arith.constant 26 : i32
      %dma_wait3A_764 = arith.constant 0 : i32
      %dma_wait3A_765 = tpu.memref_slice %arg7[%dma_wait3A_763, %dma_wait3A_764] : memref<40x128xi32, #tpu.memory_space<vmem>> -> memref<1x128xi32, #tpu.memory_space<vmem>>
      %dma_wait3A_766 = tpu.memref_squeeze %dma_wait3A_765 : memref<1x128xi32, #tpu.memory_space<vmem>> -> memref<128xi32, #tpu.memory_space<vmem>>
      %dma_wait3A_767 = arith.constant 0 : i32
      %dma_wait3A_768 = arith.constant 0 : i32
      %dma_wait3A_769 = tpu.memref_slice %arg2[%dma_wait3A_767, %dma_wait3A_768] : memref<10240x128xf32, #tpu.memory_space<hbm>> -> memref<10240x128xf32, #tpu.memory_space<hbm>>
      tpu.wait_indirect_dma semaphore(%arg12 : memref<!tpu.dma_semaphore, #tpu.memory_space<semaphore_mem>>) src(%dma_wait3A_769 : memref<10240x128xf32, #tpu.memory_space<hbm>>) dst(%arg9 : memref<128x128xf32, #tpu.memory_space<vmem>>)
      %dma_start3A_770 = arith.constant 26 : i32
      %dma_start3A_771 = arith.constant 0 : i32
      %dma_start3A_772 = tpu.memref_slice %arg8[%dma_start3A_770, %dma_start3A_771] : memref<40x128xi32, #tpu.memory_space<vmem>> -> memref<1x128xi32, #tpu.memory_space<vmem>>
      %dma_start3A_773 = tpu.memref_squeeze %dma_start3A_772 : memref<1x128xi32, #tpu.memory_space<vmem>> -> memref<128xi32, #tpu.memory_space<vmem>>
      %dma_start3A_774 = arith.constant 0 : i32
      %dma_start3A_775 = arith.constant 0 : i32
      %dma_start3A_776 = tpu.memref_slice %arg11[%dma_start3A_774, %dma_start3A_775] : memref<10240x128xf32, #tpu.memory_space<vmem_shared>> -> memref<10240x128xf32, #tpu.memory_space<vmem_shared>>
      tpu.enqueue_indirect_dma source(%arg9 : memref<128x128xf32, #tpu.memory_space<vmem>>) target(%dma_start3A_776 : memref<10240x128xf32, #tpu.memory_space<vmem_shared>>) offsets(%dma_start3A_773 : memref<128xi32, #tpu.memory_space<vmem>>) semaphore(%arg14 : memref<!tpu.dma_semaphore, #tpu.memory_space<semaphore_mem>>) {add = true}
      %dma_wait3A_777 = arith.constant 26 : i32
      %dma_wait3A_778 = arith.constant 0 : i32
      %dma_wait3A_779 = tpu.memref_slice %arg8[%dma_wait3A_777, %dma_wait3A_778] : memref<40x128xi32, #tpu.memory_space<vmem>> -> memref<1x128xi32, #tpu.memory_space<vmem>>
      %dma_wait3A_780 = tpu.memref_squeeze %dma_wait3A_779 : memref<1x128xi32, #tpu.memory_space<vmem>> -> memref<128xi32, #tpu.memory_space<vmem>>
      %dma_wait3A_781 = arith.constant 0 : i32
      %dma_wait3A_782 = arith.constant 0 : i32
      %dma_wait3A_783 = tpu.memref_slice %arg11[%dma_wait3A_781, %dma_wait3A_782] : memref<10240x128xf32, #tpu.memory_space<vmem_shared>> -> memref<10240x128xf32, #tpu.memory_space<vmem_shared>>
      tpu.wait_indirect_dma semaphore(%arg14 : memref<!tpu.dma_semaphore, #tpu.memory_space<semaphore_mem>>) src(%arg9 : memref<128x128xf32, #tpu.memory_space<vmem>>) dst(%dma_wait3A_783 : memref<10240x128xf32, #tpu.memory_space<vmem_shared>>)
      %dma_start3A_784 = arith.constant 28 : i32
      %dma_start3A_785 = arith.constant 0 : i32
      %dma_start3A_786 = tpu.memref_slice %arg7[%dma_start3A_784, %dma_start3A_785] : memref<40x128xi32, #tpu.memory_space<vmem>> -> memref<1x128xi32, #tpu.memory_space<vmem>>
      %dma_start3A_787 = tpu.memref_squeeze %dma_start3A_786 : memref<1x128xi32, #tpu.memory_space<vmem>> -> memref<128xi32, #tpu.memory_space<vmem>>
      %dma_start3A_788 = arith.constant 0 : i32
      %dma_start3A_789 = arith.constant 0 : i32
      %dma_start3A_790 = tpu.memref_slice %arg2[%dma_start3A_788, %dma_start3A_789] : memref<10240x128xf32, #tpu.memory_space<hbm>> -> memref<10240x128xf32, #tpu.memory_space<hbm>>
      tpu.enqueue_indirect_dma source(%dma_start3A_790 : memref<10240x128xf32, #tpu.memory_space<hbm>>) target(%arg9 : memref<128x128xf32, #tpu.memory_space<vmem>>) offsets(%dma_start3A_787 : memref<128xi32, #tpu.memory_space<vmem>>) semaphore(%arg12 : memref<!tpu.dma_semaphore, #tpu.memory_space<semaphore_mem>>)
      %dma_wait3A_791 = arith.constant 27 : i32
      %dma_wait3A_792 = arith.constant 0 : i32
      %dma_wait3A_793 = tpu.memref_slice %arg7[%dma_wait3A_791, %dma_wait3A_792] : memref<40x128xi32, #tpu.memory_space<vmem>> -> memref<1x128xi32, #tpu.memory_space<vmem>>
      %dma_wait3A_794 = tpu.memref_squeeze %dma_wait3A_793 : memref<1x128xi32, #tpu.memory_space<vmem>> -> memref<128xi32, #tpu.memory_space<vmem>>
      %dma_wait3A_795 = arith.constant 0 : i32
      %dma_wait3A_796 = arith.constant 0 : i32
      %dma_wait3A_797 = tpu.memref_slice %arg2[%dma_wait3A_795, %dma_wait3A_796] : memref<10240x128xf32, #tpu.memory_space<hbm>> -> memref<10240x128xf32, #tpu.memory_space<hbm>>
      tpu.wait_indirect_dma semaphore(%arg13 : memref<!tpu.dma_semaphore, #tpu.memory_space<semaphore_mem>>) src(%dma_wait3A_797 : memref<10240x128xf32, #tpu.memory_space<hbm>>) dst(%arg10 : memref<128x128xf32, #tpu.memory_space<vmem>>)
      %dma_start3A_798 = arith.constant 27 : i32
      %dma_start3A_799 = arith.constant 0 : i32
      %dma_start3A_800 = tpu.memref_slice %arg8[%dma_start3A_798, %dma_start3A_799] : memref<40x128xi32, #tpu.memory_space<vmem>> -> memref<1x128xi32, #tpu.memory_space<vmem>>
      %dma_start3A_801 = tpu.memref_squeeze %dma_start3A_800 : memref<1x128xi32, #tpu.memory_space<vmem>> -> memref<128xi32, #tpu.memory_space<vmem>>
      %dma_start3A_802 = arith.constant 0 : i32
      %dma_start3A_803 = arith.constant 0 : i32
      %dma_start3A_804 = tpu.memref_slice %arg11[%dma_start3A_802, %dma_start3A_803] : memref<10240x128xf32, #tpu.memory_space<vmem_shared>> -> memref<10240x128xf32, #tpu.memory_space<vmem_shared>>
      tpu.enqueue_indirect_dma source(%arg10 : memref<128x128xf32, #tpu.memory_space<vmem>>) target(%dma_start3A_804 : memref<10240x128xf32, #tpu.memory_space<vmem_shared>>) offsets(%dma_start3A_801 : memref<128xi32, #tpu.memory_space<vmem>>) semaphore(%arg15 : memref<!tpu.dma_semaphore, #tpu.memory_space<semaphore_mem>>) {add = true}
      %dma_wait3A_805 = arith.constant 27 : i32
      %dma_wait3A_806 = arith.constant 0 : i32
      %dma_wait3A_807 = tpu.memref_slice %arg8[%dma_wait3A_805, %dma_wait3A_806] : memref<40x128xi32, #tpu.memory_space<vmem>> -> memref<1x128xi32, #tpu.memory_space<vmem>>
      %dma_wait3A_808 = tpu.memref_squeeze %dma_wait3A_807 : memref<1x128xi32, #tpu.memory_space<vmem>> -> memref<128xi32, #tpu.memory_space<vmem>>
      %dma_wait3A_809 = arith.constant 0 : i32
      %dma_wait3A_810 = arith.constant 0 : i32
      %dma_wait3A_811 = tpu.memref_slice %arg11[%dma_wait3A_809, %dma_wait3A_810] : memref<10240x128xf32, #tpu.memory_space<vmem_shared>> -> memref<10240x128xf32, #tpu.memory_space<vmem_shared>>
      tpu.wait_indirect_dma semaphore(%arg15 : memref<!tpu.dma_semaphore, #tpu.memory_space<semaphore_mem>>) src(%arg10 : memref<128x128xf32, #tpu.memory_space<vmem>>) dst(%dma_wait3A_811 : memref<10240x128xf32, #tpu.memory_space<vmem_shared>>)
      %dma_start3A_812 = arith.constant 29 : i32
      %dma_start3A_813 = arith.constant 0 : i32
      %dma_start3A_814 = tpu.memref_slice %arg7[%dma_start3A_812, %dma_start3A_813] : memref<40x128xi32, #tpu.memory_space<vmem>> -> memref<1x128xi32, #tpu.memory_space<vmem>>
      %dma_start3A_815 = tpu.memref_squeeze %dma_start3A_814 : memref<1x128xi32, #tpu.memory_space<vmem>> -> memref<128xi32, #tpu.memory_space<vmem>>
      %dma_start3A_816 = arith.constant 0 : i32
      %dma_start3A_817 = arith.constant 0 : i32
      %dma_start3A_818 = tpu.memref_slice %arg2[%dma_start3A_816, %dma_start3A_817] : memref<10240x128xf32, #tpu.memory_space<hbm>> -> memref<10240x128xf32, #tpu.memory_space<hbm>>
      tpu.enqueue_indirect_dma source(%dma_start3A_818 : memref<10240x128xf32, #tpu.memory_space<hbm>>) target(%arg10 : memref<128x128xf32, #tpu.memory_space<vmem>>) offsets(%dma_start3A_815 : memref<128xi32, #tpu.memory_space<vmem>>) semaphore(%arg13 : memref<!tpu.dma_semaphore, #tpu.memory_space<semaphore_mem>>)
      %dma_wait3A_819 = arith.constant 28 : i32
      %dma_wait3A_820 = arith.constant 0 : i32
      %dma_wait3A_821 = tpu.memref_slice %arg7[%dma_wait3A_819, %dma_wait3A_820] : memref<40x128xi32, #tpu.memory_space<vmem>> -> memref<1x128xi32, #tpu.memory_space<vmem>>
      %dma_wait3A_822 = tpu.memref_squeeze %dma_wait3A_821 : memref<1x128xi32, #tpu.memory_space<vmem>> -> memref<128xi32, #tpu.memory_space<vmem>>
      %dma_wait3A_823 = arith.constant 0 : i32
      %dma_wait3A_824 = arith.constant 0 : i32
      %dma_wait3A_825 = tpu.memref_slice %arg2[%dma_wait3A_823, %dma_wait3A_824] : memref<10240x128xf32, #tpu.memory_space<hbm>> -> memref<10240x128xf32, #tpu.memory_space<hbm>>
      tpu.wait_indirect_dma semaphore(%arg12 : memref<!tpu.dma_semaphore, #tpu.memory_space<semaphore_mem>>) src(%dma_wait3A_825 : memref<10240x128xf32, #tpu.memory_space<hbm>>) dst(%arg9 : memref<128x128xf32, #tpu.memory_space<vmem>>)
      %dma_start3A_826 = arith.constant 28 : i32
      %dma_start3A_827 = arith.constant 0 : i32
      %dma_start3A_828 = tpu.memref_slice %arg8[%dma_start3A_826, %dma_start3A_827] : memref<40x128xi32, #tpu.memory_space<vmem>> -> memref<1x128xi32, #tpu.memory_space<vmem>>
      %dma_start3A_829 = tpu.memref_squeeze %dma_start3A_828 : memref<1x128xi32, #tpu.memory_space<vmem>> -> memref<128xi32, #tpu.memory_space<vmem>>
      %dma_start3A_830 = arith.constant 0 : i32
      %dma_start3A_831 = arith.constant 0 : i32
      %dma_start3A_832 = tpu.memref_slice %arg11[%dma_start3A_830, %dma_start3A_831] : memref<10240x128xf32, #tpu.memory_space<vmem_shared>> -> memref<10240x128xf32, #tpu.memory_space<vmem_shared>>
      tpu.enqueue_indirect_dma source(%arg9 : memref<128x128xf32, #tpu.memory_space<vmem>>) target(%dma_start3A_832 : memref<10240x128xf32, #tpu.memory_space<vmem_shared>>) offsets(%dma_start3A_829 : memref<128xi32, #tpu.memory_space<vmem>>) semaphore(%arg14 : memref<!tpu.dma_semaphore, #tpu.memory_space<semaphore_mem>>) {add = true}
      %dma_wait3A_833 = arith.constant 28 : i32
      %dma_wait3A_834 = arith.constant 0 : i32
      %dma_wait3A_835 = tpu.memref_slice %arg8[%dma_wait3A_833, %dma_wait3A_834] : memref<40x128xi32, #tpu.memory_space<vmem>> -> memref<1x128xi32, #tpu.memory_space<vmem>>
      %dma_wait3A_836 = tpu.memref_squeeze %dma_wait3A_835 : memref<1x128xi32, #tpu.memory_space<vmem>> -> memref<128xi32, #tpu.memory_space<vmem>>
      %dma_wait3A_837 = arith.constant 0 : i32
      %dma_wait3A_838 = arith.constant 0 : i32
      %dma_wait3A_839 = tpu.memref_slice %arg11[%dma_wait3A_837, %dma_wait3A_838] : memref<10240x128xf32, #tpu.memory_space<vmem_shared>> -> memref<10240x128xf32, #tpu.memory_space<vmem_shared>>
      tpu.wait_indirect_dma semaphore(%arg14 : memref<!tpu.dma_semaphore, #tpu.memory_space<semaphore_mem>>) src(%arg9 : memref<128x128xf32, #tpu.memory_space<vmem>>) dst(%dma_wait3A_839 : memref<10240x128xf32, #tpu.memory_space<vmem_shared>>)
      %dma_start3A_840 = arith.constant 30 : i32
      %dma_start3A_841 = arith.constant 0 : i32
      %dma_start3A_842 = tpu.memref_slice %arg7[%dma_start3A_840, %dma_start3A_841] : memref<40x128xi32, #tpu.memory_space<vmem>> -> memref<1x128xi32, #tpu.memory_space<vmem>>
      %dma_start3A_843 = tpu.memref_squeeze %dma_start3A_842 : memref<1x128xi32, #tpu.memory_space<vmem>> -> memref<128xi32, #tpu.memory_space<vmem>>
      %dma_start3A_844 = arith.constant 0 : i32
      %dma_start3A_845 = arith.constant 0 : i32
      %dma_start3A_846 = tpu.memref_slice %arg2[%dma_start3A_844, %dma_start3A_845] : memref<10240x128xf32, #tpu.memory_space<hbm>> -> memref<10240x128xf32, #tpu.memory_space<hbm>>
      tpu.enqueue_indirect_dma source(%dma_start3A_846 : memref<10240x128xf32, #tpu.memory_space<hbm>>) target(%arg9 : memref<128x128xf32, #tpu.memory_space<vmem>>) offsets(%dma_start3A_843 : memref<128xi32, #tpu.memory_space<vmem>>) semaphore(%arg12 : memref<!tpu.dma_semaphore, #tpu.memory_space<semaphore_mem>>)
      %dma_wait3A_847 = arith.constant 29 : i32
      %dma_wait3A_848 = arith.constant 0 : i32
      %dma_wait3A_849 = tpu.memref_slice %arg7[%dma_wait3A_847, %dma_wait3A_848] : memref<40x128xi32, #tpu.memory_space<vmem>> -> memref<1x128xi32, #tpu.memory_space<vmem>>
      %dma_wait3A_850 = tpu.memref_squeeze %dma_wait3A_849 : memref<1x128xi32, #tpu.memory_space<vmem>> -> memref<128xi32, #tpu.memory_space<vmem>>
      %dma_wait3A_851 = arith.constant 0 : i32
      %dma_wait3A_852 = arith.constant 0 : i32
      %dma_wait3A_853 = tpu.memref_slice %arg2[%dma_wait3A_851, %dma_wait3A_852] : memref<10240x128xf32, #tpu.memory_space<hbm>> -> memref<10240x128xf32, #tpu.memory_space<hbm>>
      tpu.wait_indirect_dma semaphore(%arg13 : memref<!tpu.dma_semaphore, #tpu.memory_space<semaphore_mem>>) src(%dma_wait3A_853 : memref<10240x128xf32, #tpu.memory_space<hbm>>) dst(%arg10 : memref<128x128xf32, #tpu.memory_space<vmem>>)
      %dma_start3A_854 = arith.constant 29 : i32
      %dma_start3A_855 = arith.constant 0 : i32
      %dma_start3A_856 = tpu.memref_slice %arg8[%dma_start3A_854, %dma_start3A_855] : memref<40x128xi32, #tpu.memory_space<vmem>> -> memref<1x128xi32, #tpu.memory_space<vmem>>
      %dma_start3A_857 = tpu.memref_squeeze %dma_start3A_856 : memref<1x128xi32, #tpu.memory_space<vmem>> -> memref<128xi32, #tpu.memory_space<vmem>>
      %dma_start3A_858 = arith.constant 0 : i32
      %dma_start3A_859 = arith.constant 0 : i32
      %dma_start3A_860 = tpu.memref_slice %arg11[%dma_start3A_858, %dma_start3A_859] : memref<10240x128xf32, #tpu.memory_space<vmem_shared>> -> memref<10240x128xf32, #tpu.memory_space<vmem_shared>>
      tpu.enqueue_indirect_dma source(%arg10 : memref<128x128xf32, #tpu.memory_space<vmem>>) target(%dma_start3A_860 : memref<10240x128xf32, #tpu.memory_space<vmem_shared>>) offsets(%dma_start3A_857 : memref<128xi32, #tpu.memory_space<vmem>>) semaphore(%arg15 : memref<!tpu.dma_semaphore, #tpu.memory_space<semaphore_mem>>) {add = true}
      %dma_wait3A_861 = arith.constant 29 : i32
      %dma_wait3A_862 = arith.constant 0 : i32
      %dma_wait3A_863 = tpu.memref_slice %arg8[%dma_wait3A_861, %dma_wait3A_862] : memref<40x128xi32, #tpu.memory_space<vmem>> -> memref<1x128xi32, #tpu.memory_space<vmem>>
      %dma_wait3A_864 = tpu.memref_squeeze %dma_wait3A_863 : memref<1x128xi32, #tpu.memory_space<vmem>> -> memref<128xi32, #tpu.memory_space<vmem>>
      %dma_wait3A_865 = arith.constant 0 : i32
      %dma_wait3A_866 = arith.constant 0 : i32
      %dma_wait3A_867 = tpu.memref_slice %arg11[%dma_wait3A_865, %dma_wait3A_866] : memref<10240x128xf32, #tpu.memory_space<vmem_shared>> -> memref<10240x128xf32, #tpu.memory_space<vmem_shared>>
      tpu.wait_indirect_dma semaphore(%arg15 : memref<!tpu.dma_semaphore, #tpu.memory_space<semaphore_mem>>) src(%arg10 : memref<128x128xf32, #tpu.memory_space<vmem>>) dst(%dma_wait3A_867 : memref<10240x128xf32, #tpu.memory_space<vmem_shared>>)
      %dma_start3A_868 = arith.constant 31 : i32
      %dma_start3A_869 = arith.constant 0 : i32
      %dma_start3A_870 = tpu.memref_slice %arg7[%dma_start3A_868, %dma_start3A_869] : memref<40x128xi32, #tpu.memory_space<vmem>> -> memref<1x128xi32, #tpu.memory_space<vmem>>
      %dma_start3A_871 = tpu.memref_squeeze %dma_start3A_870 : memref<1x128xi32, #tpu.memory_space<vmem>> -> memref<128xi32, #tpu.memory_space<vmem>>
      %dma_start3A_872 = arith.constant 0 : i32
      %dma_start3A_873 = arith.constant 0 : i32
      %dma_start3A_874 = tpu.memref_slice %arg2[%dma_start3A_872, %dma_start3A_873] : memref<10240x128xf32, #tpu.memory_space<hbm>> -> memref<10240x128xf32, #tpu.memory_space<hbm>>
      tpu.enqueue_indirect_dma source(%dma_start3A_874 : memref<10240x128xf32, #tpu.memory_space<hbm>>) target(%arg10 : memref<128x128xf32, #tpu.memory_space<vmem>>) offsets(%dma_start3A_871 : memref<128xi32, #tpu.memory_space<vmem>>) semaphore(%arg13 : memref<!tpu.dma_semaphore, #tpu.memory_space<semaphore_mem>>)
      %dma_wait3A_875 = arith.constant 30 : i32
      %dma_wait3A_876 = arith.constant 0 : i32
      %dma_wait3A_877 = tpu.memref_slice %arg7[%dma_wait3A_875, %dma_wait3A_876] : memref<40x128xi32, #tpu.memory_space<vmem>> -> memref<1x128xi32, #tpu.memory_space<vmem>>
      %dma_wait3A_878 = tpu.memref_squeeze %dma_wait3A_877 : memref<1x128xi32, #tpu.memory_space<vmem>> -> memref<128xi32, #tpu.memory_space<vmem>>
      %dma_wait3A_879 = arith.constant 0 : i32
      %dma_wait3A_880 = arith.constant 0 : i32
      %dma_wait3A_881 = tpu.memref_slice %arg2[%dma_wait3A_879, %dma_wait3A_880] : memref<10240x128xf32, #tpu.memory_space<hbm>> -> memref<10240x128xf32, #tpu.memory_space<hbm>>
      tpu.wait_indirect_dma semaphore(%arg12 : memref<!tpu.dma_semaphore, #tpu.memory_space<semaphore_mem>>) src(%dma_wait3A_881 : memref<10240x128xf32, #tpu.memory_space<hbm>>) dst(%arg9 : memref<128x128xf32, #tpu.memory_space<vmem>>)
      %dma_start3A_882 = arith.constant 30 : i32
      %dma_start3A_883 = arith.constant 0 : i32
      %dma_start3A_884 = tpu.memref_slice %arg8[%dma_start3A_882, %dma_start3A_883] : memref<40x128xi32, #tpu.memory_space<vmem>> -> memref<1x128xi32, #tpu.memory_space<vmem>>
      %dma_start3A_885 = tpu.memref_squeeze %dma_start3A_884 : memref<1x128xi32, #tpu.memory_space<vmem>> -> memref<128xi32, #tpu.memory_space<vmem>>
      %dma_start3A_886 = arith.constant 0 : i32
      %dma_start3A_887 = arith.constant 0 : i32
      %dma_start3A_888 = tpu.memref_slice %arg11[%dma_start3A_886, %dma_start3A_887] : memref<10240x128xf32, #tpu.memory_space<vmem_shared>> -> memref<10240x128xf32, #tpu.memory_space<vmem_shared>>
      tpu.enqueue_indirect_dma source(%arg9 : memref<128x128xf32, #tpu.memory_space<vmem>>) target(%dma_start3A_888 : memref<10240x128xf32, #tpu.memory_space<vmem_shared>>) offsets(%dma_start3A_885 : memref<128xi32, #tpu.memory_space<vmem>>) semaphore(%arg14 : memref<!tpu.dma_semaphore, #tpu.memory_space<semaphore_mem>>) {add = true}
      %dma_wait3A_889 = arith.constant 30 : i32
      %dma_wait3A_890 = arith.constant 0 : i32
      %dma_wait3A_891 = tpu.memref_slice %arg8[%dma_wait3A_889, %dma_wait3A_890] : memref<40x128xi32, #tpu.memory_space<vmem>> -> memref<1x128xi32, #tpu.memory_space<vmem>>
      %dma_wait3A_892 = tpu.memref_squeeze %dma_wait3A_891 : memref<1x128xi32, #tpu.memory_space<vmem>> -> memref<128xi32, #tpu.memory_space<vmem>>
      %dma_wait3A_893 = arith.constant 0 : i32
      %dma_wait3A_894 = arith.constant 0 : i32
      %dma_wait3A_895 = tpu.memref_slice %arg11[%dma_wait3A_893, %dma_wait3A_894] : memref<10240x128xf32, #tpu.memory_space<vmem_shared>> -> memref<10240x128xf32, #tpu.memory_space<vmem_shared>>
      tpu.wait_indirect_dma semaphore(%arg14 : memref<!tpu.dma_semaphore, #tpu.memory_space<semaphore_mem>>) src(%arg9 : memref<128x128xf32, #tpu.memory_space<vmem>>) dst(%dma_wait3A_895 : memref<10240x128xf32, #tpu.memory_space<vmem_shared>>)
      %dma_start3A_896 = arith.constant 32 : i32
      %dma_start3A_897 = arith.constant 0 : i32
      %dma_start3A_898 = tpu.memref_slice %arg7[%dma_start3A_896, %dma_start3A_897] : memref<40x128xi32, #tpu.memory_space<vmem>> -> memref<1x128xi32, #tpu.memory_space<vmem>>
      %dma_start3A_899 = tpu.memref_squeeze %dma_start3A_898 : memref<1x128xi32, #tpu.memory_space<vmem>> -> memref<128xi32, #tpu.memory_space<vmem>>
      %dma_start3A_900 = arith.constant 0 : i32
      %dma_start3A_901 = arith.constant 0 : i32
      %dma_start3A_902 = tpu.memref_slice %arg2[%dma_start3A_900, %dma_start3A_901] : memref<10240x128xf32, #tpu.memory_space<hbm>> -> memref<10240x128xf32, #tpu.memory_space<hbm>>
      tpu.enqueue_indirect_dma source(%dma_start3A_902 : memref<10240x128xf32, #tpu.memory_space<hbm>>) target(%arg9 : memref<128x128xf32, #tpu.memory_space<vmem>>) offsets(%dma_start3A_899 : memref<128xi32, #tpu.memory_space<vmem>>) semaphore(%arg12 : memref<!tpu.dma_semaphore, #tpu.memory_space<semaphore_mem>>)
      %dma_wait3A_903 = arith.constant 31 : i32
      %dma_wait3A_904 = arith.constant 0 : i32
      %dma_wait3A_905 = tpu.memref_slice %arg7[%dma_wait3A_903, %dma_wait3A_904] : memref<40x128xi32, #tpu.memory_space<vmem>> -> memref<1x128xi32, #tpu.memory_space<vmem>>
      %dma_wait3A_906 = tpu.memref_squeeze %dma_wait3A_905 : memref<1x128xi32, #tpu.memory_space<vmem>> -> memref<128xi32, #tpu.memory_space<vmem>>
      %dma_wait3A_907 = arith.constant 0 : i32
      %dma_wait3A_908 = arith.constant 0 : i32
      %dma_wait3A_909 = tpu.memref_slice %arg2[%dma_wait3A_907, %dma_wait3A_908] : memref<10240x128xf32, #tpu.memory_space<hbm>> -> memref<10240x128xf32, #tpu.memory_space<hbm>>
      tpu.wait_indirect_dma semaphore(%arg13 : memref<!tpu.dma_semaphore, #tpu.memory_space<semaphore_mem>>) src(%dma_wait3A_909 : memref<10240x128xf32, #tpu.memory_space<hbm>>) dst(%arg10 : memref<128x128xf32, #tpu.memory_space<vmem>>)
      %dma_start3A_910 = arith.constant 31 : i32
      %dma_start3A_911 = arith.constant 0 : i32
      %dma_start3A_912 = tpu.memref_slice %arg8[%dma_start3A_910, %dma_start3A_911] : memref<40x128xi32, #tpu.memory_space<vmem>> -> memref<1x128xi32, #tpu.memory_space<vmem>>
      %dma_start3A_913 = tpu.memref_squeeze %dma_start3A_912 : memref<1x128xi32, #tpu.memory_space<vmem>> -> memref<128xi32, #tpu.memory_space<vmem>>
      %dma_start3A_914 = arith.constant 0 : i32
      %dma_start3A_915 = arith.constant 0 : i32
      %dma_start3A_916 = tpu.memref_slice %arg11[%dma_start3A_914, %dma_start3A_915] : memref<10240x128xf32, #tpu.memory_space<vmem_shared>> -> memref<10240x128xf32, #tpu.memory_space<vmem_shared>>
      tpu.enqueue_indirect_dma source(%arg10 : memref<128x128xf32, #tpu.memory_space<vmem>>) target(%dma_start3A_916 : memref<10240x128xf32, #tpu.memory_space<vmem_shared>>) offsets(%dma_start3A_913 : memref<128xi32, #tpu.memory_space<vmem>>) semaphore(%arg15 : memref<!tpu.dma_semaphore, #tpu.memory_space<semaphore_mem>>) {add = true}
      %dma_wait3A_917 = arith.constant 31 : i32
      %dma_wait3A_918 = arith.constant 0 : i32
      %dma_wait3A_919 = tpu.memref_slice %arg8[%dma_wait3A_917, %dma_wait3A_918] : memref<40x128xi32, #tpu.memory_space<vmem>> -> memref<1x128xi32, #tpu.memory_space<vmem>>
      %dma_wait3A_920 = tpu.memref_squeeze %dma_wait3A_919 : memref<1x128xi32, #tpu.memory_space<vmem>> -> memref<128xi32, #tpu.memory_space<vmem>>
      %dma_wait3A_921 = arith.constant 0 : i32
      %dma_wait3A_922 = arith.constant 0 : i32
      %dma_wait3A_923 = tpu.memref_slice %arg11[%dma_wait3A_921, %dma_wait3A_922] : memref<10240x128xf32, #tpu.memory_space<vmem_shared>> -> memref<10240x128xf32, #tpu.memory_space<vmem_shared>>
      tpu.wait_indirect_dma semaphore(%arg15 : memref<!tpu.dma_semaphore, #tpu.memory_space<semaphore_mem>>) src(%arg10 : memref<128x128xf32, #tpu.memory_space<vmem>>) dst(%dma_wait3A_923 : memref<10240x128xf32, #tpu.memory_space<vmem_shared>>)
      %dma_start3A_924 = arith.constant 33 : i32
      %dma_start3A_925 = arith.constant 0 : i32
      %dma_start3A_926 = tpu.memref_slice %arg7[%dma_start3A_924, %dma_start3A_925] : memref<40x128xi32, #tpu.memory_space<vmem>> -> memref<1x128xi32, #tpu.memory_space<vmem>>
      %dma_start3A_927 = tpu.memref_squeeze %dma_start3A_926 : memref<1x128xi32, #tpu.memory_space<vmem>> -> memref<128xi32, #tpu.memory_space<vmem>>
      %dma_start3A_928 = arith.constant 0 : i32
      %dma_start3A_929 = arith.constant 0 : i32
      %dma_start3A_930 = tpu.memref_slice %arg2[%dma_start3A_928, %dma_start3A_929] : memref<10240x128xf32, #tpu.memory_space<hbm>> -> memref<10240x128xf32, #tpu.memory_space<hbm>>
      tpu.enqueue_indirect_dma source(%dma_start3A_930 : memref<10240x128xf32, #tpu.memory_space<hbm>>) target(%arg10 : memref<128x128xf32, #tpu.memory_space<vmem>>) offsets(%dma_start3A_927 : memref<128xi32, #tpu.memory_space<vmem>>) semaphore(%arg13 : memref<!tpu.dma_semaphore, #tpu.memory_space<semaphore_mem>>)
      %dma_wait3A_931 = arith.constant 32 : i32
      %dma_wait3A_932 = arith.constant 0 : i32
      %dma_wait3A_933 = tpu.memref_slice %arg7[%dma_wait3A_931, %dma_wait3A_932] : memref<40x128xi32, #tpu.memory_space<vmem>> -> memref<1x128xi32, #tpu.memory_space<vmem>>
      %dma_wait3A_934 = tpu.memref_squeeze %dma_wait3A_933 : memref<1x128xi32, #tpu.memory_space<vmem>> -> memref<128xi32, #tpu.memory_space<vmem>>
      %dma_wait3A_935 = arith.constant 0 : i32
      %dma_wait3A_936 = arith.constant 0 : i32
      %dma_wait3A_937 = tpu.memref_slice %arg2[%dma_wait3A_935, %dma_wait3A_936] : memref<10240x128xf32, #tpu.memory_space<hbm>> -> memref<10240x128xf32, #tpu.memory_space<hbm>>
      tpu.wait_indirect_dma semaphore(%arg12 : memref<!tpu.dma_semaphore, #tpu.memory_space<semaphore_mem>>) src(%dma_wait3A_937 : memref<10240x128xf32, #tpu.memory_space<hbm>>) dst(%arg9 : memref<128x128xf32, #tpu.memory_space<vmem>>)
      %dma_start3A_938 = arith.constant 32 : i32
      %dma_start3A_939 = arith.constant 0 : i32
      %dma_start3A_940 = tpu.memref_slice %arg8[%dma_start3A_938, %dma_start3A_939] : memref<40x128xi32, #tpu.memory_space<vmem>> -> memref<1x128xi32, #tpu.memory_space<vmem>>
      %dma_start3A_941 = tpu.memref_squeeze %dma_start3A_940 : memref<1x128xi32, #tpu.memory_space<vmem>> -> memref<128xi32, #tpu.memory_space<vmem>>
      %dma_start3A_942 = arith.constant 0 : i32
      %dma_start3A_943 = arith.constant 0 : i32
      %dma_start3A_944 = tpu.memref_slice %arg11[%dma_start3A_942, %dma_start3A_943] : memref<10240x128xf32, #tpu.memory_space<vmem_shared>> -> memref<10240x128xf32, #tpu.memory_space<vmem_shared>>
      tpu.enqueue_indirect_dma source(%arg9 : memref<128x128xf32, #tpu.memory_space<vmem>>) target(%dma_start3A_944 : memref<10240x128xf32, #tpu.memory_space<vmem_shared>>) offsets(%dma_start3A_941 : memref<128xi32, #tpu.memory_space<vmem>>) semaphore(%arg14 : memref<!tpu.dma_semaphore, #tpu.memory_space<semaphore_mem>>) {add = true}
      %dma_wait3A_945 = arith.constant 32 : i32
      %dma_wait3A_946 = arith.constant 0 : i32
      %dma_wait3A_947 = tpu.memref_slice %arg8[%dma_wait3A_945, %dma_wait3A_946] : memref<40x128xi32, #tpu.memory_space<vmem>> -> memref<1x128xi32, #tpu.memory_space<vmem>>
      %dma_wait3A_948 = tpu.memref_squeeze %dma_wait3A_947 : memref<1x128xi32, #tpu.memory_space<vmem>> -> memref<128xi32, #tpu.memory_space<vmem>>
      %dma_wait3A_949 = arith.constant 0 : i32
      %dma_wait3A_950 = arith.constant 0 : i32
      %dma_wait3A_951 = tpu.memref_slice %arg11[%dma_wait3A_949, %dma_wait3A_950] : memref<10240x128xf32, #tpu.memory_space<vmem_shared>> -> memref<10240x128xf32, #tpu.memory_space<vmem_shared>>
      tpu.wait_indirect_dma semaphore(%arg14 : memref<!tpu.dma_semaphore, #tpu.memory_space<semaphore_mem>>) src(%arg9 : memref<128x128xf32, #tpu.memory_space<vmem>>) dst(%dma_wait3A_951 : memref<10240x128xf32, #tpu.memory_space<vmem_shared>>)
      %dma_start3A_952 = arith.constant 34 : i32
      %dma_start3A_953 = arith.constant 0 : i32
      %dma_start3A_954 = tpu.memref_slice %arg7[%dma_start3A_952, %dma_start3A_953] : memref<40x128xi32, #tpu.memory_space<vmem>> -> memref<1x128xi32, #tpu.memory_space<vmem>>
      %dma_start3A_955 = tpu.memref_squeeze %dma_start3A_954 : memref<1x128xi32, #tpu.memory_space<vmem>> -> memref<128xi32, #tpu.memory_space<vmem>>
      %dma_start3A_956 = arith.constant 0 : i32
      %dma_start3A_957 = arith.constant 0 : i32
      %dma_start3A_958 = tpu.memref_slice %arg2[%dma_start3A_956, %dma_start3A_957] : memref<10240x128xf32, #tpu.memory_space<hbm>> -> memref<10240x128xf32, #tpu.memory_space<hbm>>
      tpu.enqueue_indirect_dma source(%dma_start3A_958 : memref<10240x128xf32, #tpu.memory_space<hbm>>) target(%arg9 : memref<128x128xf32, #tpu.memory_space<vmem>>) offsets(%dma_start3A_955 : memref<128xi32, #tpu.memory_space<vmem>>) semaphore(%arg12 : memref<!tpu.dma_semaphore, #tpu.memory_space<semaphore_mem>>)
      %dma_wait3A_959 = arith.constant 33 : i32
      %dma_wait3A_960 = arith.constant 0 : i32
      %dma_wait3A_961 = tpu.memref_slice %arg7[%dma_wait3A_959, %dma_wait3A_960] : memref<40x128xi32, #tpu.memory_space<vmem>> -> memref<1x128xi32, #tpu.memory_space<vmem>>
      %dma_wait3A_962 = tpu.memref_squeeze %dma_wait3A_961 : memref<1x128xi32, #tpu.memory_space<vmem>> -> memref<128xi32, #tpu.memory_space<vmem>>
      %dma_wait3A_963 = arith.constant 0 : i32
      %dma_wait3A_964 = arith.constant 0 : i32
      %dma_wait3A_965 = tpu.memref_slice %arg2[%dma_wait3A_963, %dma_wait3A_964] : memref<10240x128xf32, #tpu.memory_space<hbm>> -> memref<10240x128xf32, #tpu.memory_space<hbm>>
      tpu.wait_indirect_dma semaphore(%arg13 : memref<!tpu.dma_semaphore, #tpu.memory_space<semaphore_mem>>) src(%dma_wait3A_965 : memref<10240x128xf32, #tpu.memory_space<hbm>>) dst(%arg10 : memref<128x128xf32, #tpu.memory_space<vmem>>)
      %dma_start3A_966 = arith.constant 33 : i32
      %dma_start3A_967 = arith.constant 0 : i32
      %dma_start3A_968 = tpu.memref_slice %arg8[%dma_start3A_966, %dma_start3A_967] : memref<40x128xi32, #tpu.memory_space<vmem>> -> memref<1x128xi32, #tpu.memory_space<vmem>>
      %dma_start3A_969 = tpu.memref_squeeze %dma_start3A_968 : memref<1x128xi32, #tpu.memory_space<vmem>> -> memref<128xi32, #tpu.memory_space<vmem>>
      %dma_start3A_970 = arith.constant 0 : i32
      %dma_start3A_971 = arith.constant 0 : i32
      %dma_start3A_972 = tpu.memref_slice %arg11[%dma_start3A_970, %dma_start3A_971] : memref<10240x128xf32, #tpu.memory_space<vmem_shared>> -> memref<10240x128xf32, #tpu.memory_space<vmem_shared>>
      tpu.enqueue_indirect_dma source(%arg10 : memref<128x128xf32, #tpu.memory_space<vmem>>) target(%dma_start3A_972 : memref<10240x128xf32, #tpu.memory_space<vmem_shared>>) offsets(%dma_start3A_969 : memref<128xi32, #tpu.memory_space<vmem>>) semaphore(%arg15 : memref<!tpu.dma_semaphore, #tpu.memory_space<semaphore_mem>>) {add = true}
      %dma_wait3A_973 = arith.constant 33 : i32
      %dma_wait3A_974 = arith.constant 0 : i32
      %dma_wait3A_975 = tpu.memref_slice %arg8[%dma_wait3A_973, %dma_wait3A_974] : memref<40x128xi32, #tpu.memory_space<vmem>> -> memref<1x128xi32, #tpu.memory_space<vmem>>
      %dma_wait3A_976 = tpu.memref_squeeze %dma_wait3A_975 : memref<1x128xi32, #tpu.memory_space<vmem>> -> memref<128xi32, #tpu.memory_space<vmem>>
      %dma_wait3A_977 = arith.constant 0 : i32
      %dma_wait3A_978 = arith.constant 0 : i32
      %dma_wait3A_979 = tpu.memref_slice %arg11[%dma_wait3A_977, %dma_wait3A_978] : memref<10240x128xf32, #tpu.memory_space<vmem_shared>> -> memref<10240x128xf32, #tpu.memory_space<vmem_shared>>
      tpu.wait_indirect_dma semaphore(%arg15 : memref<!tpu.dma_semaphore, #tpu.memory_space<semaphore_mem>>) src(%arg10 : memref<128x128xf32, #tpu.memory_space<vmem>>) dst(%dma_wait3A_979 : memref<10240x128xf32, #tpu.memory_space<vmem_shared>>)
      %dma_start3A_980 = arith.constant 35 : i32
      %dma_start3A_981 = arith.constant 0 : i32
      %dma_start3A_982 = tpu.memref_slice %arg7[%dma_start3A_980, %dma_start3A_981] : memref<40x128xi32, #tpu.memory_space<vmem>> -> memref<1x128xi32, #tpu.memory_space<vmem>>
      %dma_start3A_983 = tpu.memref_squeeze %dma_start3A_982 : memref<1x128xi32, #tpu.memory_space<vmem>> -> memref<128xi32, #tpu.memory_space<vmem>>
      %dma_start3A_984 = arith.constant 0 : i32
      %dma_start3A_985 = arith.constant 0 : i32
      %dma_start3A_986 = tpu.memref_slice %arg2[%dma_start3A_984, %dma_start3A_985] : memref<10240x128xf32, #tpu.memory_space<hbm>> -> memref<10240x128xf32, #tpu.memory_space<hbm>>
      tpu.enqueue_indirect_dma source(%dma_start3A_986 : memref<10240x128xf32, #tpu.memory_space<hbm>>) target(%arg10 : memref<128x128xf32, #tpu.memory_space<vmem>>) offsets(%dma_start3A_983 : memref<128xi32, #tpu.memory_space<vmem>>) semaphore(%arg13 : memref<!tpu.dma_semaphore, #tpu.memory_space<semaphore_mem>>)
      %dma_wait3A_987 = arith.constant 34 : i32
      %dma_wait3A_988 = arith.constant 0 : i32
      %dma_wait3A_989 = tpu.memref_slice %arg7[%dma_wait3A_987, %dma_wait3A_988] : memref<40x128xi32, #tpu.memory_space<vmem>> -> memref<1x128xi32, #tpu.memory_space<vmem>>
      %dma_wait3A_990 = tpu.memref_squeeze %dma_wait3A_989 : memref<1x128xi32, #tpu.memory_space<vmem>> -> memref<128xi32, #tpu.memory_space<vmem>>
      %dma_wait3A_991 = arith.constant 0 : i32
      %dma_wait3A_992 = arith.constant 0 : i32
      %dma_wait3A_993 = tpu.memref_slice %arg2[%dma_wait3A_991, %dma_wait3A_992] : memref<10240x128xf32, #tpu.memory_space<hbm>> -> memref<10240x128xf32, #tpu.memory_space<hbm>>
      tpu.wait_indirect_dma semaphore(%arg12 : memref<!tpu.dma_semaphore, #tpu.memory_space<semaphore_mem>>) src(%dma_wait3A_993 : memref<10240x128xf32, #tpu.memory_space<hbm>>) dst(%arg9 : memref<128x128xf32, #tpu.memory_space<vmem>>)
      %dma_start3A_994 = arith.constant 34 : i32
      %dma_start3A_995 = arith.constant 0 : i32
      %dma_start3A_996 = tpu.memref_slice %arg8[%dma_start3A_994, %dma_start3A_995] : memref<40x128xi32, #tpu.memory_space<vmem>> -> memref<1x128xi32, #tpu.memory_space<vmem>>
      %dma_start3A_997 = tpu.memref_squeeze %dma_start3A_996 : memref<1x128xi32, #tpu.memory_space<vmem>> -> memref<128xi32, #tpu.memory_space<vmem>>
      %dma_start3A_998 = arith.constant 0 : i32
      %dma_start3A_999 = arith.constant 0 : i32
      %dma_start3A_1000 = tpu.memref_slice %arg11[%dma_start3A_998, %dma_start3A_999] : memref<10240x128xf32, #tpu.memory_space<vmem_shared>> -> memref<10240x128xf32, #tpu.memory_space<vmem_shared>>
      tpu.enqueue_indirect_dma source(%arg9 : memref<128x128xf32, #tpu.memory_space<vmem>>) target(%dma_start3A_1000 : memref<10240x128xf32, #tpu.memory_space<vmem_shared>>) offsets(%dma_start3A_997 : memref<128xi32, #tpu.memory_space<vmem>>) semaphore(%arg14 : memref<!tpu.dma_semaphore, #tpu.memory_space<semaphore_mem>>) {add = true}
      %dma_wait3A_1001 = arith.constant 34 : i32
      %dma_wait3A_1002 = arith.constant 0 : i32
      %dma_wait3A_1003 = tpu.memref_slice %arg8[%dma_wait3A_1001, %dma_wait3A_1002] : memref<40x128xi32, #tpu.memory_space<vmem>> -> memref<1x128xi32, #tpu.memory_space<vmem>>
      %dma_wait3A_1004 = tpu.memref_squeeze %dma_wait3A_1003 : memref<1x128xi32, #tpu.memory_space<vmem>> -> memref<128xi32, #tpu.memory_space<vmem>>
      %dma_wait3A_1005 = arith.constant 0 : i32
      %dma_wait3A_1006 = arith.constant 0 : i32
      %dma_wait3A_1007 = tpu.memref_slice %arg11[%dma_wait3A_1005, %dma_wait3A_1006] : memref<10240x128xf32, #tpu.memory_space<vmem_shared>> -> memref<10240x128xf32, #tpu.memory_space<vmem_shared>>
      tpu.wait_indirect_dma semaphore(%arg14 : memref<!tpu.dma_semaphore, #tpu.memory_space<semaphore_mem>>) src(%arg9 : memref<128x128xf32, #tpu.memory_space<vmem>>) dst(%dma_wait3A_1007 : memref<10240x128xf32, #tpu.memory_space<vmem_shared>>)
      %dma_start3A_1008 = arith.constant 36 : i32
      %dma_start3A_1009 = arith.constant 0 : i32
      %dma_start3A_1010 = tpu.memref_slice %arg7[%dma_start3A_1008, %dma_start3A_1009] : memref<40x128xi32, #tpu.memory_space<vmem>> -> memref<1x128xi32, #tpu.memory_space<vmem>>
      %dma_start3A_1011 = tpu.memref_squeeze %dma_start3A_1010 : memref<1x128xi32, #tpu.memory_space<vmem>> -> memref<128xi32, #tpu.memory_space<vmem>>
      %dma_start3A_1012 = arith.constant 0 : i32
      %dma_start3A_1013 = arith.constant 0 : i32
      %dma_start3A_1014 = tpu.memref_slice %arg2[%dma_start3A_1012, %dma_start3A_1013] : memref<10240x128xf32, #tpu.memory_space<hbm>> -> memref<10240x128xf32, #tpu.memory_space<hbm>>
      tpu.enqueue_indirect_dma source(%dma_start3A_1014 : memref<10240x128xf32, #tpu.memory_space<hbm>>) target(%arg9 : memref<128x128xf32, #tpu.memory_space<vmem>>) offsets(%dma_start3A_1011 : memref<128xi32, #tpu.memory_space<vmem>>) semaphore(%arg12 : memref<!tpu.dma_semaphore, #tpu.memory_space<semaphore_mem>>)
      %dma_wait3A_1015 = arith.constant 35 : i32
      %dma_wait3A_1016 = arith.constant 0 : i32
      %dma_wait3A_1017 = tpu.memref_slice %arg7[%dma_wait3A_1015, %dma_wait3A_1016] : memref<40x128xi32, #tpu.memory_space<vmem>> -> memref<1x128xi32, #tpu.memory_space<vmem>>
      %dma_wait3A_1018 = tpu.memref_squeeze %dma_wait3A_1017 : memref<1x128xi32, #tpu.memory_space<vmem>> -> memref<128xi32, #tpu.memory_space<vmem>>
      %dma_wait3A_1019 = arith.constant 0 : i32
      %dma_wait3A_1020 = arith.constant 0 : i32
      %dma_wait3A_1021 = tpu.memref_slice %arg2[%dma_wait3A_1019, %dma_wait3A_1020] : memref<10240x128xf32, #tpu.memory_space<hbm>> -> memref<10240x128xf32, #tpu.memory_space<hbm>>
      tpu.wait_indirect_dma semaphore(%arg13 : memref<!tpu.dma_semaphore, #tpu.memory_space<semaphore_mem>>) src(%dma_wait3A_1021 : memref<10240x128xf32, #tpu.memory_space<hbm>>) dst(%arg10 : memref<128x128xf32, #tpu.memory_space<vmem>>)
      %dma_start3A_1022 = arith.constant 35 : i32
      %dma_start3A_1023 = arith.constant 0 : i32
      %dma_start3A_1024 = tpu.memref_slice %arg8[%dma_start3A_1022, %dma_start3A_1023] : memref<40x128xi32, #tpu.memory_space<vmem>> -> memref<1x128xi32, #tpu.memory_space<vmem>>
      %dma_start3A_1025 = tpu.memref_squeeze %dma_start3A_1024 : memref<1x128xi32, #tpu.memory_space<vmem>> -> memref<128xi32, #tpu.memory_space<vmem>>
      %dma_start3A_1026 = arith.constant 0 : i32
      %dma_start3A_1027 = arith.constant 0 : i32
      %dma_start3A_1028 = tpu.memref_slice %arg11[%dma_start3A_1026, %dma_start3A_1027] : memref<10240x128xf32, #tpu.memory_space<vmem_shared>> -> memref<10240x128xf32, #tpu.memory_space<vmem_shared>>
      tpu.enqueue_indirect_dma source(%arg10 : memref<128x128xf32, #tpu.memory_space<vmem>>) target(%dma_start3A_1028 : memref<10240x128xf32, #tpu.memory_space<vmem_shared>>) offsets(%dma_start3A_1025 : memref<128xi32, #tpu.memory_space<vmem>>) semaphore(%arg15 : memref<!tpu.dma_semaphore, #tpu.memory_space<semaphore_mem>>) {add = true}
      %dma_wait3A_1029 = arith.constant 35 : i32
      %dma_wait3A_1030 = arith.constant 0 : i32
      %dma_wait3A_1031 = tpu.memref_slice %arg8[%dma_wait3A_1029, %dma_wait3A_1030] : memref<40x128xi32, #tpu.memory_space<vmem>> -> memref<1x128xi32, #tpu.memory_space<vmem>>
      %dma_wait3A_1032 = tpu.memref_squeeze %dma_wait3A_1031 : memref<1x128xi32, #tpu.memory_space<vmem>> -> memref<128xi32, #tpu.memory_space<vmem>>
      %dma_wait3A_1033 = arith.constant 0 : i32
      %dma_wait3A_1034 = arith.constant 0 : i32
      %dma_wait3A_1035 = tpu.memref_slice %arg11[%dma_wait3A_1033, %dma_wait3A_1034] : memref<10240x128xf32, #tpu.memory_space<vmem_shared>> -> memref<10240x128xf32, #tpu.memory_space<vmem_shared>>
      tpu.wait_indirect_dma semaphore(%arg15 : memref<!tpu.dma_semaphore, #tpu.memory_space<semaphore_mem>>) src(%arg10 : memref<128x128xf32, #tpu.memory_space<vmem>>) dst(%dma_wait3A_1035 : memref<10240x128xf32, #tpu.memory_space<vmem_shared>>)
      %dma_start3A_1036 = arith.constant 37 : i32
      %dma_start3A_1037 = arith.constant 0 : i32
      %dma_start3A_1038 = tpu.memref_slice %arg7[%dma_start3A_1036, %dma_start3A_1037] : memref<40x128xi32, #tpu.memory_space<vmem>> -> memref<1x128xi32, #tpu.memory_space<vmem>>
      %dma_start3A_1039 = tpu.memref_squeeze %dma_start3A_1038 : memref<1x128xi32, #tpu.memory_space<vmem>> -> memref<128xi32, #tpu.memory_space<vmem>>
      %dma_start3A_1040 = arith.constant 0 : i32
      %dma_start3A_1041 = arith.constant 0 : i32
      %dma_start3A_1042 = tpu.memref_slice %arg2[%dma_start3A_1040, %dma_start3A_1041] : memref<10240x128xf32, #tpu.memory_space<hbm>> -> memref<10240x128xf32, #tpu.memory_space<hbm>>
      tpu.enqueue_indirect_dma source(%dma_start3A_1042 : memref<10240x128xf32, #tpu.memory_space<hbm>>) target(%arg10 : memref<128x128xf32, #tpu.memory_space<vmem>>) offsets(%dma_start3A_1039 : memref<128xi32, #tpu.memory_space<vmem>>) semaphore(%arg13 : memref<!tpu.dma_semaphore, #tpu.memory_space<semaphore_mem>>)
      %dma_wait3A_1043 = arith.constant 36 : i32
      %dma_wait3A_1044 = arith.constant 0 : i32
      %dma_wait3A_1045 = tpu.memref_slice %arg7[%dma_wait3A_1043, %dma_wait3A_1044] : memref<40x128xi32, #tpu.memory_space<vmem>> -> memref<1x128xi32, #tpu.memory_space<vmem>>
      %dma_wait3A_1046 = tpu.memref_squeeze %dma_wait3A_1045 : memref<1x128xi32, #tpu.memory_space<vmem>> -> memref<128xi32, #tpu.memory_space<vmem>>
      %dma_wait3A_1047 = arith.constant 0 : i32
      %dma_wait3A_1048 = arith.constant 0 : i32
      %dma_wait3A_1049 = tpu.memref_slice %arg2[%dma_wait3A_1047, %dma_wait3A_1048] : memref<10240x128xf32, #tpu.memory_space<hbm>> -> memref<10240x128xf32, #tpu.memory_space<hbm>>
      tpu.wait_indirect_dma semaphore(%arg12 : memref<!tpu.dma_semaphore, #tpu.memory_space<semaphore_mem>>) src(%dma_wait3A_1049 : memref<10240x128xf32, #tpu.memory_space<hbm>>) dst(%arg9 : memref<128x128xf32, #tpu.memory_space<vmem>>)
      %dma_start3A_1050 = arith.constant 36 : i32
      %dma_start3A_1051 = arith.constant 0 : i32
      %dma_start3A_1052 = tpu.memref_slice %arg8[%dma_start3A_1050, %dma_start3A_1051] : memref<40x128xi32, #tpu.memory_space<vmem>> -> memref<1x128xi32, #tpu.memory_space<vmem>>
      %dma_start3A_1053 = tpu.memref_squeeze %dma_start3A_1052 : memref<1x128xi32, #tpu.memory_space<vmem>> -> memref<128xi32, #tpu.memory_space<vmem>>
      %dma_start3A_1054 = arith.constant 0 : i32
      %dma_start3A_1055 = arith.constant 0 : i32
      %dma_start3A_1056 = tpu.memref_slice %arg11[%dma_start3A_1054, %dma_start3A_1055] : memref<10240x128xf32, #tpu.memory_space<vmem_shared>> -> memref<10240x128xf32, #tpu.memory_space<vmem_shared>>
      tpu.enqueue_indirect_dma source(%arg9 : memref<128x128xf32, #tpu.memory_space<vmem>>) target(%dma_start3A_1056 : memref<10240x128xf32, #tpu.memory_space<vmem_shared>>) offsets(%dma_start3A_1053 : memref<128xi32, #tpu.memory_space<vmem>>) semaphore(%arg14 : memref<!tpu.dma_semaphore, #tpu.memory_space<semaphore_mem>>) {add = true}
      %dma_wait3A_1057 = arith.constant 36 : i32
      %dma_wait3A_1058 = arith.constant 0 : i32
      %dma_wait3A_1059 = tpu.memref_slice %arg8[%dma_wait3A_1057, %dma_wait3A_1058] : memref<40x128xi32, #tpu.memory_space<vmem>> -> memref<1x128xi32, #tpu.memory_space<vmem>>
      %dma_wait3A_1060 = tpu.memref_squeeze %dma_wait3A_1059 : memref<1x128xi32, #tpu.memory_space<vmem>> -> memref<128xi32, #tpu.memory_space<vmem>>
      %dma_wait3A_1061 = arith.constant 0 : i32
      %dma_wait3A_1062 = arith.constant 0 : i32
      %dma_wait3A_1063 = tpu.memref_slice %arg11[%dma_wait3A_1061, %dma_wait3A_1062] : memref<10240x128xf32, #tpu.memory_space<vmem_shared>> -> memref<10240x128xf32, #tpu.memory_space<vmem_shared>>
      tpu.wait_indirect_dma semaphore(%arg14 : memref<!tpu.dma_semaphore, #tpu.memory_space<semaphore_mem>>) src(%arg9 : memref<128x128xf32, #tpu.memory_space<vmem>>) dst(%dma_wait3A_1063 : memref<10240x128xf32, #tpu.memory_space<vmem_shared>>)
      %dma_start3A_1064 = arith.constant 38 : i32
      %dma_start3A_1065 = arith.constant 0 : i32
      %dma_start3A_1066 = tpu.memref_slice %arg7[%dma_start3A_1064, %dma_start3A_1065] : memref<40x128xi32, #tpu.memory_space<vmem>> -> memref<1x128xi32, #tpu.memory_space<vmem>>
      %dma_start3A_1067 = tpu.memref_squeeze %dma_start3A_1066 : memref<1x128xi32, #tpu.memory_space<vmem>> -> memref<128xi32, #tpu.memory_space<vmem>>
      %dma_start3A_1068 = arith.constant 0 : i32
      %dma_start3A_1069 = arith.constant 0 : i32
      %dma_start3A_1070 = tpu.memref_slice %arg2[%dma_start3A_1068, %dma_start3A_1069] : memref<10240x128xf32, #tpu.memory_space<hbm>> -> memref<10240x128xf32, #tpu.memory_space<hbm>>
      tpu.enqueue_indirect_dma source(%dma_start3A_1070 : memref<10240x128xf32, #tpu.memory_space<hbm>>) target(%arg9 : memref<128x128xf32, #tpu.memory_space<vmem>>) offsets(%dma_start3A_1067 : memref<128xi32, #tpu.memory_space<vmem>>) semaphore(%arg12 : memref<!tpu.dma_semaphore, #tpu.memory_space<semaphore_mem>>)
      %dma_wait3A_1071 = arith.constant 37 : i32
      %dma_wait3A_1072 = arith.constant 0 : i32
      %dma_wait3A_1073 = tpu.memref_slice %arg7[%dma_wait3A_1071, %dma_wait3A_1072] : memref<40x128xi32, #tpu.memory_space<vmem>> -> memref<1x128xi32, #tpu.memory_space<vmem>>
      %dma_wait3A_1074 = tpu.memref_squeeze %dma_wait3A_1073 : memref<1x128xi32, #tpu.memory_space<vmem>> -> memref<128xi32, #tpu.memory_space<vmem>>
      %dma_wait3A_1075 = arith.constant 0 : i32
      %dma_wait3A_1076 = arith.constant 0 : i32
      %dma_wait3A_1077 = tpu.memref_slice %arg2[%dma_wait3A_1075, %dma_wait3A_1076] : memref<10240x128xf32, #tpu.memory_space<hbm>> -> memref<10240x128xf32, #tpu.memory_space<hbm>>
      tpu.wait_indirect_dma semaphore(%arg13 : memref<!tpu.dma_semaphore, #tpu.memory_space<semaphore_mem>>) src(%dma_wait3A_1077 : memref<10240x128xf32, #tpu.memory_space<hbm>>) dst(%arg10 : memref<128x128xf32, #tpu.memory_space<vmem>>)
      %dma_start3A_1078 = arith.constant 37 : i32
      %dma_start3A_1079 = arith.constant 0 : i32
      %dma_start3A_1080 = tpu.memref_slice %arg8[%dma_start3A_1078, %dma_start3A_1079] : memref<40x128xi32, #tpu.memory_space<vmem>> -> memref<1x128xi32, #tpu.memory_space<vmem>>
      %dma_start3A_1081 = tpu.memref_squeeze %dma_start3A_1080 : memref<1x128xi32, #tpu.memory_space<vmem>> -> memref<128xi32, #tpu.memory_space<vmem>>
      %dma_start3A_1082 = arith.constant 0 : i32
      %dma_start3A_1083 = arith.constant 0 : i32
      %dma_start3A_1084 = tpu.memref_slice %arg11[%dma_start3A_1082, %dma_start3A_1083] : memref<10240x128xf32, #tpu.memory_space<vmem_shared>> -> memref<10240x128xf32, #tpu.memory_space<vmem_shared>>
      tpu.enqueue_indirect_dma source(%arg10 : memref<128x128xf32, #tpu.memory_space<vmem>>) target(%dma_start3A_1084 : memref<10240x128xf32, #tpu.memory_space<vmem_shared>>) offsets(%dma_start3A_1081 : memref<128xi32, #tpu.memory_space<vmem>>) semaphore(%arg15 : memref<!tpu.dma_semaphore, #tpu.memory_space<semaphore_mem>>) {add = true}
      %dma_wait3A_1085 = arith.constant 37 : i32
      %dma_wait3A_1086 = arith.constant 0 : i32
      %dma_wait3A_1087 = tpu.memref_slice %arg8[%dma_wait3A_1085, %dma_wait3A_1086] : memref<40x128xi32, #tpu.memory_space<vmem>> -> memref<1x128xi32, #tpu.memory_space<vmem>>
      %dma_wait3A_1088 = tpu.memref_squeeze %dma_wait3A_1087 : memref<1x128xi32, #tpu.memory_space<vmem>> -> memref<128xi32, #tpu.memory_space<vmem>>
      %dma_wait3A_1089 = arith.constant 0 : i32
      %dma_wait3A_1090 = arith.constant 0 : i32
      %dma_wait3A_1091 = tpu.memref_slice %arg11[%dma_wait3A_1089, %dma_wait3A_1090] : memref<10240x128xf32, #tpu.memory_space<vmem_shared>> -> memref<10240x128xf32, #tpu.memory_space<vmem_shared>>
      tpu.wait_indirect_dma semaphore(%arg15 : memref<!tpu.dma_semaphore, #tpu.memory_space<semaphore_mem>>) src(%arg10 : memref<128x128xf32, #tpu.memory_space<vmem>>) dst(%dma_wait3A_1091 : memref<10240x128xf32, #tpu.memory_space<vmem_shared>>)
      %dma_start3A_1092 = arith.constant 39 : i32
      %dma_start3A_1093 = arith.constant 0 : i32
      %dma_start3A_1094 = tpu.memref_slice %arg7[%dma_start3A_1092, %dma_start3A_1093] : memref<40x128xi32, #tpu.memory_space<vmem>> -> memref<1x128xi32, #tpu.memory_space<vmem>>
      %dma_start3A_1095 = tpu.memref_squeeze %dma_start3A_1094 : memref<1x128xi32, #tpu.memory_space<vmem>> -> memref<128xi32, #tpu.memory_space<vmem>>
      %dma_start3A_1096 = arith.constant 0 : i32
      %dma_start3A_1097 = arith.constant 0 : i32
      %dma_start3A_1098 = tpu.memref_slice %arg2[%dma_start3A_1096, %dma_start3A_1097] : memref<10240x128xf32, #tpu.memory_space<hbm>> -> memref<10240x128xf32, #tpu.memory_space<hbm>>
      tpu.enqueue_indirect_dma source(%dma_start3A_1098 : memref<10240x128xf32, #tpu.memory_space<hbm>>) target(%arg10 : memref<128x128xf32, #tpu.memory_space<vmem>>) offsets(%dma_start3A_1095 : memref<128xi32, #tpu.memory_space<vmem>>) semaphore(%arg13 : memref<!tpu.dma_semaphore, #tpu.memory_space<semaphore_mem>>)
      %dma_wait3A_1099 = arith.constant 38 : i32
      %dma_wait3A_1100 = arith.constant 0 : i32
      %dma_wait3A_1101 = tpu.memref_slice %arg7[%dma_wait3A_1099, %dma_wait3A_1100] : memref<40x128xi32, #tpu.memory_space<vmem>> -> memref<1x128xi32, #tpu.memory_space<vmem>>
      %dma_wait3A_1102 = tpu.memref_squeeze %dma_wait3A_1101 : memref<1x128xi32, #tpu.memory_space<vmem>> -> memref<128xi32, #tpu.memory_space<vmem>>
      %dma_wait3A_1103 = arith.constant 0 : i32
      %dma_wait3A_1104 = arith.constant 0 : i32
      %dma_wait3A_1105 = tpu.memref_slice %arg2[%dma_wait3A_1103, %dma_wait3A_1104] : memref<10240x128xf32, #tpu.memory_space<hbm>> -> memref<10240x128xf32, #tpu.memory_space<hbm>>
      tpu.wait_indirect_dma semaphore(%arg12 : memref<!tpu.dma_semaphore, #tpu.memory_space<semaphore_mem>>) src(%dma_wait3A_1105 : memref<10240x128xf32, #tpu.memory_space<hbm>>) dst(%arg9 : memref<128x128xf32, #tpu.memory_space<vmem>>)
      %dma_start3A_1106 = arith.constant 38 : i32
      %dma_start3A_1107 = arith.constant 0 : i32
      %dma_start3A_1108 = tpu.memref_slice %arg8[%dma_start3A_1106, %dma_start3A_1107] : memref<40x128xi32, #tpu.memory_space<vmem>> -> memref<1x128xi32, #tpu.memory_space<vmem>>
      %dma_start3A_1109 = tpu.memref_squeeze %dma_start3A_1108 : memref<1x128xi32, #tpu.memory_space<vmem>> -> memref<128xi32, #tpu.memory_space<vmem>>
      %dma_start3A_1110 = arith.constant 0 : i32
      %dma_start3A_1111 = arith.constant 0 : i32
      %dma_start3A_1112 = tpu.memref_slice %arg11[%dma_start3A_1110, %dma_start3A_1111] : memref<10240x128xf32, #tpu.memory_space<vmem_shared>> -> memref<10240x128xf32, #tpu.memory_space<vmem_shared>>
      tpu.enqueue_indirect_dma source(%arg9 : memref<128x128xf32, #tpu.memory_space<vmem>>) target(%dma_start3A_1112 : memref<10240x128xf32, #tpu.memory_space<vmem_shared>>) offsets(%dma_start3A_1109 : memref<128xi32, #tpu.memory_space<vmem>>) semaphore(%arg14 : memref<!tpu.dma_semaphore, #tpu.memory_space<semaphore_mem>>) {add = true}
      %dma_wait3A_1113 = arith.constant 39 : i32
      %dma_wait3A_1114 = arith.constant 0 : i32
      %dma_wait3A_1115 = tpu.memref_slice %arg7[%dma_wait3A_1113, %dma_wait3A_1114] : memref<40x128xi32, #tpu.memory_space<vmem>> -> memref<1x128xi32, #tpu.memory_space<vmem>>
      %dma_wait3A_1116 = tpu.memref_squeeze %dma_wait3A_1115 : memref<1x128xi32, #tpu.memory_space<vmem>> -> memref<128xi32, #tpu.memory_space<vmem>>
      %dma_wait3A_1117 = arith.constant 0 : i32
      %dma_wait3A_1118 = arith.constant 0 : i32
      %dma_wait3A_1119 = tpu.memref_slice %arg2[%dma_wait3A_1117, %dma_wait3A_1118] : memref<10240x128xf32, #tpu.memory_space<hbm>> -> memref<10240x128xf32, #tpu.memory_space<hbm>>
      tpu.wait_indirect_dma semaphore(%arg13 : memref<!tpu.dma_semaphore, #tpu.memory_space<semaphore_mem>>) src(%dma_wait3A_1119 : memref<10240x128xf32, #tpu.memory_space<hbm>>) dst(%arg10 : memref<128x128xf32, #tpu.memory_space<vmem>>)
      %dma_start3A_1120 = arith.constant 39 : i32
      %dma_start3A_1121 = arith.constant 0 : i32
      %dma_start3A_1122 = tpu.memref_slice %arg8[%dma_start3A_1120, %dma_start3A_1121] : memref<40x128xi32, #tpu.memory_space<vmem>> -> memref<1x128xi32, #tpu.memory_space<vmem>>
      %dma_start3A_1123 = tpu.memref_squeeze %dma_start3A_1122 : memref<1x128xi32, #tpu.memory_space<vmem>> -> memref<128xi32, #tpu.memory_space<vmem>>
      %dma_start3A_1124 = arith.constant 0 : i32
      %dma_start3A_1125 = arith.constant 0 : i32
      %dma_start3A_1126 = tpu.memref_slice %arg11[%dma_start3A_1124, %dma_start3A_1125] : memref<10240x128xf32, #tpu.memory_space<vmem_shared>> -> memref<10240x128xf32, #tpu.memory_space<vmem_shared>>
      tpu.enqueue_indirect_dma source(%arg10 : memref<128x128xf32, #tpu.memory_space<vmem>>) target(%dma_start3A_1126 : memref<10240x128xf32, #tpu.memory_space<vmem_shared>>) offsets(%dma_start3A_1123 : memref<128xi32, #tpu.memory_space<vmem>>) semaphore(%arg15 : memref<!tpu.dma_semaphore, #tpu.memory_space<semaphore_mem>>) {add = true}
      %dma_wait3A_1127 = arith.constant 38 : i32
      %dma_wait3A_1128 = arith.constant 0 : i32
      %dma_wait3A_1129 = tpu.memref_slice %arg8[%dma_wait3A_1127, %dma_wait3A_1128] : memref<40x128xi32, #tpu.memory_space<vmem>> -> memref<1x128xi32, #tpu.memory_space<vmem>>
      %dma_wait3A_1130 = tpu.memref_squeeze %dma_wait3A_1129 : memref<1x128xi32, #tpu.memory_space<vmem>> -> memref<128xi32, #tpu.memory_space<vmem>>
      %dma_wait3A_1131 = arith.constant 0 : i32
      %dma_wait3A_1132 = arith.constant 0 : i32
      %dma_wait3A_1133 = tpu.memref_slice %arg11[%dma_wait3A_1131, %dma_wait3A_1132] : memref<10240x128xf32, #tpu.memory_space<vmem_shared>> -> memref<10240x128xf32, #tpu.memory_space<vmem_shared>>
      tpu.wait_indirect_dma semaphore(%arg14 : memref<!tpu.dma_semaphore, #tpu.memory_space<semaphore_mem>>) src(%arg9 : memref<128x128xf32, #tpu.memory_space<vmem>>) dst(%dma_wait3A_1133 : memref<10240x128xf32, #tpu.memory_space<vmem_shared>>)
      %dma_wait3A_1134 = arith.constant 39 : i32
      %dma_wait3A_1135 = arith.constant 0 : i32
      %dma_wait3A_1136 = tpu.memref_slice %arg8[%dma_wait3A_1134, %dma_wait3A_1135] : memref<40x128xi32, #tpu.memory_space<vmem>> -> memref<1x128xi32, #tpu.memory_space<vmem>>
      %dma_wait3A_1137 = tpu.memref_squeeze %dma_wait3A_1136 : memref<1x128xi32, #tpu.memory_space<vmem>> -> memref<128xi32, #tpu.memory_space<vmem>>
      %dma_wait3A_1138 = arith.constant 0 : i32
      %dma_wait3A_1139 = arith.constant 0 : i32
      %dma_wait3A_1140 = tpu.memref_slice %arg11[%dma_wait3A_1138, %dma_wait3A_1139] : memref<10240x128xf32, #tpu.memory_space<vmem_shared>> -> memref<10240x128xf32, #tpu.memory_space<vmem_shared>>
      tpu.wait_indirect_dma semaphore(%arg15 : memref<!tpu.dma_semaphore, #tpu.memory_space<semaphore_mem>>) src(%arg10 : memref<128x128xf32, #tpu.memory_space<vmem>>) dst(%dma_wait3A_1140 : memref<10240x128xf32, #tpu.memory_space<vmem_shared>>)
    }
    %scan3A_8 = arith.constant 2 : i32
    %barrier3A_9 = arith.constant 0 : index
    tpu.barrier barrier_id(%barrier3A_9)
    %mul3A_10 = arith.constant 640 : i32
    %mul3A_11 = arith.muli %arg1, %mul3A_10 : i32
    %mul3A_12 = arith.constant 640 : i32
    %mul3A_13 = arith.muli %arg1, %mul3A_12 : i32
    "tpu.region"() ({
      %run_scoped3A = tpu.sem_alloc : memref<!tpu.dma_semaphore, #tpu.memory_space<semaphore_mem>>
      %dma_start3A = arith.constant 0 : i32
      %dma_start3A_14 = arith.constant 0 : i32
      %dma_start3A_15 = tpu.memref_slice %arg6[%arg0, %dma_start3A, %dma_start3A_14] : memref<2x10240x128xf32, #tpu.memory_space<hbm>> -> memref<1x10240x128xf32, #tpu.memory_space<hbm>>
      %dma_start3A_16 = tpu.memref_squeeze %dma_start3A_15 : memref<1x10240x128xf32, #tpu.memory_space<hbm>> -> memref<10240x128xf32, #tpu.memory_space<hbm>>
      %dma_start3A_17 = arith.constant 0 : i32
      %dma_start3A_18 = tpu.memref_slice %dma_start3A_16[%mul3A_13, %dma_start3A_17] : memref<10240x128xf32, #tpu.memory_space<hbm>> -> memref<640x128xf32, #tpu.memory_space<hbm>>
      %dma_start3A_19 = arith.constant 0 : i32
      %dma_start3A_20 = tpu.memref_slice %arg11[%mul3A_11, %dma_start3A_19] : memref<10240x128xf32, #tpu.memory_space<vmem_shared>> -> memref<640x128xf32, #tpu.memory_space<vmem_shared>>
      tpu.enqueue_dma source(%dma_start3A_20 : memref<640x128xf32, #tpu.memory_space<vmem_shared>>) target(%dma_start3A_18 : memref<640x128xf32, #tpu.memory_space<hbm>>) target_semaphore(%run_scoped3A : memref<!tpu.dma_semaphore, #tpu.memory_space<semaphore_mem>>)
      %dma_wait3A = arith.constant 0 : i32
      %dma_wait3A_21 = arith.constant 0 : i32
      %dma_wait3A_22 = tpu.memref_slice %arg6[%arg0, %dma_wait3A, %dma_wait3A_21] : memref<2x10240x128xf32, #tpu.memory_space<hbm>> -> memref<1x10240x128xf32, #tpu.memory_space<hbm>>
      %dma_wait3A_23 = tpu.memref_squeeze %dma_wait3A_22 : memref<1x10240x128xf32, #tpu.memory_space<hbm>> -> memref<10240x128xf32, #tpu.memory_space<hbm>>
      %dma_wait3A_24 = arith.constant 0 : i32
      %dma_wait3A_25 = tpu.memref_slice %dma_wait3A_23[%mul3A_13, %dma_wait3A_24] : memref<10240x128xf32, #tpu.memory_space<hbm>> -> memref<640x128xf32, #tpu.memory_space<hbm>>
      %dma_wait3A_26 = arith.constant 0 : i32
      %dma_wait3A_27 = tpu.memref_slice %arg11[%mul3A_11, %dma_wait3A_26] : memref<10240x128xf32, #tpu.memory_space<vmem_shared>> -> memref<640x128xf32, #tpu.memory_space<vmem_shared>>
      tpu.wait_dma2 semaphore(%run_scoped3A : memref<!tpu.dma_semaphore, #tpu.memory_space<semaphore_mem>>) src(%dma_wait3A_27 : memref<640x128xf32, #tpu.memory_space<vmem_shared>>) dst(%dma_wait3A_25 : memref<640x128xf32, #tpu.memory_space<hbm>>)
      tpu.yield
    }) : () -> ()
    return
  }
}

#map = affine_map<(d0, d1) -> (0)>
#map1 = affine_map<(d0, d1) -> (0, 0, 0)>
#map2 = affine_map<(d0, d1) -> (0, 0)>
module attributes {stable_mosaic.version = 14 : i64} {
  func.func @k(%arg0: i32, %arg1: i32, %arg2: memref<10240xf32, #tpu.memory_space<hbm>>, %arg3: memref<32x80x128xi32, #tpu.memory_space<hbm>>, %arg4: memref<32x80x128xi32, #tpu.memory_space<hbm>>, %arg5: memref<10240xf32, #tpu.memory_space<hbm>>, %arg6: memref<2x10240xf32, #tpu.memory_space<hbm>>, %arg7: memref<10240xf32, #tpu.memory_space<vmem>>, %arg8: memref<80x128xi32, #tpu.memory_space<vmem>>, %arg9: memref<80x128xi32, #tpu.memory_space<vmem>>, %arg10: memref<80x128xf32, #tpu.memory_space<vmem>>, %arg11: memref<10240xf32, #tpu.memory_space<vmem_shared>>, %arg12: memref<!tpu.dma_semaphore, #tpu.memory_space<semaphore_mem>>) attributes {dimension_semantics = [#tpu.dimension_semantics<core_parallel>, #tpu.dimension_semantics<subcore_parallel>], iteration_bounds = array<i64: 2, 16>, scalar_prefetch = 0 : i64, scratch_operands = 6 : i64, tpu.core_type = #tpu.core_type<sc_vector_subcore>, window_params = [{transform_indices = #map}, {transform_indices = #map1}, {transform_indices = #map1}, {transform_indices = #map}, {transform_indices = #map2}]} {
    %mul3A = arith.constant 16 : i32
    %mul3A_0 = arith.muli %arg0, %mul3A : i32
    %add3A = arith.addi %mul3A_0, %arg1 : i32
    "tpu.region"() ({
      %run_scoped3A = tpu.sem_alloc : memref<!tpu.dma_semaphore, #tpu.memory_space<semaphore_mem>>
      tpu.enqueue_dma source(%arg2 : memref<10240xf32, #tpu.memory_space<hbm>>) target(%arg7 : memref<10240xf32, #tpu.memory_space<vmem>>) target_semaphore(%run_scoped3A : memref<!tpu.dma_semaphore, #tpu.memory_space<semaphore_mem>>)
      tpu.wait_dma2 semaphore(%run_scoped3A : memref<!tpu.dma_semaphore, #tpu.memory_space<semaphore_mem>>) src(%arg2 : memref<10240xf32, #tpu.memory_space<hbm>>) dst(%arg7 : memref<10240xf32, #tpu.memory_space<vmem>>)
      tpu.yield
    }) : () -> ()
    "tpu.region"() ({
      %run_scoped3A = tpu.sem_alloc : memref<!tpu.dma_semaphore, #tpu.memory_space<semaphore_mem>>
      %dma_start3A = arith.constant 0 : i32
      %dma_start3A_24 = arith.constant 0 : i32
      %dma_start3A_25 = tpu.memref_slice %arg3[%add3A, %dma_start3A, %dma_start3A_24] : memref<32x80x128xi32, #tpu.memory_space<hbm>> -> memref<1x80x128xi32, #tpu.memory_space<hbm>>
      %dma_start3A_26 = tpu.memref_squeeze %dma_start3A_25 : memref<1x80x128xi32, #tpu.memory_space<hbm>> -> memref<80x128xi32, #tpu.memory_space<hbm>>
      %dma_start3A_27 = arith.constant 0 : i32
      %dma_start3A_28 = arith.constant 0 : i32
      %dma_start3A_29 = tpu.memref_slice %arg3[%add3A, %dma_start3A_27, %dma_start3A_28] : memref<32x80x128xi32, #tpu.memory_space<hbm>> -> memref<1x80x128xi32, #tpu.memory_space<hbm>>
      %dma_start3A_30 = tpu.memref_squeeze %dma_start3A_29 : memref<1x80x128xi32, #tpu.memory_space<hbm>> -> memref<80x128xi32, #tpu.memory_space<hbm>>
      tpu.enqueue_dma source(%dma_start3A_30 : memref<80x128xi32, #tpu.memory_space<hbm>>) target(%arg8 : memref<80x128xi32, #tpu.memory_space<vmem>>) target_semaphore(%run_scoped3A : memref<!tpu.dma_semaphore, #tpu.memory_space<semaphore_mem>>)
      %dma_wait3A = arith.constant 0 : i32
      %dma_wait3A_31 = arith.constant 0 : i32
      %dma_wait3A_32 = tpu.memref_slice %arg3[%add3A, %dma_wait3A, %dma_wait3A_31] : memref<32x80x128xi32, #tpu.memory_space<hbm>> -> memref<1x80x128xi32, #tpu.memory_space<hbm>>
      %dma_wait3A_33 = tpu.memref_squeeze %dma_wait3A_32 : memref<1x80x128xi32, #tpu.memory_space<hbm>> -> memref<80x128xi32, #tpu.memory_space<hbm>>
      %dma_wait3A_34 = arith.constant 0 : i32
      %dma_wait3A_35 = arith.constant 0 : i32
      %dma_wait3A_36 = tpu.memref_slice %arg3[%add3A, %dma_wait3A_34, %dma_wait3A_35] : memref<32x80x128xi32, #tpu.memory_space<hbm>> -> memref<1x80x128xi32, #tpu.memory_space<hbm>>
      %dma_wait3A_37 = tpu.memref_squeeze %dma_wait3A_36 : memref<1x80x128xi32, #tpu.memory_space<hbm>> -> memref<80x128xi32, #tpu.memory_space<hbm>>
      tpu.wait_dma2 semaphore(%run_scoped3A : memref<!tpu.dma_semaphore, #tpu.memory_space<semaphore_mem>>) src(%dma_wait3A_37 : memref<80x128xi32, #tpu.memory_space<hbm>>) dst(%arg8 : memref<80x128xi32, #tpu.memory_space<vmem>>)
      tpu.yield
    }) : () -> ()
    "tpu.region"() ({
      %run_scoped3A = tpu.sem_alloc : memref<!tpu.dma_semaphore, #tpu.memory_space<semaphore_mem>>
      %dma_start3A = arith.constant 0 : i32
      %dma_start3A_24 = arith.constant 0 : i32
      %dma_start3A_25 = tpu.memref_slice %arg4[%add3A, %dma_start3A, %dma_start3A_24] : memref<32x80x128xi32, #tpu.memory_space<hbm>> -> memref<1x80x128xi32, #tpu.memory_space<hbm>>
      %dma_start3A_26 = tpu.memref_squeeze %dma_start3A_25 : memref<1x80x128xi32, #tpu.memory_space<hbm>> -> memref<80x128xi32, #tpu.memory_space<hbm>>
      %dma_start3A_27 = arith.constant 0 : i32
      %dma_start3A_28 = arith.constant 0 : i32
      %dma_start3A_29 = tpu.memref_slice %arg4[%add3A, %dma_start3A_27, %dma_start3A_28] : memref<32x80x128xi32, #tpu.memory_space<hbm>> -> memref<1x80x128xi32, #tpu.memory_space<hbm>>
      %dma_start3A_30 = tpu.memref_squeeze %dma_start3A_29 : memref<1x80x128xi32, #tpu.memory_space<hbm>> -> memref<80x128xi32, #tpu.memory_space<hbm>>
      tpu.enqueue_dma source(%dma_start3A_30 : memref<80x128xi32, #tpu.memory_space<hbm>>) target(%arg9 : memref<80x128xi32, #tpu.memory_space<vmem>>) target_semaphore(%run_scoped3A : memref<!tpu.dma_semaphore, #tpu.memory_space<semaphore_mem>>)
      %dma_wait3A = arith.constant 0 : i32
      %dma_wait3A_31 = arith.constant 0 : i32
      %dma_wait3A_32 = tpu.memref_slice %arg4[%add3A, %dma_wait3A, %dma_wait3A_31] : memref<32x80x128xi32, #tpu.memory_space<hbm>> -> memref<1x80x128xi32, #tpu.memory_space<hbm>>
      %dma_wait3A_33 = tpu.memref_squeeze %dma_wait3A_32 : memref<1x80x128xi32, #tpu.memory_space<hbm>> -> memref<80x128xi32, #tpu.memory_space<hbm>>
      %dma_wait3A_34 = arith.constant 0 : i32
      %dma_wait3A_35 = arith.constant 0 : i32
      %dma_wait3A_36 = tpu.memref_slice %arg4[%add3A, %dma_wait3A_34, %dma_wait3A_35] : memref<32x80x128xi32, #tpu.memory_space<hbm>> -> memref<1x80x128xi32, #tpu.memory_space<hbm>>
      %dma_wait3A_37 = tpu.memref_squeeze %dma_wait3A_36 : memref<1x80x128xi32, #tpu.memory_space<hbm>> -> memref<80x128xi32, #tpu.memory_space<hbm>>
      tpu.wait_dma2 semaphore(%run_scoped3A : memref<!tpu.dma_semaphore, #tpu.memory_space<semaphore_mem>>) src(%dma_wait3A_37 : memref<80x128xi32, #tpu.memory_space<hbm>>) dst(%arg9 : memref<80x128xi32, #tpu.memory_space<vmem>>)
      tpu.yield
    }) : () -> ()
    %mul3A_1 = arith.constant 640 : i32
    %mul3A_2 = arith.muli %arg1, %mul3A_1 : i32
    %mul3A_3 = arith.constant 640 : i32
    %mul3A_4 = arith.muli %arg1, %mul3A_3 : i32
    "tpu.region"() ({
      %run_scoped3A = tpu.sem_alloc : memref<!tpu.dma_semaphore, #tpu.memory_space<semaphore_mem>>
      %dma_start3A = tpu.memref_slice %arg11[%mul3A_4] : memref<10240xf32, #tpu.memory_space<vmem_shared>> -> memref<640xf32, #tpu.memory_space<vmem_shared>>
      %dma_start3A_24 = tpu.memref_slice %arg5[%mul3A_2] : memref<10240xf32, #tpu.memory_space<hbm>> -> memref<640xf32, #tpu.memory_space<hbm>>
      tpu.enqueue_dma source(%dma_start3A_24 : memref<640xf32, #tpu.memory_space<hbm>>) target(%dma_start3A : memref<640xf32, #tpu.memory_space<vmem_shared>>) target_semaphore(%run_scoped3A : memref<!tpu.dma_semaphore, #tpu.memory_space<semaphore_mem>>)
      %dma_wait3A = tpu.memref_slice %arg11[%mul3A_4] : memref<10240xf32, #tpu.memory_space<vmem_shared>> -> memref<640xf32, #tpu.memory_space<vmem_shared>>
      %dma_wait3A_25 = tpu.memref_slice %arg5[%mul3A_2] : memref<10240xf32, #tpu.memory_space<hbm>> -> memref<640xf32, #tpu.memory_space<hbm>>
      tpu.wait_dma2 semaphore(%run_scoped3A : memref<!tpu.dma_semaphore, #tpu.memory_space<semaphore_mem>>) src(%dma_wait3A_25 : memref<640xf32, #tpu.memory_space<hbm>>) dst(%dma_wait3A : memref<640xf32, #tpu.memory_space<vmem_shared>>)
      tpu.yield
    }) : () -> ()
    %barrier3A = arith.constant 0 : index
    tpu.barrier barrier_id(%barrier3A)
    %scan3A = arith.constant 0 : i32
    %scan3A_5 = arith.constant 80 : i32
    %scan3A_6 = arith.addi %scan3A, %scan3A_5 : i32
    %scan3A_7 = arith.constant 1 : i32
    scf.for %scan3A_24 = %scan3A to %scan3A_6 step %scan3A_7  : i32 {
      %mul3A_25 = arith.constant 1 : i32
      %mul3A_26 = arith.muli %scan3A_24, %mul3A_25 : i32
      %add3A_27 = arith.constant 0 : i32
      %add3A_28 = arith.addi %add3A_27, %mul3A_26 : i32
      %get3A = arith.index_cast %add3A_28 : i32 to index
      %get3A_29 = arith.constant 0 : index
      %get3A_30 = tpu.vector_load %arg8[%get3A, %get3A_29] {strides = array<i32>} : memref<80x128xi32, #tpu.memory_space<vmem>>, vector<16xi32>,
      %gather3A = tpu.vector_load_idx %arg7[%get3A_30] : memref<10240xf32, #tpu.memory_space<vmem>>[vector<16xi32>], vector<16xf32>,
      %swap3A = arith.index_cast %add3A_28 : i32 to index
      %swap3A_31 = arith.constant 0 : index
      %swap3A_32 = tpu.vector_load %arg10[%swap3A, %swap3A_31] {strides = array<i32>} : memref<80x128xf32, #tpu.memory_space<vmem>>, vector<16xf32>,
      tpu.vector_store %arg10[%swap3A, %swap3A_31], %gather3A {strides = array<i32>} : memref<80x128xf32, #tpu.memory_space<vmem>>, vector<16xf32>,
      %get3A_33 = arith.index_cast %add3A_28 : i32 to index
      %get3A_34 = arith.constant 16 : index
      %get3A_35 = tpu.vector_load %arg8[%get3A_33, %get3A_34] {strides = array<i32>} : memref<80x128xi32, #tpu.memory_space<vmem>>, vector<16xi32>,
      %gather3A_36 = tpu.vector_load_idx %arg7[%get3A_35] : memref<10240xf32, #tpu.memory_space<vmem>>[vector<16xi32>], vector<16xf32>,
      %swap3A_37 = arith.index_cast %add3A_28 : i32 to index
      %swap3A_38 = arith.constant 16 : index
      %swap3A_39 = tpu.vector_load %arg10[%swap3A_37, %swap3A_38] {strides = array<i32>} : memref<80x128xf32, #tpu.memory_space<vmem>>, vector<16xf32>,
      tpu.vector_store %arg10[%swap3A_37, %swap3A_38], %gather3A_36 {strides = array<i32>} : memref<80x128xf32, #tpu.memory_space<vmem>>, vector<16xf32>,
      %get3A_40 = arith.index_cast %add3A_28 : i32 to index
      %get3A_41 = arith.constant 32 : index
      %get3A_42 = tpu.vector_load %arg8[%get3A_40, %get3A_41] {strides = array<i32>} : memref<80x128xi32, #tpu.memory_space<vmem>>, vector<16xi32>,
      %gather3A_43 = tpu.vector_load_idx %arg7[%get3A_42] : memref<10240xf32, #tpu.memory_space<vmem>>[vector<16xi32>], vector<16xf32>,
      %swap3A_44 = arith.index_cast %add3A_28 : i32 to index
      %swap3A_45 = arith.constant 32 : index
      %swap3A_46 = tpu.vector_load %arg10[%swap3A_44, %swap3A_45] {strides = array<i32>} : memref<80x128xf32, #tpu.memory_space<vmem>>, vector<16xf32>,
      tpu.vector_store %arg10[%swap3A_44, %swap3A_45], %gather3A_43 {strides = array<i32>} : memref<80x128xf32, #tpu.memory_space<vmem>>, vector<16xf32>,
      %get3A_47 = arith.index_cast %add3A_28 : i32 to index
      %get3A_48 = arith.constant 48 : index
      %get3A_49 = tpu.vector_load %arg8[%get3A_47, %get3A_48] {strides = array<i32>} : memref<80x128xi32, #tpu.memory_space<vmem>>, vector<16xi32>,
      %gather3A_50 = tpu.vector_load_idx %arg7[%get3A_49] : memref<10240xf32, #tpu.memory_space<vmem>>[vector<16xi32>], vector<16xf32>,
      %swap3A_51 = arith.index_cast %add3A_28 : i32 to index
      %swap3A_52 = arith.constant 48 : index
      %swap3A_53 = tpu.vector_load %arg10[%swap3A_51, %swap3A_52] {strides = array<i32>} : memref<80x128xf32, #tpu.memory_space<vmem>>, vector<16xf32>,
      tpu.vector_store %arg10[%swap3A_51, %swap3A_52], %gather3A_50 {strides = array<i32>} : memref<80x128xf32, #tpu.memory_space<vmem>>, vector<16xf32>,
      %get3A_54 = arith.index_cast %add3A_28 : i32 to index
      %get3A_55 = arith.constant 64 : index
      %get3A_56 = tpu.vector_load %arg8[%get3A_54, %get3A_55] {strides = array<i32>} : memref<80x128xi32, #tpu.memory_space<vmem>>, vector<16xi32>,
      %gather3A_57 = tpu.vector_load_idx %arg7[%get3A_56] : memref<10240xf32, #tpu.memory_space<vmem>>[vector<16xi32>], vector<16xf32>,
      %swap3A_58 = arith.index_cast %add3A_28 : i32 to index
      %swap3A_59 = arith.constant 64 : index
      %swap3A_60 = tpu.vector_load %arg10[%swap3A_58, %swap3A_59] {strides = array<i32>} : memref<80x128xf32, #tpu.memory_space<vmem>>, vector<16xf32>,
      tpu.vector_store %arg10[%swap3A_58, %swap3A_59], %gather3A_57 {strides = array<i32>} : memref<80x128xf32, #tpu.memory_space<vmem>>, vector<16xf32>,
      %get3A_61 = arith.index_cast %add3A_28 : i32 to index
      %get3A_62 = arith.constant 80 : index
      %get3A_63 = tpu.vector_load %arg8[%get3A_61, %get3A_62] {strides = array<i32>} : memref<80x128xi32, #tpu.memory_space<vmem>>, vector<16xi32>,
      %gather3A_64 = tpu.vector_load_idx %arg7[%get3A_63] : memref<10240xf32, #tpu.memory_space<vmem>>[vector<16xi32>], vector<16xf32>,
      %swap3A_65 = arith.index_cast %add3A_28 : i32 to index
      %swap3A_66 = arith.constant 80 : index
      %swap3A_67 = tpu.vector_load %arg10[%swap3A_65, %swap3A_66] {strides = array<i32>} : memref<80x128xf32, #tpu.memory_space<vmem>>, vector<16xf32>,
      tpu.vector_store %arg10[%swap3A_65, %swap3A_66], %gather3A_64 {strides = array<i32>} : memref<80x128xf32, #tpu.memory_space<vmem>>, vector<16xf32>,
      %get3A_68 = arith.index_cast %add3A_28 : i32 to index
      %get3A_69 = arith.constant 96 : index
      %get3A_70 = tpu.vector_load %arg8[%get3A_68, %get3A_69] {strides = array<i32>} : memref<80x128xi32, #tpu.memory_space<vmem>>, vector<16xi32>,
      %gather3A_71 = tpu.vector_load_idx %arg7[%get3A_70] : memref<10240xf32, #tpu.memory_space<vmem>>[vector<16xi32>], vector<16xf32>,
      %swap3A_72 = arith.index_cast %add3A_28 : i32 to index
      %swap3A_73 = arith.constant 96 : index
      %swap3A_74 = tpu.vector_load %arg10[%swap3A_72, %swap3A_73] {strides = array<i32>} : memref<80x128xf32, #tpu.memory_space<vmem>>, vector<16xf32>,
      tpu.vector_store %arg10[%swap3A_72, %swap3A_73], %gather3A_71 {strides = array<i32>} : memref<80x128xf32, #tpu.memory_space<vmem>>, vector<16xf32>,
      %get3A_75 = arith.index_cast %add3A_28 : i32 to index
      %get3A_76 = arith.constant 112 : index
      %get3A_77 = tpu.vector_load %arg8[%get3A_75, %get3A_76] {strides = array<i32>} : memref<80x128xi32, #tpu.memory_space<vmem>>, vector<16xi32>,
      %gather3A_78 = tpu.vector_load_idx %arg7[%get3A_77] : memref<10240xf32, #tpu.memory_space<vmem>>[vector<16xi32>], vector<16xf32>,
      %swap3A_79 = arith.index_cast %add3A_28 : i32 to index
      %swap3A_80 = arith.constant 112 : index
      %swap3A_81 = tpu.vector_load %arg10[%swap3A_79, %swap3A_80] {strides = array<i32>} : memref<80x128xf32, #tpu.memory_space<vmem>>, vector<16xf32>,
      tpu.vector_store %arg10[%swap3A_79, %swap3A_80], %gather3A_78 {strides = array<i32>} : memref<80x128xf32, #tpu.memory_space<vmem>>, vector<16xf32>,
    }
    %scan3A_8 = arith.constant 80 : i32
    %scan3A_9 = arith.constant 0 : i32
    %scan3A_10 = arith.constant 80 : i32
    %scan3A_11 = arith.addi %scan3A_9, %scan3A_10 : i32
    %scan3A_12 = arith.constant 1 : i32
    scf.for %scan3A_24 = %scan3A_9 to %scan3A_11 step %scan3A_12  : i32 {
      %mul3A_25 = arith.constant 1 : i32
      %mul3A_26 = arith.muli %scan3A_24, %mul3A_25 : i32
      %add3A_27 = arith.constant 0 : i32
      %add3A_28 = arith.addi %add3A_27, %mul3A_26 : i32
      %dma_start3A = arith.constant 0 : i32
      %dma_start3A_29 = tpu.memref_slice %arg10[%add3A_28, %dma_start3A] : memref<80x128xf32, #tpu.memory_space<vmem>> -> memref<1x128xf32, #tpu.memory_space<vmem>>
      %dma_start3A_30 = tpu.memref_squeeze %dma_start3A_29 : memref<1x128xf32, #tpu.memory_space<vmem>> -> memref<128xf32, #tpu.memory_space<vmem>>
      %dma_start3A_31 = arith.constant 0 : i32
      %dma_start3A_32 = tpu.memref_slice %arg9[%add3A_28, %dma_start3A_31] : memref<80x128xi32, #tpu.memory_space<vmem>> -> memref<1x128xi32, #tpu.memory_space<vmem>>
      %dma_start3A_33 = tpu.memref_squeeze %dma_start3A_32 : memref<1x128xi32, #tpu.memory_space<vmem>> -> memref<128xi32, #tpu.memory_space<vmem>>
      %dma_start3A_34 = arith.constant 0 : i32
      %dma_start3A_35 = tpu.memref_slice %arg11[%dma_start3A_34] : memref<10240xf32, #tpu.memory_space<vmem_shared>> -> memref<10240xf32, #tpu.memory_space<vmem_shared>>
      tpu.enqueue_indirect_dma source(%dma_start3A_30 : memref<128xf32, #tpu.memory_space<vmem>>) target(%dma_start3A_35 : memref<10240xf32, #tpu.memory_space<vmem_shared>>) offsets(%dma_start3A_33 : memref<128xi32, #tpu.memory_space<vmem>>) semaphore(%arg12 : memref<!tpu.dma_semaphore, #tpu.memory_space<semaphore_mem>>) {add = true}
    }
    %scan3A_13 = arith.constant 80 : i32
    %scan3A_14 = arith.constant 0 : i32
    %scan3A_15 = arith.constant 80 : i32
    %scan3A_16 = arith.addi %scan3A_14, %scan3A_15 : i32
    %scan3A_17 = arith.constant 1 : i32
    scf.for %scan3A_24 = %scan3A_14 to %scan3A_16 step %scan3A_17  : i32 {
      %mul3A_25 = arith.constant 1 : i32
      %mul3A_26 = arith.muli %scan3A_24, %mul3A_25 : i32
      %add3A_27 = arith.constant 0 : i32
      %add3A_28 = arith.addi %add3A_27, %mul3A_26 : i32
      %dma_wait3A = arith.constant 0 : i32
      %dma_wait3A_29 = tpu.memref_slice %arg10[%add3A_28, %dma_wait3A] : memref<80x128xf32, #tpu.memory_space<vmem>> -> memref<1x128xf32, #tpu.memory_space<vmem>>
      %dma_wait3A_30 = tpu.memref_squeeze %dma_wait3A_29 : memref<1x128xf32, #tpu.memory_space<vmem>> -> memref<128xf32, #tpu.memory_space<vmem>>
      %dma_wait3A_31 = arith.constant 0 : i32
      %dma_wait3A_32 = tpu.memref_slice %arg9[%add3A_28, %dma_wait3A_31] : memref<80x128xi32, #tpu.memory_space<vmem>> -> memref<1x128xi32, #tpu.memory_space<vmem>>
      %dma_wait3A_33 = tpu.memref_squeeze %dma_wait3A_32 : memref<1x128xi32, #tpu.memory_space<vmem>> -> memref<128xi32, #tpu.memory_space<vmem>>
      %dma_wait3A_34 = arith.constant 0 : i32
      %dma_wait3A_35 = tpu.memref_slice %arg11[%dma_wait3A_34] : memref<10240xf32, #tpu.memory_space<vmem_shared>> -> memref<10240xf32, #tpu.memory_space<vmem_shared>>
      tpu.wait_indirect_dma semaphore(%arg12 : memref<!tpu.dma_semaphore, #tpu.memory_space<semaphore_mem>>) src(%dma_wait3A_30 : memref<128xf32, #tpu.memory_space<vmem>>) dst(%dma_wait3A_35 : memref<10240xf32, #tpu.memory_space<vmem_shared>>)
    }
    %scan3A_18 = arith.constant 80 : i32
    %barrier3A_19 = arith.constant 0 : index
    tpu.barrier barrier_id(%barrier3A_19)
    %mul3A_20 = arith.constant 640 : i32
    %mul3A_21 = arith.muli %arg1, %mul3A_20 : i32
    %mul3A_22 = arith.constant 640 : i32
    %mul3A_23 = arith.muli %arg1, %mul3A_22 : i32
    "tpu.region"() ({
      %run_scoped3A = tpu.sem_alloc : memref<!tpu.dma_semaphore, #tpu.memory_space<semaphore_mem>>
      %dma_start3A = arith.constant 0 : i32
      %dma_start3A_24 = tpu.memref_slice %arg6[%arg0, %dma_start3A] : memref<2x10240xf32, #tpu.memory_space<hbm>> -> memref<1x10240xf32, #tpu.memory_space<hbm>>
      %dma_start3A_25 = tpu.memref_squeeze %dma_start3A_24 : memref<1x10240xf32, #tpu.memory_space<hbm>> -> memref<10240xf32, #tpu.memory_space<hbm>>
      %dma_start3A_26 = tpu.memref_slice %dma_start3A_25[%mul3A_23] : memref<10240xf32, #tpu.memory_space<hbm>> -> memref<640xf32, #tpu.memory_space<hbm>>
      %dma_start3A_27 = tpu.memref_slice %arg11[%mul3A_21] : memref<10240xf32, #tpu.memory_space<vmem_shared>> -> memref<640xf32, #tpu.memory_space<vmem_shared>>
      tpu.enqueue_dma source(%dma_start3A_27 : memref<640xf32, #tpu.memory_space<vmem_shared>>) target(%dma_start3A_26 : memref<640xf32, #tpu.memory_space<hbm>>) target_semaphore(%run_scoped3A : memref<!tpu.dma_semaphore, #tpu.memory_space<semaphore_mem>>)
      %dma_wait3A = arith.constant 0 : i32
      %dma_wait3A_28 = tpu.memref_slice %arg6[%arg0, %dma_wait3A] : memref<2x10240xf32, #tpu.memory_space<hbm>> -> memref<1x10240xf32, #tpu.memory_space<hbm>>
      %dma_wait3A_29 = tpu.memref_squeeze %dma_wait3A_28 : memref<1x10240xf32, #tpu.memory_space<hbm>> -> memref<10240xf32, #tpu.memory_space<hbm>>
      %dma_wait3A_30 = tpu.memref_slice %dma_wait3A_29[%mul3A_23] : memref<10240xf32, #tpu.memory_space<hbm>> -> memref<640xf32, #tpu.memory_space<hbm>>
      %dma_wait3A_31 = tpu.memref_slice %arg11[%mul3A_21] : memref<10240xf32, #tpu.memory_space<vmem_shared>> -> memref<640xf32, #tpu.memory_space<vmem_shared>>
      tpu.wait_dma2 semaphore(%run_scoped3A : memref<!tpu.dma_semaphore, #tpu.memory_space<semaphore_mem>>) src(%dma_wait3A_31 : memref<640xf32, #tpu.memory_space<vmem_shared>>) dst(%dma_wait3A_30 : memref<640xf32, #tpu.memory_space<hbm>>)
      tpu.yield
    }) : () -> ()
    return
  }
}

module attributes {stable_mosaic.version = 14 : i64} {
  func.func @body(%arg0: i32, %arg1: memref<1024x128xf32, #tpu.memory_space<vmem>>, %arg2: memref<128x128xf32, #tpu.memory_space<vmem>>, %arg3: memref<1024xf32, #tpu.memory_space<vmem>>, %arg4: memref<1024xf32, #tpu.memory_space<vmem>>, %arg5: memref<1024x128xf32, #tpu.memory_space<vmem>>, %arg6: memref<1024xf32, #tpu.memory_space<vmem>>) attributes {dimension_semantics = [#tpu.dimension_semantics<arbitrary>], iteration_bounds = array<i64: 10>, scalar_prefetch = 0 : i64, scratch_operands = 0 : i64, tpu.core_type = #tpu.core_type<tc>, window_params = [{transform_indices = @transform_0, window_bounds = array<i64: 1024, 128>}, {pipeline_mode = #tpu.pipeline_mode<synchronous>, transform_indices = @transform_1, window_bounds = array<i64: 128, 128>}, {transform_indices = @transform_2, window_bounds = array<i64: 1024>}, {transform_indices = @transform_3, window_bounds = array<i64: 1024>}, {transform_indices = @transform_4, window_bounds = array<i64: 1024, 128>}, {transform_indices = @transform_5, window_bounds = array<i64: 1024>}]} {
    %mul3A = arith.constant 1024 : i32
    %mul3A_0 = arith.muli %arg0, %mul3A : i32
    %iota3A = tpu.iota {dimensions = array<i32: 1>} : vector<1x1024xi32>
    %iota3A_1 = vector.shape_cast %iota3A : vector<1x1024xi32> to vector<1024xi32>
    %add3A = vector.broadcast %mul3A_0 : i32 to vector<1024xi32>
    %add3A_2 = arith.addi %add3A, %iota3A_1 : vector<1024xi32>
    %get3A = arith.constant 0 : index
    %get3A_3 = vector.load %arg3[%get3A] : memref<1024xf32, #tpu.memory_space<vmem>>, vector<1024xf32>
    %add3A_4 = arith.constant 1.000000e+00 : f32
    %add3A_5 = vector.broadcast %add3A_4 : f32 to vector<1024xf32>
    %add3A_6 = arith.addf %add3A_5, %get3A_3 : vector<1024xf32>
    %get3A_7 = arith.constant 0 : index
    %get3A_8 = vector.load %arg4[%get3A_7] : memref<1024xf32, #tpu.memory_space<vmem>>, vector<1024xf32>
    %add3A_9 = arith.addf %add3A_6, %get3A_8 : vector<1024xf32>
    %rsqrt3A = math.rsqrt %add3A_9 : vector<1024xf32>
    %lt3A = arith.constant 10000 : i32
    %lt3A_10 = vector.broadcast %lt3A : i32 to vector<1024xi32>
    %lt3A_11 = arith.cmpi slt, %add3A_2, %lt3A_10 : vector<1024xi32>
    %jit3A = arith.constant 0.000000e+00 : f32
    %broadcast_in_dim3A = vector.broadcast %jit3A : f32 to vector<1024xf32>
    %select_n3A = arith.select %lt3A_11, %rsqrt3A, %broadcast_in_dim3A : vector<1024xi1>, vector<1024xf32>
    %swap3A = arith.constant 0 : index
    %swap3A_12 = vector.load %arg6[%swap3A] : memref<1024xf32, #tpu.memory_space<vmem>>, vector<1024xf32>
    tpu.vector_store %arg6[%swap3A], %select_n3A {strides = array<i32>} : memref<1024xf32, #tpu.memory_space<vmem>>, vector<1024xf32>,
    %get3A_13 = arith.constant 0 : index
    %get3A_14 = arith.constant 0 : index
    %get3A_15 = vector.load %arg1[%get3A_13, %get3A_14] : memref<1024x128xf32, #tpu.memory_space<vmem>>, vector<1024x128xf32>
    %broadcast_in_dim3A_16 = vector.shape_cast %select_n3A : vector<1024xf32> to vector<1024x1xf32>
    %mul3A_17 = vector.broadcast %broadcast_in_dim3A_16 : vector<1024x1xf32> to vector<1024x128xf32>
    %mul3A_18 = arith.mulf %get3A_15, %mul3A_17 : vector<1024x128xf32>
    %get3A_19 = arith.constant 0 : index
    %get3A_20 = arith.constant 0 : index
    %get3A_21 = vector.load %arg2[%get3A_19, %get3A_20] : memref<128x128xf32, #tpu.memory_space<vmem>>, vector<128x128xf32>
    %dot_general3A = arith.constant dense<0.000000e+00> : vector<1024x128xf32>
    %dot_general3A_22 = tpu.matmul %mul3A_18, %get3A_21, %dot_general3A {dimension_numbers = #tpu.dot_dimension_numbers<[1], [0], [0], [1], [0, 0, 1, 1], [], []>, precision = #tpu.contract_precision<fp32>, transpose_lhs_hint = false} : vector<1024x128xf32>, vector<128x128xf32>, vector<1024x128xf32> -> vector<1024x128xf32>
    %swap3A_23 = arith.constant 0 : index
    %swap3A_24 = arith.constant 0 : index
    %swap3A_25 = vector.load %arg5[%swap3A_23, %swap3A_24] : memref<1024x128xf32, #tpu.memory_space<vmem>>, vector<1024x128xf32>
    tpu.vector_store %arg5[%swap3A_23, %swap3A_24], %dot_general3A_22 {strides = array<i32>} : memref<1024x128xf32, #tpu.memory_space<vmem>>, vector<1024x128xf32>,
    return
  }
  func.func @transform_0(%arg0: i32) -> (i32, i32) {
    %c0_i32 = arith.constant 0 : i32
    %c0_i32_0 = arith.constant 0 : i32
    return %arg0, %c0_i32 : i32, i32
  }
  func.func @transform_1(%arg0: i32) -> (i32, i32) {
    %c0_i32 = arith.constant 0 : i32
    %c0_i32_0 = arith.constant 0 : i32
    %c0_i32_1 = arith.constant 0 : i32
    return %c0_i32, %c0_i32_0 : i32, i32
  }
  func.func @transform_2(%arg0: i32) -> i32 {
    %c0_i32 = arith.constant 0 : i32
    return %arg0 : i32
  }
  func.func @transform_3(%arg0: i32) -> i32 {
    %c0_i32 = arith.constant 0 : i32
    return %arg0 : i32
  }
  func.func @transform_4(%arg0: i32) -> (i32, i32) {
    %c0_i32 = arith.constant 0 : i32
    %c0_i32_0 = arith.constant 0 : i32
    return %arg0, %c0_i32 : i32, i32
  }
  func.func @transform_5(%arg0: i32) -> i32 {
    %c0_i32 = arith.constant 0 : i32
    return %arg0 : i32
  }
}

module attributes {stable_mosaic.version = 14 : i64} {
  func.func @body(%arg0: i32, %arg1: memref<1024x128xf32, #tpu.memory_space<vmem>>, %arg2: memref<1024x128xf32, #tpu.memory_space<vmem>>, %arg3: memref<1024x128xf32, #tpu.memory_space<vmem>>, %arg4: memref<1024xf32, #tpu.memory_space<vmem>>, %arg5: memref<1x128xf32, #tpu.memory_space<vmem>>, %arg6: memref<1x128xf32, #tpu.memory_space<vmem>>, %arg7: memref<1024xf32, #tpu.memory_space<vmem>>) attributes {dimension_semantics = [#tpu.dimension_semantics<arbitrary>], iteration_bounds = array<i64: 10>, scalar_prefetch = 0 : i64, scratch_operands = 0 : i64, tpu.core_type = #tpu.core_type<tc>, window_params = [{transform_indices = @transform_0, window_bounds = array<i64: 1024, 128>}, {transform_indices = @transform_1, window_bounds = array<i64: 1024, 128>}, {transform_indices = @transform_2, window_bounds = array<i64: 1024, 128>}, {transform_indices = @transform_3, window_bounds = array<i64: 1024>}, {pipeline_mode = #tpu.pipeline_mode<synchronous>, transform_indices = @transform_4, window_bounds = array<i64: 1, 128>}, {pipeline_mode = #tpu.pipeline_mode<synchronous>, transform_indices = @transform_5, window_bounds = array<i64: 1, 128>}, {transform_indices = @transform_6, window_bounds = array<i64: 1024>}]} {
    %get3A = arith.constant 0 : index
    %get3A_0 = vector.load %arg4[%get3A] : memref<1024xf32, #tpu.memory_space<vmem>>, vector<1024xf32>
    %broadcast_in_dim3A = vector.shape_cast %get3A_0 : vector<1024xf32> to vector<1024x1xf32>
    %get3A_1 = arith.constant 0 : index
    %get3A_2 = arith.constant 0 : index
    %get3A_3 = vector.load %arg1[%get3A_1, %get3A_2] : memref<1024x128xf32, #tpu.memory_space<vmem>>, vector<1024x128xf32>
    %get3A_4 = arith.constant 0 : index
    %get3A_5 = arith.constant 0 : index
    %get3A_6 = vector.load %arg2[%get3A_4, %get3A_5] : memref<1024x128xf32, #tpu.memory_space<vmem>>, vector<1024x128xf32>
    %add3A = arith.addf %get3A_3, %get3A_6 : vector<1024x128xf32>
    %get3A_7 = arith.constant 0 : index
    %get3A_8 = arith.constant 0 : index
    %get3A_9 = vector.load %arg3[%get3A_7, %get3A_8] : memref<1024x128xf32, #tpu.memory_space<vmem>>, vector<1024x128xf32>
    %add3A_10 = arith.addf %add3A, %get3A_9 : vector<1024x128xf32>
    %mul3A = vector.broadcast %broadcast_in_dim3A : vector<1024x1xf32> to vector<1024x128xf32>
    %mul3A_11 = arith.mulf %mul3A, %add3A_10 : vector<1024x128xf32>
    %get3A_12 = arith.constant 0 : index
    %get3A_13 = arith.constant 0 : index
    %get3A_14 = vector.load %arg5[%get3A_12, %get3A_13] : memref<1x128xf32, #tpu.memory_space<vmem>>, vector<1x128xf32>
    %add3A_15 = vector.broadcast %get3A_14 : vector<1x128xf32> to vector<1024x128xf32>
    %add3A_16 = arith.addf %mul3A_11, %add3A_15 : vector<1024x128xf32>
    %max3A = arith.constant 0.000000e+00 : f32
    %max3A_17 = vector.broadcast %max3A : f32 to vector<1024x128xf32>
    %max3A_18 = arith.maximumf %add3A_16, %max3A_17 : vector<1024x128xf32>
    %get3A_19 = arith.constant 0 : index
    %get3A_20 = arith.constant 0 : index
    %get3A_21 = vector.load %arg6[%get3A_19, %get3A_20] : memref<1x128xf32, #tpu.memory_space<vmem>>, vector<1x128xf32>
    %mul3A_22 = vector.broadcast %get3A_21 : vector<1x128xf32> to vector<1024x128xf32>
    %mul3A_23 = arith.mulf %max3A_18, %mul3A_22 : vector<1024x128xf32>
    %reduce_sum3A = arith.constant dense<0.000000e+00> : vector<1024xf32>
    %reduce_sum3A_24 = vector.multi_reduction <add>, %mul3A_23, %reduce_sum3A [1] : vector<1024x128xf32> to vector<1024xf32>
    %mul3A_25 = arith.mulf %reduce_sum3A_24, %get3A_0 : vector<1024xf32>
    %swap3A = arith.constant 0 : index
    %swap3A_26 = vector.load %arg7[%swap3A] : memref<1024xf32, #tpu.memory_space<vmem>>, vector<1024xf32>
    tpu.vector_store %arg7[%swap3A], %mul3A_25 {strides = array<i32>} : memref<1024xf32, #tpu.memory_space<vmem>>, vector<1024xf32>,
    return
  }
  func.func @transform_0(%arg0: i32) -> (i32, i32) {
    %c0_i32 = arith.constant 0 : i32
    %c0_i32_0 = arith.constant 0 : i32
    return %arg0, %c0_i32 : i32, i32
  }
  func.func @transform_1(%arg0: i32) -> (i32, i32) {
    %c0_i32 = arith.constant 0 : i32
    %c0_i32_0 = arith.constant 0 : i32
    return %arg0, %c0_i32 : i32, i32
  }
  func.func @transform_2(%arg0: i32) -> (i32, i32) {
    %c0_i32 = arith.constant 0 : i32
    %c0_i32_0 = arith.constant 0 : i32
    return %arg0, %c0_i32 : i32, i32
  }
  func.func @transform_3(%arg0: i32) -> i32 {
    %c0_i32 = arith.constant 0 : i32
    return %arg0 : i32
  }
  func.func @transform_4(%arg0: i32) -> (i32, i32) {
    %c0_i32 = arith.constant 0 : i32
    %c0_i32_0 = arith.constant 0 : i32
    %c0_i32_1 = arith.constant 0 : i32
    return %c0_i32, %c0_i32_0 : i32, i32
  }
  func.func @transform_5(%arg0: i32) -> (i32, i32) {
    %c0_i32 = arith.constant 0 : i32
    %c0_i32_0 = arith.constant 0 : i32
    %c0_i32_1 = arith.constant 0 : i32
    return %c0_i32, %c0_i32_0 : i32, i32
  }
  func.func @transform_6(%arg0: i32) -> i32 {
    %c0_i32 = arith.constant 0 : i32
    return %arg0 : i32
  }
}

module attributes {stable_mosaic.version = 14 : i64} {
  func.func @body(%arg0: i32, %arg1: memref<1024xf32, #tpu.memory_space<vmem>>, %arg2: memref<1024xf32, #tpu.memory_space<vmem>>, %arg3: memref<1024xf32, #tpu.memory_space<vmem>>, %arg4: memref<1024xf32, #tpu.memory_space<vmem>>, %arg5: memref<1xf32, #tpu.memory_space<vmem>>, %arg6: memref<1024xf32, #tpu.memory_space<vmem>>) attributes {dimension_semantics = [#tpu.dimension_semantics<arbitrary>], iteration_bounds = array<i64: 10>, scalar_prefetch = 0 : i64, scratch_operands = 0 : i64, tpu.core_type = #tpu.core_type<tc>, window_params = [{transform_indices = @transform_0, window_bounds = array<i64: 1024>}, {transform_indices = @transform_1, window_bounds = array<i64: 1024>}, {transform_indices = @transform_2, window_bounds = array<i64: 1024>}, {transform_indices = @transform_3, window_bounds = array<i64: 1024>}, {pipeline_mode = #tpu.pipeline_mode<synchronous>, transform_indices = @transform_4, window_bounds = array<i64: 1>}, {transform_indices = @transform_5, window_bounds = array<i64: 1024>}]} {
    %get3A = arith.constant 0 : index
    %get3A_0 = vector.load %arg4[%get3A] : memref<1024xf32, #tpu.memory_space<vmem>>, vector<1024xf32>
    %get3A_1 = arith.constant 0 : index
    %get3A_2 = vector.load %arg1[%get3A_1] : memref<1024xf32, #tpu.memory_space<vmem>>, vector<1024xf32>
    %get3A_3 = arith.constant 0 : index
    %get3A_4 = vector.load %arg2[%get3A_3] : memref<1024xf32, #tpu.memory_space<vmem>>, vector<1024xf32>
    %add3A = arith.addf %get3A_2, %get3A_4 : vector<1024xf32>
    %get3A_5 = arith.constant 0 : index
    %get3A_6 = vector.load %arg3[%get3A_5] : memref<1024xf32, #tpu.memory_space<vmem>>, vector<1024xf32>
    %add3A_7 = arith.addf %add3A, %get3A_6 : vector<1024xf32>
    %mul3A = arith.mulf %get3A_0, %add3A_7 : vector<1024xf32>
    %get3A_8 = arith.constant 0 : index
    %get3A_9 = vector.load %arg5[%get3A_8] : memref<1xf32, #tpu.memory_space<vmem>>, vector<1xf32>
    %add3A_10 = vector.broadcast %get3A_9 : vector<1xf32> to vector<1024xf32>
    %add3A_11 = arith.addf %mul3A, %add3A_10 : vector<1024xf32>
    %swap3A = arith.constant 0 : index
    %swap3A_12 = vector.load %arg6[%swap3A] : memref<1024xf32, #tpu.memory_space<vmem>>, vector<1024xf32>
    tpu.vector_store %arg6[%swap3A], %add3A_11 {strides = array<i32>} : memref<1024xf32, #tpu.memory_space<vmem>>, vector<1024xf32>,
    return
  }
  func.func @transform_0(%arg0: i32) -> i32 {
    %c0_i32 = arith.constant 0 : i32
    return %arg0 : i32
  }
  func.func @transform_1(%arg0: i32) -> i32 {
    %c0_i32 = arith.constant 0 : i32
    return %arg0 : i32
  }
  func.func @transform_2(%arg0: i32) -> i32 {
    %c0_i32 = arith.constant 0 : i32
    return %arg0 : i32
  }
  func.func @transform_3(%arg0: i32) -> i32 {
    %c0_i32 = arith.constant 0 : i32
    return %arg0 : i32
  }
  func.func @transform_4(%arg0: i32) -> i32 {
    %c0_i32 = arith.constant 0 : i32
    %c0_i32_0 = arith.constant 0 : i32
    return %c0_i32 : i32
  }
  func.func @transform_5(%arg0: i32) -> i32 {
    %c0_i32 = arith.constant 0 : i32
    return %arg0 : i32
  }
}

</mosaic_0001>

<sc_bundles>
// kernel: kernel.11.cloned.1.call-start
scs
__scs_entry_jumppad:
0x0: {  	(pc) =	sbr.rel $0x88, $3  }
0x1: {  	(tag) =	ssettag $0x0;
	lr =	simm.s32 $0x1  }
0x2: {  	[smem:$0x3F9B] =	sst lr;
	_ =	strace $0xD0000000  }
0x3: {  	_ = 	snop  }
0x4: {  	_ = 	snop  }
0x5: {  	_ = 	snop  }
0x6: {  	_ = 	snop  }
0x7: {  	_ = 	snop  }
__scs_overlays_trampoline_lowered:
0x8: {  	[smem:$0x3FAA] =	sst s0  }
0x9: {  	[smem:$0x3FAB] =	sst s1  }
0xa: {  	[smem:$0x3FAC] =	sst s2  }
0xb: {  	[smem:$0x3FAD] =	sst s3  }
0xc: {  	[smem:$0x3FAE] =	sst s4  }
0xd: {  	[smem:$0x3FAF] =	sst s5  }
0xe: {  	[smem:$0x3FB0] =	sst s6  }
0xf: {  	[smem:$0x3FB1] =	sst s7  }
0x10: {  	[smem:$0x3FB2] =	sst s8  }
0x11: {  	[smem:$0x3FB3] =	sst s9;
	s0 =	simm.s32 @!p0 $0x0  }
0x12: {  	s1 =	sld [smem:$0x3F99];
	s0 =	simm.s32 @p0 $0x1  }
0x13: {  	[smem:$0x3FB4] =	sst s0;
	s0 =	simm.s32 @!p1 $0x0  }
0x14: {  	s2 =	sld [smem:$0x3F98];
	s0 =	simm.s32 @p1 $0x1  }
0x15: {  	[smem:$0x3FB5] =	sst s0;
	s0 =	simm.s32 @!p2 $0x0  }
0x16: {  	s3 =	sld [smem:$0x3FDB];
	s0 =	simm.s32 @p2 $0x1  }
0x17: {  	s4 =	simm.s32 $0x1BF5;
	[smem:$0x3FB7] =	sst s0  }
0x18: {  	s0 =	sld [smem:$0x3F9A];
	_ =	swait.ge [sflag:s4], $0x0  }
0x19: {  	s7 =	sld [smem:$0x3F9B]  }
0x1a: {  	s8 =	sadd.s32 $0xFFFFE003, lr  }
0x1b: {  	s9 =	sadd.s32 $0xFFFFFEF7, lr;
	s5 =	simm.s32 $0xFFFFFFFF;
	p2 =	slt.u32 s8, $0xFFFFF086  }
0x1c: {  	p1 =	slt.u32 s9, $0xF7A;
	s5 =	simm.s32 @!p2 $0x0  }
0x1d: {  	s5 =	simm.s32 @p1 $0x1;
	p0 =	seq.s32 s7, s2  }
0x1e: {  	s7 =	smul.u32 @!p0 $0xF7A, s2;
	p2 =	seq.s32 @!p0 s5, $0x0  }
0x1f: {  	s9 =	smul.u32 $0xF7A, s1;
	s8 =	simm.s32 @!p0 $0x1BF5;
	p2 =	por !p2, p0  }
0x20: {  	[sflag:s8] =	ssyncset.s32 @!p0 $0xFFFFF086;
	s6 =	sadd.s32 @!p0 s3, s7;
	s7 =	simm.s32 @!p0 $0x108  }
0x21: {  	s3 =	sadd.s32 s3, s9;
	s6 =	sadd.s32 @!p0 $0x88, s6;
	s7 =	simm.s32 @p2 $0x1082  }
0x22: {  	[simem:s7], [sflag:s8] =	dma.local @!p0 [hbm:s6], $0xF7A  }
0x23: {  	s9 =	sor.u32 $0xD0000000, s2;
	s6 =	simm.s32 $0x108;
	_ =	swait.ge @!p0 [sflag:s8], $0x0  }
0x24: {  	s3 =	sadd.s32 $0x88, s3;
	s6 =	simm.s32 @!p1 $0x1082;
	[sflag:s4] =	ssyncset.s32 $0xFFFFF086  }
0x25: {  	[simem:s6], [sflag:s4] =	dma.local [hbm:s3], $0xF7A  }
0x26: {  	[smem:$0x3F9B] =	sst s1;
	(tag) =	ssettag s2;
	_ =	strace s9  }
0x27: {  	s1 =	sld [smem:$0x3FAB]  }
0x28: {  	s2 =	sld [smem:$0x3FAC]  }
0x29: {  	s4 =	sld [smem:$0x3FAE]  }
0x2a: {  	p0 =	seq.s32 s5, $0x0;
	s5 =	sld [smem:$0x3FAF]  }
0x2b: {  	s6 =	sld [smem:$0x3FB0]  }
0x2c: {  	s7 =	sld [smem:$0x3FB1]  }
0x2d: {  	s3 =	simm.s32 $0x108;
	s8 =	sld [smem:$0x3FB2]  }
0x2e: {  	s3 =	simm.s32 @!p0 $0x1082;
	s9 =	sld [smem:$0x3FB3]  }
0x2f: {  	lr =	sadd.s32 s0, s3;
	s0 =	sld [smem:$0x3FAA]  }
0x30: {  	s3 =	sld [smem:$0x3FAD]  }
0x31: {  	[smem:$0x3FB6] =	sst s10  }
0x32: {  	s10 =	sld [smem:$0x3FB4];
	_ =	sdelay $0x3  }
0x33: {  	p0 =	seq.s32 s10, $0x1;
	s10 =	sld [smem:$0x3FB6];
	_ =	sdelay $0x3  }
0x34: {  	[smem:$0x3FB6] =	sst s10  }
0x35: {  	s10 =	sld [smem:$0x3FB5];
	_ =	sdelay $0x3  }
0x36: {  	p1 =	seq.s32 s10, $0x1;
	s10 =	sld [smem:$0x3FB6];
	_ =	sdelay $0x3  }
0x37: {  	[smem:$0x3FB6] =	sst s10  }
0x38: {  	s10 =	sld [smem:$0x3FB7]  }
0x39: {  	_ = 	snop;
	(pc) =	sbr.ind lr, $3  }
0x3a: {  	_ = 	snop  }
0x3b: {  	_ = 	snop  }
0x3c: {  	p2 =	seq.s32 s10, $0x1;
	s10 =	sld [smem:$0x3FB6]  }
0x3d: {  	_ =	shalt  }
0x3e: {  	_ =	shalt  }
0x3f: {  	_ =	shalt  }
0x40: {  	_ =	shalt  }
0x41: {  	_ =	shalt  }
0x42: {  	_ =	shalt  }
0x43: {  	_ =	shalt  }
0x44: {  	_ =	shalt  }
0x45: {  	_ =	shalt  }
0x46: {  	_ =	shalt  }
0x47: {  	_ =	shalt  }
0x48: {  	_ =	shalt  }
0x49: {  	_ =	shalt  }
0x4a: {  	_ =	shalt  }
0x4b: {  	_ =	shalt  }
0x4c: {  	_ =	shalt  }
0x4d: {  	_ =	shalt  }
0x4e: {  	_ =	shalt  }
0x4f: {  	_ =	shalt  }
0x50: {  	_ =	shalt  }
0x51: {  	_ =	shalt  }
0x52: {  	_ =	shalt  }
0x53: {  	_ =	shalt  }
0x54: {  	_ =	shalt  }
0x55: {  	_ =	shalt  }
0x56: {  	_ =	shalt  }
0x57: {  	_ =	shalt  }
0x58: {  	_ =	shalt  }
0x59: {  	_ =	shalt  }
0x5a: {  	_ =	shalt  }
0x5b: {  	_ =	shalt  }
0x5c: {  	_ =	shalt  }
0x5d: {  	_ =	shalt  }
0x5e: {  	_ =	shalt  }
0x5f: {  	_ =	shalt  }
0x60: {  	_ =	shalt  }
0x61: {  	_ =	shalt  }
0x62: {  	_ =	shalt  }
0x63: {  	_ =	shalt  }
0x64: {  	_ =	shalt  }
0x65: {  	_ =	shalt  }
0x66: {  	_ =	shalt  }
0x67: {  	_ =	shalt  }
0x68: {  	_ =	shalt  }
0x69: {  	_ =	shalt  }
0x6a: {  	_ =	shalt  }
0x6b: {  	_ =	shalt  }
0x6c: {  	_ =	shalt  }
0x6d: {  	_ =	shalt  }
0x6e: {  	_ =	shalt  }
0x6f: {  	_ =	shalt  }
0x70: {  	_ =	shalt  }
0x71: {  	_ =	shalt  }
0x72: {  	_ =	shalt  }
0x73: {  	_ =	shalt  }
0x74: {  	_ =	shalt  }
0x75: {  	_ =	shalt  }
0x76: {  	_ =	shalt  }
0x77: {  	_ =	shalt  }
0x78: {  	_ =	shalt  }
0x79: {  	_ =	shalt  }
0x7a: {  	_ =	shalt  }
0x7b: {  	_ =	shalt  }
0x7c: {  	_ =	shalt  }
0x7d: {  	_ =	shalt  }
0x7e: {  	_ =	shalt  }
0x7f: {  	_ =	shalt  }
0x80: {  	_ =	shalt  }
0x81: {  	_ =	shalt  }
0x82: {  	_ =	shalt  }
0x83: {  	_ =	shalt  }
0x84: {  	_ =	shalt  }
0x85: {  	_ =	shalt  }
0x86: {  	_ =	shalt  }
0x87: {  	_ =	shalt  }
.Lfunc_end0:
.L_simem_size_0:
called_computation.1_lowered:
.L_overlay_start_0:
0x88: {  	s2 =	sld [smem:$0x3FD9]  }
0x89: {  	s3 =	sld [smem:$0x3FFE];
	_ =	sdelay $0x1  }
0x8a: {  	s1 =	srdreg.scid  }
0x8b: {  	s0 =	sand.u32 $0x1, s1  }
0x8c: {  	s16 =	sshll.u32 s0, $0xA;
	s2 =	sadd.s32 s3, s2  }
0x8d: {  	s2 =	sadd.s32 s2, s16  }
0x8e: {  	[smem:$0x3FC2] =	sst s2  }
0x8f: {  	_ = 	snop  }
0x90: {  	(tm) =	ssettm $0x1  }
0x91: {  	s17 =	sld [smem:$0x3FFB];
	_ =	sdelay $0x3  }
0x92: {  	_ =	strace s17  }
0x93: {  	s2 =	sld [smem:$0x3FFC];
	_ =	sdelay $0x3  }
0x94: {  	_ =	strace s2  }
0x95: {  	s2 =	sld [smem:$0x3FFD];
	_ =	sdelay $0x3  }
0x96: {  	_ =	strace s2  }
0x97: {  	_ =	strace $0x8FFFFFFF  }
0x98: {  	s18 =	sld [smem:$0x3FDB];
	_ =	sdelay $0x1  }
0x99: {  	s19 =	simm.s32 $_scs_section_size  }
0x9a: {  	s4 =	simm.s32 $_size__tile_overlayer_lowered;
	s5 =	simm.s32 $_tile_overlayer_lowered  }
0x9b: {  	s22 =	simm.s32 $0x1BFF;
	s21 =	sshll.u32 s5, $0x1;
	s2 =	sadd.s32 s19, s18  }
0x9c: {  	s6 =	simm.s32 $0x0;
	s20 =	sshll.u32 s4, $0x1;
	s4 =	sadd.s32 s21, s2  }
0x9d: {  	[timem:s6], [sflag:s22] =	dma.local [hbm:s4], s20  }
0x9e: {  	_ =	swait.ge [sflag:s22], s20  }
0x9f: {  	s3 =	ssub.s32 $0x0, s20;
	[sflag:s22] =	ssyncset.done $0x0  }
0xa0: {  	[sflag:s22] =	ssyncadd.s32 s3;
	_ =	sdelay $0x1  }
0xa1: {  	s23 =	simm.s32 $0x1B8B  }
0xa2: {  	_ =	swait.ge [sflag:s23], $0x1  }
0xa3: {  	[sflag:s23] =	ssyncset.done $0x0  }
0xa4: {  	s25 =	simm.s32 $0x1B8E;
	s24 =	sld [smem:$0x3FFE];
	[sflag:s23] =	ssyncadd.s32 $0xFFFFFFFF  }
0xa5: {  	s26 =	simm.s32 $execute0_lowered;
	[smem:$0x3FD2] =	sst s25  }
0xa6: {  	s4 =	sshll.u32 s26, $0x1;
	_ =	strace $0x80000049;
	[dreg:$0x1] =	wrdreg $0xFFFFFFFF  }
0xa7: {  	s28 =	simm.s32 $_size_execute0_lowered;
	s2 =	sadd.s32 s2, s4;
	[dreg:$0x0] =	wrdreg $0x0  }
0xa8: {  	s4 =	sshll.u32 s28, $0x1;
	[dreg:$0x2] =	wrdreg s2  }
0xa9: {  	[dreg:$0x3] =	wrdreg s4  }
0xaa: {  	[dreg:$0x4] =	wrdreg $0xC0  }
0xab: {  	_ =	task [dreg:s6], $0x5FFFF  }
0xac: {  	[dreg:$0x1] =	wrdreg $0xFFFFFFFF  }
0xad: {  	[dreg:$0x0] =	wrdreg $0x60  }
0xae: {  	[dreg:$0x2] =	wrdreg s24  }
0xaf: {  	[dreg:$0x3] =	wrdreg $0xA8000  }
0xb0: {  	[dreg:$0x4] =	wrdreg $0x9  }
0xb1: {  	_ =	task.clear_ibuf [dreg:s6], $0x5FFFF;
	_ =	strace $0x90000049  }
0xb2: {  	s29 =	simm.s32 $0x9;
	_ =	strace $0x8000004B  }
0xb3: {  	_ =	swait.ge [sflag:s29], $0x1  }
0xb4: {  	[sflag:s29] =	ssyncadd.s32 $0xFFFFFFFF  }
0xb5: {  	_ =	strace $0x9000004B  }
0xb6: {  	_ =	sfence  }
0xb7: {  	s30 =	sld [smem:$0x0];
	_ =	sdelay $0x2  }
0xb8: {  	s31 =	sshll.u32 s1, $0xD;
	s1 =	sshrl.u32 s1, $0x2  }
0xb9: {  	s3 =	sand.u32 $0x4000, s31;
	s1 =	sadd.s32 s1, s30  }
0xba: {  	s0 =	sor.u32 s3, s0;
	s1 =	sshll.u32 s1, $0x11  }
0xbb: {  	s0 =	sor.u32 s1, s0  }
0xbc: {  	s0 =	sadd.s32 $0x8F2B, s0  }
0xbd: {  	[sflag:s0] =	ssyncadd.remote.s32 $0x1  }
0xbe: {  	_ =	sfence.sel $0xFFFF  }
0xbf: {  	[dreg:$0x0] =	wrdreg $0xFFFFFFFF;
	(pc) =	sbr.abs _section_cstart, $3  }
0xc0: {  	[dreg:$0x1] =	wrdreg $0xFFFFFFFF  }
0xc1: {  	_ =	task.clear_ibuf [dreg:s6], $0x2FFFF;
	_ =	strace $0x9FFFFFFF  }
0xc2: {  	(tm) =	ssettm $0x7FFFFFFF  }
0xc3: {  	_ =	shalt  }
tec
execute0_lowered:
.L_overlay_start_1:
0x0: {  	(tag) =	ssettag $0x1  }
0x1: {  	s0 =	srdreg.scid  }
0x2: {  	s1 =	rddreg [dreg:$0x0];
	s11 =	stileid.u32  }
0x3: {  	s2 =	rddreg [dreg:$0x1];
	s12 =	simm.s32 $0x1400;
	s13 =	simm.s32 $0x80  }
0x4: {  	s14 =	simm.s32 $0x2800;
	s15 =	simm.s32 $0x6800;
	s16 =	simm.s32 $0x1  }
0x5: {  	s17 =	simm.s32 $0x3;
	s19 =	simm.s32 $0x2;
	s21 =	simm.s32 $0x4  }
0x6: {  	s18 =	simm.s32 $0x1200;
	s20 =	simm.s32 $0x2580;
	s28 =	simm.s32 $0x1380  }
0x7: {  	s29 =	simm.s32 $0x2700;
	s0 =	sand.u32 $0x1, s0;
	s6 =	smul.u32 $0x2800, s11  }
0x8: {  	s8 =	smul.u32 $0x50000, s11;
	s25 =	sshll.u32 s11, $0x6;
	s3 =	sshll.u32 s0, $0x4  }
0x9: {  	s7 =	smul.u32 $0x28000, s0;
	s0 =	ssub.s32 $0x2, s0;
	s31 =	sor.u32 $0x1C05, s25  }
0xa: {  	s25 =	simm.s32 $0x1300;
	s4 =	sor.u32 s11, s3;
	s3 =	simm.s32 $0x0  }
0xb: {  	s9 =	sadd.s32 s6, s1;
	s10 =	sshrl.u32 s0, $0x1;
	s22 =	sshrl.u32 s8, $0x2  }
0xc: {  	s11 =	simm.s32 $0x5;
	s5 =	smul.u32 $0x500, s4;
	[smem:$0x7FF] =	sst s3  }
0xd: {  	s4 =	sadd.s32 $0x16A00, s1;
	s0 =	ssub.s32 s0, s10;
	s23 =	sadd.s32 s22, s2  }
0xe: {  	s24 =	sadd.s32 $0x3EA00, s9;
	s9 =	simm.s32 $0x1100;
	s10 =	simm.s32 $0x2500  }
0xf: {  	s22 =	simm.s32 $0x1280;
	_ =	strace $0x8000004A;
	[dreg:$0x3] =	wrdreg s24  }
0x10: {  	s0 =	smax.u32 s0, $0x1;
	[dreg:$0x4] =	wrdreg s31;
	s24 =	simm.s32 $0x2480  }
0x11: {  	s5 =	sadd.s32 s5, s1;
	s1 =	sadd.s32 s7, s1;
	[dreg:$0x5] =	wrdreg s0  }
0x12: {  	s0 =	simm.s32 $0x0;
	s7 =	sadd.s32 $0x2A00, s5;
	s8 =	sadd.s32 $0xCA00, s5  }
0x13: {  	s26 =	sadd.s32 $0x66A00, s1;
	s1 =	sshrl.u32 s23, $0x3;
	s5 =	simm.s32 $0x2400  }
0x14: {  	s23 =	simm.s32 $0x2600;
	s30 =	sadd.s32 s6, s26;
	[dreg:$0x6] =	wrdreg s1  }
0x15: {  	s6 =	simm.s32 $0x1180;
	s26 =	simm.s32 $0x2680;
	[dreg:$0x7] =	wrdreg s30  }
.LBB2_1:
0x16: {  	[dreg:$0x8] =	wrdreg s0  }
0x17: {  	s30 =	rddreg [dreg:$0x3]  }
0x18: {  	[spmem:s1], [sflag:s31] =	dma.local [hbm:s30], $0x2800  }
0x19: {  	_ =	swait.ge [sflag:s11], $0x2800  }
0x1a: {  	[sflag:s11] =	ssyncset.done $0x0  }
0x1b: {  	p0 =	por $0x1, $0x1;
	s0 =	simm.s32 $0x1080;
	[sflag:s11] =	ssyncadd.s32 $0xFFFFD800  }
0x1c: {  	s30 =	simm.s32 $0x0;
	s1 =	simm.s32 $0x2780;
	[bflag:$0x0] =	sbarrier.arrive $0xFFFF  }
.LBB2_2:
0x1d: {  	s31 =	sadd.s32 s30, s7  }
0x1e: {  	[tilespmem:s3], [sflag:$0x5] =	stream.linear.gather [hbm4b:s31+s3], $0x1400, $0x38;
	[tilespmem:$0x1E800] =	vst v63  }
0x1f: {  	_ =	swait.ge [sflag:s11], $0x1400  }
0x20: {  	[sflag:s11] =	ssyncset.done $0x0  }
0x21: {  	s30 =	sadd.s32 s30, s8;
	[sflag:s11] =	ssyncadd.s32 $0xFFFFEC00  }
0x22: {  	[tilespmem:s12], [sflag:$0x5] =	stream.linear.gather [hbm4b:s30+s3], $0x1400, $0x38;
	[tilespmem:$0x1E800] =	vst v63  }
0x23: {  	_ =	swait.ge [sflag:s11], $0x1400  }
0x24: {  	[sflag:s11] =	ssyncset.done $0x0  }
0x25: {  	[sflag:s11] =	ssyncadd.s32 $0xFFFFEC00  }
0x26: {  	[tilespmem:s14], [sflag:$0x1] =	stream.indirect.gather [hbm4b:s4+s13], $0x80, s3, s13, $0xb8;
	[tilespmem:$0x1E800] =	vst v63  }
0x27: {  	_ = 	snop  }
0x28: {  	[tilespmem:s15], [sflag:$0x2] =	stream.indirect.gather [hbm4b:s4+s13], $0x80, s13, s13, $0xb8;
	[tilespmem:$0x1E800] =	vst v63  }
0x29: {  	_ =	swait.ge [sflag:s16], $0x4000  }
0x2a: {  	[sflag:s16] =	ssyncset.done $0x0  }
0x2b: {  	[sflag:s16] =	ssyncadd.s32 $0xFFFFC000  }
0x2c: {  	[spmem:s2] =	stream.indirect.scatter.add.f32 [tilespmem:s14], [sflag:$0x3], $0x80, s12, s13, $0xb8;
	[tilespmem:$0x1E800] =	vst v63  }
0x2d: {  	_ =	swait.ge [sflag:s17], $0x4000  }
0x2e: {  	[sflag:s17] =	ssyncset.done $0x0  }
0x2f: {  	s30 =	simm.s32 $0x100;
	[sflag:s17] =	ssyncadd.s32 $0xFFFFC000  }
0x30: {  	[tilespmem:s14], [sflag:$0x1] =	stream.indirect.gather [hbm4b:s4+s13], $0x80, s30, s13, $0xb8;
	[tilespmem:$0x1E800] =	vst v63  }
0x31: {  	_ =	swait.ge [sflag:s19], $0x4000  }
0x32: {  	[sflag:s19] =	ssyncset.done $0x0  }
0x33: {  	s30 =	simm.s32 $0x1480;
	[sflag:s19] =	ssyncadd.s32 $0xFFFFC000  }
0x34: {  	[spmem:s2] =	stream.indirect.scatter.add.f32 [tilespmem:s15], [sflag:$0x4], $0x80, s30, s13, $0xb8;
	[tilespmem:$0x1E800] =	vst v63  }
0x35: {  	_ =	swait.ge [sflag:s21], $0x4000  }
0x36: {  	[sflag:s21] =	ssyncset.done $0x0  }
0x37: {  	s30 =	simm.s32 $0x180;
	[sflag:s21] =	ssyncadd.s32 $0xFFFFC000  }
0x38: {  	[tilespmem:s15], [sflag:$0x2] =	stream.indirect.gather [hbm4b:s4+s13], $0x80, s30, s13, $0xb8;
	[tilespmem:$0x1E800] =	vst v63  }
0x39: {  	_ =	swait.ge [sflag:s16], $0x4000  }
0x3a: {  	[sflag:s16] =	ssyncset.done $0x0  }
0x3b: {  	s30 =	simm.s32 $0x1500;
	[sflag:s16] =	ssyncadd.s32 $0xFFFFC000  }
0x3c: {  	[spmem:s2] =	stream.indirect.scatter.add.f32 [tilespmem:s14], [sflag:$0x3], $0x80, s30, s13, $0xb8;
	[tilespmem:$0x1E800] =	vst v63  }
0x3d: {  	_ =	swait.ge [sflag:s17], $0x4000  }
0x3e: {  	[sflag:s17] =	ssyncset.done $0x0  }
0x3f: {  	s30 =	simm.s32 $0x200;
	[sflag:s17] =	ssyncadd.s32 $0xFFFFC000  }
0x40: {  	[tilespmem:s14], [sflag:$0x1] =	stream.indirect.gather [hbm4b:s4+s13], $0x80, s30, s13, $0xb8;
	[tilespmem:$0x1E800] =	vst v63  }
0x41: {  	_ =	swait.ge [sflag:s19], $0x4000  }
0x42: {  	[sflag:s19] =	ssyncset.done $0x0  }
0x43: {  	s30 =	simm.s32 $0x1580;
	[sflag:s19] =	ssyncadd.s32 $0xFFFFC000  }
0x44: {  	[spmem:s2] =	stream.indirect.scatter.add.f32 [tilespmem:s15], [sflag:$0x4], $0x80, s30, s13, $0xb8;
	[tilespmem:$0x1E800] =	vst v63  }
0x45: {  	_ =	swait.ge [sflag:s21], $0x4000  }
0x46: {  	[sflag:s21] =	ssyncset.done $0x0  }
0x47: {  	s30 =	simm.s32 $0x280;
	[sflag:s21] =	ssyncadd.s32 $0xFFFFC000  }
0x48: {  	[tilespmem:s15], [sflag:$0x2] =	stream.indirect.gather [hbm4b:s4+s13], $0x80, s30, s13, $0xb8;
	[tilespmem:$0x1E800] =	vst v63  }
0x49: {  	_ =	swait.ge [sflag:s16], $0x4000  }
0x4a: {  	[sflag:s16] =	ssyncset.done $0x0  }
0x4b: {  	s31 =	simm.s32 $0x1600;
	[sflag:s16] =	ssyncadd.s32 $0xFFFFC000  }
0x4c: {  	[spmem:s2] =	stream.indirect.scatter.add.f32 [tilespmem:s14], [sflag:$0x3], $0x80, s31, s13, $0xb8;
	[tilespmem:$0x1E800] =	vst v63  }
0x4d: {  	_ =	swait.ge [sflag:s17], $0x4000  }
0x4e: {  	[sflag:s17] =	ssyncset.done $0x0  }
0x4f: {  	s31 =	simm.s32 $0x300;
	[sflag:s17] =	ssyncadd.s32 $0xFFFFC000  }
0x50: {  	[tilespmem:s14], [sflag:$0x1] =	stream.indirect.gather [hbm4b:s4+s13], $0x80, s31, s13, $0xb8;
	[tilespmem:$0x1E800] =	vst v63  }
0x51: {  	_ =	swait.ge [sflag:s19], $0x4000  }
0x52: {  	[sflag:s19] =	ssyncset.done $0x0  }
0x53: {  	s31 =	simm.s32 $0x1680;
	[sflag:s19] =	ssyncadd.s32 $0xFFFFC000  }
0x54: {  	[spmem:s2] =	stream.indirect.scatter.add.f32 [tilespmem:s15], [sflag:$0x4], $0x80, s31, s13, $0xb8;
	[tilespmem:$0x1E800] =	vst v63  }
0x55: {  	_ =	swait.ge [sflag:s21], $0x4000  }
0x56: {  	[sflag:s21] =	ssyncset.done $0x0  }
0x57: {  	s31 =	simm.s32 $0x380;
	[sflag:s21] =	ssyncadd.s32 $0xFFFFC000  }
0x58: {  	[tilespmem:s15], [sflag:$0x2] =	stream.indirect.gather [hbm4b:s4+s13], $0x80, s31, s13, $0xb8;
	[tilespmem:$0x1E800] =	vst v63  }
0x59: {  	_ =	swait.ge [sflag:s16], $0x4000  }
0x5a: {  	[sflag:s16] =	ssyncset.done $0x0  }
0x5b: {  	s31 =	simm.s32 $0x1700;
	[sflag:s16] =	ssyncadd.s32 $0xFFFFC000  }
0x5c: {  	[spmem:s2] =	stream.indirect.scatter.add.f32 [tilespmem:s14], [sflag:$0x3], $0x80, s31, s13, $0xb8;
	[tilespmem:$0x1E800] =	vst v63  }
0x5d: {  	_ =	swait.ge [sflag:s17], $0x4000  }
0x5e: {  	[sflag:s17] =	ssyncset.done $0x0  }
0x5f: {  	s31 =	simm.s32 $0x400;
	[sflag:s17] =	ssyncadd.s32 $0xFFFFC000  }
0x60: {  	[tilespmem:s14], [sflag:$0x1] =	stream.indirect.gather [hbm4b:s4+s13], $0x80, s31, s13, $0xb8;
	[tilespmem:$0x1E800] =	vst v63  }
0x61: {  	_ =	swait.ge [sflag:s19], $0x4000  }
0x62: {  	[sflag:s19] =	ssyncset.done $0x0  }
0x63: {  	s31 =	simm.s32 $0x1780;
	[sflag:s19] =	ssyncadd.s32 $0xFFFFC000  }
0x64: {  	[spmem:s2] =	stream.indirect.scatter.add.f32 [tilespmem:s15], [sflag:$0x4], $0x80, s31, s13, $0xb8;
	[tilespmem:$0x1E800] =	vst v63  }
0x65: {  	_ =	swait.ge [sflag:s21], $0x4000  }
0x66: {  	[sflag:s21] =	ssyncset.done $0x0  }
0x67: {  	s31 =	simm.s32 $0x480;
	[sflag:s21] =	ssyncadd.s32 $0xFFFFC000  }
0x68: {  	[tilespmem:s15], [sflag:$0x2] =	stream.indirect.gather [hbm4b:s4+s13], $0x80, s31, s13, $0xb8;
	[tilespmem:$0x1E800] =	vst v63  }
0x69: {  	_ =	swait.ge [sflag:s16], $0x4000  }
0x6a: {  	[sflag:s16] =	ssyncset.done $0x0  }
0x6b: {  	s31 =	simm.s32 $0x1800;
	[sflag:s16] =	ssyncadd.s32 $0xFFFFC000  }
0x6c: {  	[spmem:s2] =	stream.indirect.scatter.add.f32 [tilespmem:s14], [sflag:$0x3], $0x80, s31, s13, $0xb8;
	[tilespmem:$0x1E800] =	vst v63  }
0x6d: {  	_ =	swait.ge [sflag:s17], $0x4000  }
0x6e: {  	[sflag:s17] =	ssyncset.done $0x0  }
0x6f: {  	s31 =	simm.s32 $0x500;
	[sflag:s17] =	ssyncadd.s32 $0xFFFFC000  }
0x70: {  	[tilespmem:s14], [sflag:$0x1] =	stream.indirect.gather [hbm4b:s4+s13], $0x80, s31, s13, $0xb8;
	[tilespmem:$0x1E800] =	vst v63  }
0x71: {  	_ =	swait.ge [sflag:s19], $0x4000  }
0x72: {  	[sflag:s19] =	ssyncset.done $0x0  }
0x73: {  	s31 =	simm.s32 $0x1880;
	[sflag:s19] =	ssyncadd.s32 $0xFFFFC000  }
0x74: {  	[spmem:s2] =	stream.indirect.scatter.add.f32 [tilespmem:s15], [sflag:$0x4], $0x80, s31, s13, $0xb8;
	[tilespmem:$0x1E800] =	vst v63  }
0x75: {  	_ =	swait.ge [sflag:s21], $0x4000  }
0x76: {  	[sflag:s21] =	ssyncset.done $0x0  }
0x77: {  	s31 =	simm.s32 $0x580;
	[sflag:s21] =	ssyncadd.s32 $0xFFFFC000  }
0x78: {  	[tilespmem:s15], [sflag:$0x2] =	stream.indirect.gather [hbm4b:s4+s13], $0x80, s31, s13, $0xb8;
	[tilespmem:$0x1E800] =	vst v63  }
0x79: {  	_ =	swait.ge [sflag:s16], $0x4000  }
0x7a: {  	[sflag:s16] =	ssyncset.done $0x0  }
0x7b: {  	s31 =	simm.s32 $0x1900;
	[sflag:s16] =	ssyncadd.s32 $0xFFFFC000  }
0x7c: {  	[spmem:s2] =	stream.indirect.scatter.add.f32 [tilespmem:s14], [sflag:$0x3], $0x80, s31, s13, $0xb8;
	[tilespmem:$0x1E800] =	vst v63  }
0x7d: {  	_ =	swait.ge [sflag:s17], $0x4000  }
0x7e: {  	[sflag:s17] =	ssyncset.done $0x0  }
0x7f: {  	s31 =	simm.s32 $0x600;
	[sflag:s17] =	ssyncadd.s32 $0xFFFFC000  }
0x80: {  	[tilespmem:s14], [sflag:$0x1] =	stream.indirect.gather [hbm4b:s4+s13], $0x80, s31, s13, $0xb8;
	[tilespmem:$0x1E800] =	vst v63  }
0x81: {  	_ =	swait.ge [sflag:s19], $0x4000  }
0x82: {  	[sflag:s19] =	ssyncset.done $0x0  }
0x83: {  	s31 =	simm.s32 $0x1980;
	[sflag:s19] =	ssyncadd.s32 $0xFFFFC000  }
0x84: {  	[spmem:s2] =	stream.indirect.scatter.add.f32 [tilespmem:s15], [sflag:$0x4], $0x80, s31, s13, $0xb8;
	[tilespmem:$0x1E800] =	vst v63  }
0x85: {  	_ =	swait.ge [sflag:s21], $0x4000  }
0x86: {  	[sflag:s21] =	ssyncset.done $0x0  }
0x87: {  	s31 =	simm.s32 $0x680;
	[sflag:s21] =	ssyncadd.s32 $0xFFFFC000  }
0x88: {  	[tilespmem:s15], [sflag:$0x2] =	stream.indirect.gather [hbm4b:s4+s13], $0x80, s31, s13, $0xb8;
	[tilespmem:$0x1E800] =	vst v63  }
0x89: {  	_ =	swait.ge [sflag:s16], $0x4000  }
0x8a: {  	[sflag:s16] =	ssyncset.done $0x0  }
0x8b: {  	s31 =	simm.s32 $0x1A00;
	[sflag:s16] =	ssyncadd.s32 $0xFFFFC000  }
0x8c: {  	[spmem:s2] =	stream.indirect.scatter.add.f32 [tilespmem:s14], [sflag:$0x3], $0x80, s31, s13, $0xb8;
	[tilespmem:$0x1E800] =	vst v63  }
0x8d: {  	_ =	swait.ge [sflag:s17], $0x4000  }
0x8e: {  	[sflag:s17] =	ssyncset.done $0x0  }
0x8f: {  	s31 =	simm.s32 $0x700;
	[sflag:s17] =	ssyncadd.s32 $0xFFFFC000  }
0x90: {  	[tilespmem:s14], [sflag:$0x1] =	stream.indirect.gather [hbm4b:s4+s13], $0x80, s31, s13, $0xb8;
	[tilespmem:$0x1E800] =	vst v63  }
0x91: {  	_ =	swait.ge [sflag:s19], $0x4000  }
0x92: {  	[sflag:s19] =	ssyncset.done $0x0  }
0x93: {  	s31 =	simm.s32 $0x1A80;
	[sflag:s19] =	ssyncadd.s32 $0xFFFFC000  }
0x94: {  	[spmem:s2] =	stream.indirect.scatter.add.f32 [tilespmem:s15], [sflag:$0x4], $0x80, s31, s13, $0xb8;
	[tilespmem:$0x1E800] =	vst v63  }
0x95: {  	_ =	swait.ge [sflag:s21], $0x4000  }
0x96: {  	[sflag:s21] =	ssyncset.done $0x0  }
0x97: {  	s31 =	simm.s32 $0x780;
	[sflag:s21] =	ssyncadd.s32 $0xFFFFC000  }
0x98: {  	[tilespmem:s15], [sflag:$0x2] =	stream.indirect.gather [hbm4b:s4+s13], $0x80, s31, s13, $0xb8;
	[tilespmem:$0x1E800] =	vst v63  }
0x99: {  	_ =	swait.ge [sflag:s16], $0x4000  }
0x9a: {  	[sflag:s16] =	ssyncset.done $0x0  }
0x9b: {  	s31 =	simm.s32 $0x1B00;
	[sflag:s16] =	ssyncadd.s32 $0xFFFFC000  }
0x9c: {  	[spmem:s2] =	stream.indirect.scatter.add.f32 [tilespmem:s14], [sflag:$0x3], $0x80, s31, s13, $0xb8;
	[tilespmem:$0x1E800] =	vst v63  }
0x9d: {  	_ =	swait.ge [sflag:s17], $0x4000  }
0x9e: {  	[sflag:s17] =	ssyncset.done $0x0  }
0x9f: {  	s31 =	simm.s32 $0x800;
	[sflag:s17] =	ssyncadd.s32 $0xFFFFC000  }
0xa0: {  	[tilespmem:s14], [sflag:$0x1] =	stream.indirect.gather [hbm4b:s4+s13], $0x80, s31, s13, $0xb8;
	[tilespmem:$0x1E800] =	vst v63  }
0xa1: {  	_ =	swait.ge [sflag:s19], $0x4000  }
0xa2: {  	[sflag:s19] =	ssyncset.done $0x0  }
0xa3: {  	s31 =	simm.s32 $0x1B80;
	[sflag:s19] =	ssyncadd.s32 $0xFFFFC000  }
0xa4: {  	[spmem:s2] =	stream.indirect.scatter.add.f32 [tilespmem:s15], [sflag:$0x4], $0x80, s31, s13, $0xb8;
	[tilespmem:$0x1E800] =	vst v63  }
0xa5: {  	_ =	swait.ge [sflag:s21], $0x4000  }
0xa6: {  	[sflag:s21] =	ssyncset.done $0x0  }
0xa7: {  	s31 =	simm.s32 $0x880;
	[sflag:s21] =	ssyncadd.s32 $0xFFFFC000  }
0xa8: {  	[tilespmem:s15], [sflag:$0x2] =	stream.indirect.gather [hbm4b:s4+s13], $0x80, s31, s13, $0xb8;
	[tilespmem:$0x1E800] =	vst v63  }
0xa9: {  	_ =	swait.ge [sflag:s16], $0x4000  }
0xaa: {  	[sflag:s16] =	ssyncset.done $0x0  }
0xab: {  	s31 =	simm.s32 $0x1C00;
	[sflag:s16] =	ssyncadd.s32 $0xFFFFC000  }
0xac: {  	[spmem:s2] =	stream.indirect.scatter.add.f32 [tilespmem:s14], [sflag:$0x3], $0x80, s31, s13, $0xb8;
	[tilespmem:$0x1E800] =	vst v63  }
0xad: {  	_ =	swait.ge [sflag:s17], $0x4000  }
0xae: {  	[sflag:s17] =	ssyncset.done $0x0  }
0xaf: {  	s31 =	simm.s32 $0x900;
	[sflag:s17] =	ssyncadd.s32 $0xFFFFC000  }
0xb0: {  	[tilespmem:s14], [sflag:$0x1] =	stream.indirect.gather [hbm4b:s4+s13], $0x80, s31, s13, $0xb8;
	[tilespmem:$0x1E800] =	vst v63  }
0xb1: {  	_ =	swait.ge [sflag:s19], $0x4000  }
0xb2: {  	[sflag:s19] =	ssyncset.done $0x0  }
0xb3: {  	s31 =	simm.s32 $0x1C80;
	[sflag:s19] =	ssyncadd.s32 $0xFFFFC000  }
0xb4: {  	[spmem:s2] =	stream.indirect.scatter.add.f32 [tilespmem:s15], [sflag:$0x4], $0x80, s31, s13, $0xb8;
	[tilespmem:$0x1E800] =	vst v63  }
0xb5: {  	_ =	swait.ge [sflag:s21], $0x4000  }
0xb6: {  	[sflag:s21] =	ssyncset.done $0x0  }
0xb7: {  	s31 =	simm.s32 $0x980;
	[sflag:s21] =	ssyncadd.s32 $0xFFFFC000  }
0xb8: {  	[tilespmem:s15], [sflag:$0x2] =	stream.indirect.gather [hbm4b:s4+s13], $0x80, s31, s13, $0xb8;
	[tilespmem:$0x1E800] =	vst v63  }
0xb9: {  	_ =	swait.ge [sflag:s16], $0x4000  }
0xba: {  	[sflag:s16] =	ssyncset.done $0x0  }
0xbb: {  	s31 =	simm.s32 $0x1D00;
	[sflag:s16] =	ssyncadd.s32 $0xFFFFC000  }
0xbc: {  	[spmem:s2] =	stream.indirect.scatter.add.f32 [tilespmem:s14], [sflag:$0x3], $0x80, s31, s13, $0xb8;
	[tilespmem:$0x1E800] =	vst v63  }
0xbd: {  	_ =	swait.ge [sflag:s17], $0x4000  }
0xbe: {  	[sflag:s17] =	ssyncset.done $0x0  }
0xbf: {  	s31 =	simm.s32 $0xA00;
	[sflag:s17] =	ssyncadd.s32 $0xFFFFC000  }
0xc0: {  	[tilespmem:s14], [sflag:$0x1] =	stream.indirect.gather [hbm4b:s4+s13], $0x80, s31, s13, $0xb8;
	[tilespmem:$0x1E800] =	vst v63  }
0xc1: {  	_ =	swait.ge [sflag:s19], $0x4000  }
0xc2: {  	[sflag:s19] =	ssyncset.done $0x0  }
0xc3: {  	s31 =	simm.s32 $0x1D80;
	[sflag:s19] =	ssyncadd.s32 $0xFFFFC000  }
0xc4: {  	[spmem:s2] =	stream.indirect.scatter.add.f32 [tilespmem:s15], [sflag:$0x4], $0x80, s31, s13, $0xb8;
	[tilespmem:$0x1E800] =	vst v63  }
0xc5: {  	_ =	swait.ge [sflag:s21], $0x4000  }
0xc6: {  	[sflag:s21] =	ssyncset.done $0x0  }
0xc7: {  	s31 =	simm.s32 $0xA80;
	[sflag:s21] =	ssyncadd.s32 $0xFFFFC000  }
0xc8: {  	[tilespmem:s15], [sflag:$0x2] =	stream.indirect.gather [hbm4b:s4+s13], $0x80, s31, s13, $0xb8;
	[tilespmem:$0x1E800] =	vst v63  }
0xc9: {  	_ =	swait.ge [sflag:s16], $0x4000  }
0xca: {  	[sflag:s16] =	ssyncset.done $0x0  }
0xcb: {  	s31 =	simm.s32 $0x1E00;
	[sflag:s16] =	ssyncadd.s32 $0xFFFFC000  }
0xcc: {  	[spmem:s2] =	stream.indirect.scatter.add.f32 [tilespmem:s14], [sflag:$0x3], $0x80, s31, s13, $0xb8;
	[tilespmem:$0x1E800] =	vst v63  }
0xcd: {  	_ =	swait.ge [sflag:s17], $0x4000  }
0xce: {  	[sflag:s17] =	ssyncset.done $0x0  }
0xcf: {  	s31 =	simm.s32 $0xB00;
	[sflag:s17] =	ssyncadd.s32 $0xFFFFC000  }
0xd0: {  	[tilespmem:s14], [sflag:$0x1] =	stream.indirect.gather [hbm4b:s4+s13], $0x80, s31, s13, $0xb8;
	[tilespmem:$0x1E800] =	vst v63  }
0xd1: {  	_ =	swait.ge [sflag:s19], $0x4000  }
0xd2: {  	[sflag:s19] =	ssyncset.done $0x0  }
0xd3: {  	s31 =	simm.s32 $0x1E80;
	[sflag:s19] =	ssyncadd.s32 $0xFFFFC000  }
0xd4: {  	[spmem:s2] =	stream.indirect.scatter.add.f32 [tilespmem:s15], [sflag:$0x4], $0x80, s31, s13, $0xb8;
	[tilespmem:$0x1E800] =	vst v63  }
0xd5: {  	_ =	swait.ge [sflag:s21], $0x4000  }
0xd6: {  	[sflag:s21] =	ssyncset.done $0x0  }
0xd7: {  	s31 =	simm.s32 $0xB80;
	[sflag:s21] =	ssyncadd.s32 $0xFFFFC000  }
0xd8: {  	[tilespmem:s15], [sflag:$0x2] =	stream.indirect.gather [hbm4b:s4+s13], $0x80, s31, s13, $0xb8;
	[tilespmem:$0x1E800] =	vst v63  }
0xd9: {  	_ =	swait.ge [sflag:s16], $0x4000  }
0xda: {  	[sflag:s16] =	ssyncset.done $0x0  }
0xdb: {  	s31 =	simm.s32 $0x1F00;
	[sflag:s16] =	ssyncadd.s32 $0xFFFFC000  }
0xdc: {  	[spmem:s2] =	stream.indirect.scatter.add.f32 [tilespmem:s14], [sflag:$0x3], $0x80, s31, s13, $0xb8;
	[tilespmem:$0x1E800] =	vst v63  }
0xdd: {  	_ =	swait.ge [sflag:s17], $0x4000  }
0xde: {  	[sflag:s17] =	ssyncset.done $0x0  }
0xdf: {  	s31 =	simm.s32 $0xC00;
	[sflag:s17] =	ssyncadd.s32 $0xFFFFC000  }
0xe0: {  	[tilespmem:s14], [sflag:$0x1] =	stream.indirect.gather [hbm4b:s4+s13], $0x80, s31, s13, $0xb8;
	[tilespmem:$0x1E800] =	vst v63  }
0xe1: {  	_ =	swait.ge [sflag:s19], $0x4000  }
0xe2: {  	[sflag:s19] =	ssyncset.done $0x0  }
0xe3: {  	s31 =	simm.s32 $0x1F80;
	[sflag:s19] =	ssyncadd.s32 $0xFFFFC000  }
0xe4: {  	[spmem:s2] =	stream.indirect.scatter.add.f32 [tilespmem:s15], [sflag:$0x4], $0x80, s31, s13, $0xb8;
	[tilespmem:$0x1E800] =	vst v63  }
0xe5: {  	_ =	swait.ge [sflag:s21], $0x4000  }
0xe6: {  	[sflag:s21] =	ssyncset.done $0x0  }
0xe7: {  	s31 =	simm.s32 $0xC80;
	[sflag:s21] =	ssyncadd.s32 $0xFFFFC000  }
0xe8: {  	[tilespmem:s15], [sflag:$0x2] =	stream.indirect.gather [hbm4b:s4+s13], $0x80, s31, s13, $0xb8;
	[tilespmem:$0x1E800] =	vst v63  }
0xe9: {  	_ =	swait.ge [sflag:s16], $0x4000  }
0xea: {  	[sflag:s16] =	ssyncset.done $0x0  }
0xeb: {  	s31 =	simm.s32 $0x2000;
	[sflag:s16] =	ssyncadd.s32 $0xFFFFC000  }
0xec: {  	[spmem:s2] =	stream.indirect.scatter.add.f32 [tilespmem:s14], [sflag:$0x3], $0x80, s31, s13, $0xb8;
	[tilespmem:$0x1E800] =	vst v63  }
0xed: {  	_ =	swait.ge [sflag:s17], $0x4000  }
0xee: {  	[sflag:s17] =	ssyncset.done $0x0  }
0xef: {  	s31 =	simm.s32 $0xD00;
	[sflag:s17] =	ssyncadd.s32 $0xFFFFC000  }
0xf0: {  	[tilespmem:s14], [sflag:$0x1] =	stream.indirect.gather [hbm4b:s4+s13], $0x80, s31, s13, $0xb8;
	[tilespmem:$0x1E800] =	vst v63  }
0xf1: {  	_ =	swait.ge [sflag:s19], $0x4000  }
0xf2: {  	[sflag:s19] =	ssyncset.done $0x0  }
0xf3: {  	s31 =	simm.s32 $0x2080;
	[sflag:s19] =	ssyncadd.s32 $0xFFFFC000  }
0xf4: {  	[spmem:s2] =	stream.indirect.scatter.add.f32 [tilespmem:s15], [sflag:$0x4], $0x80, s31, s13, $0xb8;
	[tilespmem:$0x1E800] =	vst v63  }
0xf5: {  	_ =	swait.ge [sflag:s21], $0x4000  }
0xf6: {  	[sflag:s21] =	ssyncset.done $0x0  }
0xf7: {  	s31 =	simm.s32 $0xD80;
	[sflag:s21] =	ssyncadd.s32 $0xFFFFC000  }
0xf8: {  	[tilespmem:s15], [sflag:$0x2] =	stream.indirect.gather [hbm4b:s4+s13], $0x80, s31, s13, $0xb8;
	[tilespmem:$0x1E800] =	vst v63  }
0xf9: {  	_ =	swait.ge [sflag:s16], $0x4000  }
0xfa: {  	[sflag:s16] =	ssyncset.done $0x0  }
0xfb: {  	s31 =	simm.s32 $0x2100;
	[sflag:s16] =	ssyncadd.s32 $0xFFFFC000  }
0xfc: {  	[spmem:s2] =	stream.indirect.scatter.add.f32 [tilespmem:s14], [sflag:$0x3], $0x80, s31, s13, $0xb8;
	[tilespmem:$0x1E800] =	vst v63  }
0xfd: {  	_ =	swait.ge [sflag:s17], $0x4000  }
0xfe: {  	[sflag:s17] =	ssyncset.done $0x0  }
0xff: {  	s31 =	simm.s32 $0xE00;
	[sflag:s17] =	ssyncadd.s32 $0xFFFFC000  }
0x100: {  	[tilespmem:s14], [sflag:$0x1] =	stream.indirect.gather [hbm4b:s4+s13], $0x80, s31, s13, $0xb8;
	[tilespmem:$0x1E800] =	vst v63  }
0x101: {  	_ =	swait.ge [sflag:s19], $0x4000  }
0x102: {  	[sflag:s19] =	ssyncset.done $0x0  }
0x103: {  	s31 =	simm.s32 $0x2180;
	[sflag:s19] =	ssyncadd.s32 $0xFFFFC000  }
0x104: {  	[spmem:s2] =	stream.indirect.scatter.add.f32 [tilespmem:s15], [sflag:$0x4], $0x80, s31, s13, $0xb8;
	[tilespmem:$0x1E800] =	vst v63  }
0x105: {  	_ =	swait.ge [sflag:s21], $0x4000  }
0x106: {  	[sflag:s21] =	ssyncset.done $0x0  }
0x107: {  	s31 =	simm.s32 $0xE80;
	[sflag:s21] =	ssyncadd.s32 $0xFFFFC000  }
0x108: {  	[tilespmem:s15], [sflag:$0x2] =	stream.indirect.gather [hbm4b:s4+s13], $0x80, s31, s13, $0xb8;
	[tilespmem:$0x1E800] =	vst v63  }
0x109: {  	_ =	swait.ge [sflag:s16], $0x4000  }
0x10a: {  	[sflag:s16] =	ssyncset.done $0x0  }
0x10b: {  	s31 =	simm.s32 $0x2200;
	[sflag:s16] =	ssyncadd.s32 $0xFFFFC000  }
0x10c: {  	[spmem:s2] =	stream.indirect.scatter.add.f32 [tilespmem:s14], [sflag:$0x3], $0x80, s31, s13, $0xb8;
	[tilespmem:$0x1E800] =	vst v63  }
0x10d: {  	_ =	swait.ge [sflag:s17], $0x4000  }
0x10e: {  	[sflag:s17] =	ssyncset.done $0x0  }
0x10f: {  	s31 =	simm.s32 $0xF00;
	[sflag:s17] =	ssyncadd.s32 $0xFFFFC000  }
0x110: {  	[tilespmem:s14], [sflag:$0x1] =	stream.indirect.gather [hbm4b:s4+s13], $0x80, s31, s13, $0xb8;
	[tilespmem:$0x1E800] =	vst v63  }
0x111: {  	_ =	swait.ge [sflag:s19], $0x4000  }
0x112: {  	[sflag:s19] =	ssyncset.done $0x0  }
0x113: {  	s31 =	simm.s32 $0x2280;
	[sflag:s19] =	ssyncadd.s32 $0xFFFFC000  }
0x114: {  	[spmem:s2] =	stream.indirect.scatter.add.f32 [tilespmem:s15], [sflag:$0x4], $0x80, s31, s13, $0xb8;
	[tilespmem:$0x1E800] =	vst v63  }
0x115: {  	_ =	swait.ge [sflag:s21], $0x4000  }
0x116: {  	[sflag:s21] =	ssyncset.done $0x0  }
0x117: {  	s31 =	simm.s32 $0xF80;
	[sflag:s21] =	ssyncadd.s32 $0xFFFFC000  }
0x118: {  	[tilespmem:s15], [sflag:$0x2] =	stream.indirect.gather [hbm4b:s4+s13], $0x80, s31, s13, $0xb8;
	[tilespmem:$0x1E800] =	vst v63  }
0x119: {  	_ =	swait.ge [sflag:s16], $0x4000  }
0x11a: {  	[sflag:s16] =	ssyncset.done $0x0  }
0x11b: {  	s31 =	simm.s32 $0x2300;
	[sflag:s16] =	ssyncadd.s32 $0xFFFFC000  }
0x11c: {  	[spmem:s2] =	stream.indirect.scatter.add.f32 [tilespmem:s14], [sflag:$0x3], $0x80, s31, s13, $0xb8;
	[tilespmem:$0x1E800] =	vst v63  }
0x11d: {  	_ =	swait.ge [sflag:s17], $0x4000  }
0x11e: {  	[sflag:s17] =	ssyncset.done $0x0  }
0x11f: {  	s31 =	simm.s32 $0x1000;
	[sflag:s17] =	ssyncadd.s32 $0xFFFFC000  }
0x120: {  	[tilespmem:s14], [sflag:$0x1] =	stream.indirect.gather [hbm4b:s4+s13], $0x80, s31, s13, $0xb8;
	[tilespmem:$0x1E800] =	vst v63  }
0x121: {  	_ =	swait.ge [sflag:s19], $0x4000  }
0x122: {  	[sflag:s19] =	ssyncset.done $0x0  }
0x123: {  	s31 =	simm.s32 $0x2380;
	[sflag:s19] =	ssyncadd.s32 $0xFFFFC000  }
0x124: {  	[spmem:s2] =	stream.indirect.scatter.add.f32 [tilespmem:s15], [sflag:$0x4], $0x80, s31, s13, $0xb8;
	[tilespmem:$0x1E800] =	vst v63  }
0x125: {  	_ =	swait.ge [sflag:s21], $0x4000  }
0x126: {  	[sflag:s21] =	ssyncset.done $0x0  }
0x127: {  	[sflag:s21] =	ssyncadd.s32 $0xFFFFC000  }
0x128: {  	[tilespmem:s15], [sflag:$0x2] =	stream.indirect.gather [hbm4b:s4+s13], $0x80, s0, s13, $0xb8;
	[tilespmem:$0x1E800] =	vst v63  }
0x129: {  	_ =	swait.ge [sflag:s16], $0x4000  }
0x12a: {  	[sflag:s16] =	ssyncset.done $0x0  }
0x12b: {  	[sflag:s16] =	ssyncadd.s32 $0xFFFFC000  }
0x12c: {  	[spmem:s2] =	stream.indirect.scatter.add.f32 [tilespmem:s14], [sflag:$0x3], $0x80, s5, s13, $0xb8;
	[tilespmem:$0x1E800] =	vst v63  }
0x12d: {  	_ =	swait.ge [sflag:s17], $0x4000  }
0x12e: {  	[sflag:s17] =	ssyncset.done $0x0  }
0x12f: {  	[sflag:s17] =	ssyncadd.s32 $0xFFFFC000  }
0x130: {  	[tilespmem:s14], [sflag:$0x1] =	stream.indirect.gather [hbm4b:s4+s13], $0x80, s9, s13, $0xb8;
	[tilespmem:$0x1E800] =	vst v63  }
0x131: {  	_ =	swait.ge [sflag:s19], $0x4000  }
0x132: {  	[sflag:s19] =	ssyncset.done $0x0  }
0x133: {  	[sflag:s19] =	ssyncadd.s32 $0xFFFFC000  }
0x134: {  	[spmem:s2] =	stream.indirect.scatter.add.f32 [tilespmem:s15], [sflag:$0x4], $0x80, s24, s13, $0xb8;
	[tilespmem:$0x1E800] =	vst v63  }
0x135: {  	_ =	swait.ge [sflag:s21], $0x4000  }
0x136: {  	[sflag:s21] =	ssyncset.done $0x0  }
0x137: {  	[sflag:s21] =	ssyncadd.s32 $0xFFFFC000  }
0x138: {  	[tilespmem:s15], [sflag:$0x2] =	stream.indirect.gather [hbm4b:s4+s13], $0x80, s6, s13, $0xb8;
	[tilespmem:$0x1E800] =	vst v63  }
0x139: {  	_ =	swait.ge [sflag:s16], $0x4000  }
0x13a: {  	[sflag:s16] =	ssyncset.done $0x0  }
0x13b: {  	[sflag:s16] =	ssyncadd.s32 $0xFFFFC000  }
0x13c: {  	[spmem:s2] =	stream.indirect.scatter.add.f32 [tilespmem:s14], [sflag:$0x3], $0x80, s10, s13, $0xb8;
	[tilespmem:$0x1E800] =	vst v63  }
0x13d: {  	_ =	swait.ge [sflag:s17], $0x4000  }
0x13e: {  	[sflag:s17] =	ssyncset.done $0x0  }
0x13f: {  	[sflag:s17] =	ssyncadd.s32 $0xFFFFC000  }
0x140: {  	[tilespmem:s14], [sflag:$0x1] =	stream.indirect.gather [hbm4b:s4+s13], $0x80, s18, s13, $0xb8;
	[tilespmem:$0x1E800] =	vst v63  }
0x141: {  	_ =	swait.ge [sflag:s19], $0x4000  }
0x142: {  	[sflag:s19] =	ssyncset.done $0x0  }
0x143: {  	[sflag:s19] =	ssyncadd.s32 $0xFFFFC000  }
0x144: {  	[spmem:s2] =	stream.indirect.scatter.add.f32 [tilespmem:s15], [sflag:$0x4], $0x80, s20, s13, $0xb8;
	[tilespmem:$0x1E800] =	vst v63  }
0x145: {  	_ =	swait.ge [sflag:s21], $0x4000  }
0x146: {  	[sflag:s21] =	ssyncset.done $0x0  }
0x147: {  	[sflag:s21] =	ssyncadd.s32 $0xFFFFC000  }
0x148: {  	[tilespmem:s15], [sflag:$0x2] =	stream.indirect.gather [hbm4b:s4+s13], $0x80, s22, s13, $0xb8;
	[tilespmem:$0x1E800] =	vst v63  }
0x149: {  	_ =	swait.ge [sflag:s16], $0x4000  }
0x14a: {  	[sflag:s16] =	ssyncset.done $0x0  }
0x14b: {  	[sflag:s16] =	ssyncadd.s32 $0xFFFFC000  }
0x14c: {  	[spmem:s2] =	stream.indirect.scatter.add.f32 [tilespmem:s14], [sflag:$0x3], $0x80, s23, s13, $0xb8;
	[tilespmem:$0x1E800] =	vst v63  }
0x14d: {  	_ =	swait.ge [sflag:s17], $0x4000  }
0x14e: {  	[sflag:s17] =	ssyncset.done $0x0  }
0x14f: {  	[sflag:s17] =	ssyncadd.s32 $0xFFFFC000  }
0x150: {  	[tilespmem:s14], [sflag:$0x1] =	stream.indirect.gather [hbm4b:s4+s13], $0x80, s25, s13, $0xb8;
	[tilespmem:$0x1E800] =	vst v63  }
0x151: {  	_ =	swait.ge [sflag:s19], $0x4000  }
0x152: {  	[sflag:s19] =	ssyncset.done $0x0  }
0x153: {  	[sflag:s19] =	ssyncadd.s32 $0xFFFFC000  }
0x154: {  	[spmem:s2] =	stream.indirect.scatter.add.f32 [tilespmem:s15], [sflag:$0x4], $0x80, s26, s13, $0xb8;
	[tilespmem:$0x1E800] =	vst v63  }
0x155: {  	_ =	swait.ge [sflag:s21], $0x4000  }
0x156: {  	[sflag:s21] =	ssyncset.done $0x0  }
0x157: {  	[sflag:s21] =	ssyncadd.s32 $0xFFFFC000  }
0x158: {  	[tilespmem:s15], [sflag:$0x2] =	stream.indirect.gather [hbm4b:s4+s13], $0x80, s28, s13, $0xb8;
	[tilespmem:$0x1E800] =	vst v63  }
0x159: {  	_ =	swait.ge [sflag:s16], $0x4000  }
0x15a: {  	[sflag:s16] =	ssyncset.done $0x0  }
0x15b: {  	[sflag:s16] =	ssyncadd.s32 $0xFFFFC000  }
0x15c: {  	[spmem:s2] =	stream.indirect.scatter.add.f32 [tilespmem:s14], [sflag:$0x3], $0x80, s29, s13, $0xb8;
	[tilespmem:$0x1E800] =	vst v63  }
0x15d: {  	_ =	swait.ge [sflag:s19], $0x4000  }
0x15e: {  	[sflag:s19] =	ssyncset.done $0x0  }
0x15f: {  	[sflag:s19] =	ssyncadd.s32 $0xFFFFC000  }
0x160: {  	[spmem:s2] =	stream.indirect.scatter.add.f32 [tilespmem:s15], [sflag:$0x4], $0x80, s1, s13, $0xb8;
	[tilespmem:$0x1E800] =	vst v63  }
0x161: {  	p1 =	por p0, p0;
	_ =	swait.ge [sflag:s17], $0x4000  }
.Ltmp0:
0x162: {  	[sflag:s17] =	ssyncset.done $0x0;
	(pc) =	sbr.rel @p1 .LBB2_2-.Ltmp0, $4  }
0x163: {  	[sflag:s17] =	ssyncadd.s32 $0xFFFFC000  }
0x164: {  	_ =	swait.ge [sflag:s21], $0x4000  }
0x165: {  	[sflag:s21] =	ssyncset.done $0x0  }
0x166: {  	p0 =	por $0x0, $0x0;
	[sflag:s21] =	ssyncadd.s32 $0xFFFFC000  }
0x167: {  	[bflag:$0x0] =	sbarrier.arrive $0xFFFF  }
0x168: {  	s31 =	rddreg [dreg:$0x4]  }
0x169: {  	s1 =	rddreg [dreg:$0x6]  }
0x16a: {  	s0 =	rddreg [dreg:$0x7]  }
0x16b: {  	[hbm:s0], [sflag:s31] =	dma.local [spmem:s1], $0x2800  }
0x16c: {  	_ =	swait.ge [sflag:s11], $0x2800  }
0x16d: {  	s30 =	rddreg [dreg:$0x8]  }
0x16e: {  	s0 =	sadd.s32 $0x1, s30;
	s30 =	rddreg [dreg:$0x5]  }
0x16f: {  	p0 =	sne.s32 s0, s30  }
.Ltmp1:
0x170: {  	_ = 	snop;
	(pc) =	sbr.rel @p0 .LBB2_1-.Ltmp1, $3  }
0x171: {  	_ =	sdelay $0x1  }
0x172: {  	[sflag:s11] =	ssyncset.done $0x0  }
0x173: {  	[sflag:s11] =	ssyncadd.s32 $0xFFFFD800  }
0x174: {  	_ =	sfence.sel $0x180000  }
0x175: {  	[bflag:$0x0] =	sbarrier.arrive $0xFFFF  }
0x176: {  	_ =	strace $0x9000004A  }
0x177: {  	s0 =	stileid.u32;
	[bflag:$0x2] =	sbarrier.arrive $0xFFFF  }
0x178: {  	p0 =	sne.s32 s0, $0x0;
	s0 =	rddreg [dreg:$0x2]  }
0x179: {  	s0 =	sadd.s32 @!p0 $0x100000, s0  }
0x17a: {  	[sflag:s0] =	ssyncadd.tile.s32 @!p0 $0x1;
	_ =	shalt  }
.Lfunc_end2:
_tile_overlayer_lowered:
.L_overlay_start_2:
0x17b: {  	(tag) =	ssettag $0x2  }
0x17c: {  	s0 =	rddreg [dreg:$0x0];
	s2 =	stileid.u32  }
0x17d: {  	s1 =	rddreg [dreg:$0x1];
	p0 =	sne.s32 s2, $0x0  }
0x17e: {  	s3 =	rddreg [dreg:$0x2];
	[bflag:$0x3] =	sbarrier.arrive $0xFFFF;
	s2 =	simm.s32 @!p0 $0x1C05  }
0x17f: {  	[timem:s3], [sflag:s2] =	dma.local @!p0 [hbm:s0], s1  }
0x180: {  	s0 =	simm.s32 @!p0 $0x5  }
0x181: {  	_ =	swait.ge @!p0 [sflag:s0], s1  }
0x182: {  	s1 =	ssub.s32 @!p0 $0x0, s1;
	[sflag:s0] =	ssyncset.done @!p0 $0x0  }
0x183: {  	[sflag:s0] =	ssyncadd.s32 @!p0 s1  }
0x184: {  	[bflag:$0x3] =	sbarrier.arrive $0xFFFF  }
0x185: {  	_ =	shalt  }

// kernel: kernel.14.cloned.1.call-start
scs
__scs_entry_jumppad:
0x0: {  	(pc) =	sbr.rel $0x88, $3  }
0x1: {  	(tag) =	ssettag $0x0;
	lr =	simm.s32 $0x1  }
0x2: {  	[smem:$0x3F9B] =	sst lr;
	_ =	strace $0xD0000000  }
0x3: {  	_ = 	snop  }
0x4: {  	_ = 	snop  }
0x5: {  	_ = 	snop  }
0x6: {  	_ = 	snop  }
0x7: {  	_ = 	snop  }
__scs_overlays_trampoline_lowered:
0x8: {  	[smem:$0x3FAA] =	sst s0  }
0x9: {  	[smem:$0x3FAB] =	sst s1  }
0xa: {  	[smem:$0x3FAC] =	sst s2  }
0xb: {  	[smem:$0x3FAD] =	sst s3  }
0xc: {  	[smem:$0x3FAE] =	sst s4  }
0xd: {  	[smem:$0x3FAF] =	sst s5  }
0xe: {  	[smem:$0x3FB0] =	sst s6  }
0xf: {  	[smem:$0x3FB1] =	sst s7  }
0x10: {  	[smem:$0x3FB2] =	sst s8  }
0x11: {  	[smem:$0x3FB3] =	sst s9;
	s0 =	simm.s32 @!p0 $0x0  }
0x12: {  	s1 =	sld [smem:$0x3F99];
	s0 =	simm.s32 @p0 $0x1  }
0x13: {  	[smem:$0x3FB4] =	sst s0;
	s0 =	simm.s32 @!p1 $0x0  }
0x14: {  	s2 =	sld [smem:$0x3F98];
	s0 =	simm.s32 @p1 $0x1  }
0x15: {  	[smem:$0x3FB5] =	sst s0;
	s0 =	simm.s32 @!p2 $0x0  }
0x16: {  	s3 =	sld [smem:$0x3FDB];
	s0 =	simm.s32 @p2 $0x1  }
0x17: {  	s4 =	simm.s32 $0x1BF5;
	[smem:$0x3FB7] =	sst s0  }
0x18: {  	s0 =	sld [smem:$0x3F9A];
	_ =	swait.ge [sflag:s4], $0x0  }
0x19: {  	s7 =	sld [smem:$0x3F9B]  }
0x1a: {  	s8 =	sadd.s32 $0xFFFFE003, lr  }
0x1b: {  	s9 =	sadd.s32 $0xFFFFFEF7, lr;
	s5 =	simm.s32 $0xFFFFFFFF;
	p2 =	slt.u32 s8, $0xFFFFF086  }
0x1c: {  	p1 =	slt.u32 s9, $0xF7A;
	s5 =	simm.s32 @!p2 $0x0  }
0x1d: {  	s5 =	simm.s32 @p1 $0x1;
	p0 =	seq.s32 s7, s2  }
0x1e: {  	s7 =	smul.u32 @!p0 $0xF7A, s2;
	p2 =	seq.s32 @!p0 s5, $0x0  }
0x1f: {  	s9 =	smul.u32 $0xF7A, s1;
	s8 =	simm.s32 @!p0 $0x1BF5;
	p2 =	por !p2, p0  }
0x20: {  	[sflag:s8] =	ssyncset.s32 @!p0 $0xFFFFF086;
	s6 =	sadd.s32 @!p0 s3, s7;
	s7 =	simm.s32 @!p0 $0x108  }
0x21: {  	s3 =	sadd.s32 s3, s9;
	s6 =	sadd.s32 @!p0 $0x88, s6;
	s7 =	simm.s32 @p2 $0x1082  }
0x22: {  	[simem:s7], [sflag:s8] =	dma.local @!p0 [hbm:s6], $0xF7A  }
0x23: {  	s9 =	sor.u32 $0xD0000000, s2;
	s6 =	simm.s32 $0x108;
	_ =	swait.ge @!p0 [sflag:s8], $0x0  }
0x24: {  	s3 =	sadd.s32 $0x88, s3;
	s6 =	simm.s32 @!p1 $0x1082;
	[sflag:s4] =	ssyncset.s32 $0xFFFFF086  }
0x25: {  	[simem:s6], [sflag:s4] =	dma.local [hbm:s3], $0xF7A  }
0x26: {  	[smem:$0x3F9B] =	sst s1;
	(tag) =	ssettag s2;
	_ =	strace s9  }
0x27: {  	s1 =	sld [smem:$0x3FAB]  }
0x28: {  	s2 =	sld [smem:$0x3FAC]  }
0x29: {  	s4 =	sld [smem:$0x3FAE]  }
0x2a: {  	p0 =	seq.s32 s5, $0x0;
	s5 =	sld [smem:$0x3FAF]  }
0x2b: {  	s6 =	sld [smem:$0x3FB0]  }
0x2c: {  	s7 =	sld [smem:$0x3FB1]  }
0x2d: {  	s3 =	simm.s32 $0x108;
	s8 =	sld [smem:$0x3FB2]  }
0x2e: {  	s3 =	simm.s32 @!p0 $0x1082;
	s9 =	sld [smem:$0x3FB3]  }
0x2f: {  	lr =	sadd.s32 s0, s3;
	s0 =	sld [smem:$0x3FAA]  }
0x30: {  	s3 =	sld [smem:$0x3FAD]  }
0x31: {  	[smem:$0x3FB6] =	sst s10  }
0x32: {  	s10 =	sld [smem:$0x3FB4];
	_ =	sdelay $0x3  }
0x33: {  	p0 =	seq.s32 s10, $0x1;
	s10 =	sld [smem:$0x3FB6];
	_ =	sdelay $0x3  }
0x34: {  	[smem:$0x3FB6] =	sst s10  }
0x35: {  	s10 =	sld [smem:$0x3FB5];
	_ =	sdelay $0x3  }
0x36: {  	p1 =	seq.s32 s10, $0x1;
	s10 =	sld [smem:$0x3FB6];
	_ =	sdelay $0x3  }
0x37: {  	[smem:$0x3FB6] =	sst s10  }
0x38: {  	s10 =	sld [smem:$0x3FB7]  }
0x39: {  	_ = 	snop;
	(pc) =	sbr.ind lr, $3  }
0x3a: {  	_ = 	snop  }
0x3b: {  	_ = 	snop  }
0x3c: {  	p2 =	seq.s32 s10, $0x1;
	s10 =	sld [smem:$0x3FB6]  }
0x3d: {  	_ =	shalt  }
0x3e: {  	_ =	shalt  }
0x3f: {  	_ =	shalt  }
0x40: {  	_ =	shalt  }
0x41: {  	_ =	shalt  }
0x42: {  	_ =	shalt  }
0x43: {  	_ =	shalt  }
0x44: {  	_ =	shalt  }
0x45: {  	_ =	shalt  }
0x46: {  	_ =	shalt  }
0x47: {  	_ =	shalt  }
0x48: {  	_ =	shalt  }
0x49: {  	_ =	shalt  }
0x4a: {  	_ =	shalt  }
0x4b: {  	_ =	shalt  }
0x4c: {  	_ =	shalt  }
0x4d: {  	_ =	shalt  }
0x4e: {  	_ =	shalt  }
0x4f: {  	_ =	shalt  }
0x50: {  	_ =	shalt  }
0x51: {  	_ =	shalt  }
0x52: {  	_ =	shalt  }
0x53: {  	_ =	shalt  }
0x54: {  	_ =	shalt  }
0x55: {  	_ =	shalt  }
0x56: {  	_ =	shalt  }
0x57: {  	_ =	shalt  }
0x58: {  	_ =	shalt  }
0x59: {  	_ =	shalt  }
0x5a: {  	_ =	shalt  }
0x5b: {  	_ =	shalt  }
0x5c: {  	_ =	shalt  }
0x5d: {  	_ =	shalt  }
0x5e: {  	_ =	shalt  }
0x5f: {  	_ =	shalt  }
0x60: {  	_ =	shalt  }
0x61: {  	_ =	shalt  }
0x62: {  	_ =	shalt  }
0x63: {  	_ =	shalt  }
0x64: {  	_ =	shalt  }
0x65: {  	_ =	shalt  }
0x66: {  	_ =	shalt  }
0x67: {  	_ =	shalt  }
0x68: {  	_ =	shalt  }
0x69: {  	_ =	shalt  }
0x6a: {  	_ =	shalt  }
0x6b: {  	_ =	shalt  }
0x6c: {  	_ =	shalt  }
0x6d: {  	_ =	shalt  }
0x6e: {  	_ =	shalt  }
0x6f: {  	_ =	shalt  }
0x70: {  	_ =	shalt  }
0x71: {  	_ =	shalt  }
0x72: {  	_ =	shalt  }
0x73: {  	_ =	shalt  }
0x74: {  	_ =	shalt  }
0x75: {  	_ =	shalt  }
0x76: {  	_ =	shalt  }
0x77: {  	_ =	shalt  }
0x78: {  	_ =	shalt  }
0x79: {  	_ =	shalt  }
0x7a: {  	_ =	shalt  }
0x7b: {  	_ =	shalt  }
0x7c: {  	_ =	shalt  }
0x7d: {  	_ =	shalt  }
0x7e: {  	_ =	shalt  }
0x7f: {  	_ =	shalt  }
0x80: {  	_ =	shalt  }
0x81: {  	_ =	shalt  }
0x82: {  	_ =	shalt  }
0x83: {  	_ =	shalt  }
0x84: {  	_ =	shalt  }
0x85: {  	_ =	shalt  }
0x86: {  	_ =	shalt  }
0x87: {  	_ =	shalt  }
.Lfunc_end0:
.L_simem_size_0:
called_computation.2_lowered:
.L_overlay_start_0:
0x88: {  	s2 =	sld [smem:$0x3FD9]  }
0x89: {  	s3 =	sld [smem:$0x3FFE];
	_ =	sdelay $0x1  }
0x8a: {  	s1 =	srdreg.scid  }
0x8b: {  	s0 =	sand.u32 $0x1, s1  }
0x8c: {  	s17 =	sshll.u32 s0, $0xA;
	s2 =	sadd.s32 s3, s2  }
0x8d: {  	s2 =	sadd.s32 s2, s17  }
0x8e: {  	[smem:$0x3FC2] =	sst s2  }
0x8f: {  	_ = 	snop  }
0x90: {  	s2 =	sld [smem:$0x3FD0];
	(tm) =	ssettm $0x1  }
0x91: {  	s18 =	sld [smem:$0x3FFB];
	_ =	sdelay $0x3  }
0x92: {  	_ =	strace s18  }
0x93: {  	s3 =	sld [smem:$0x3FFC];
	_ =	sdelay $0x3  }
0x94: {  	_ =	strace s3  }
0x95: {  	s3 =	sld [smem:$0x3FFD];
	_ =	sdelay $0x3  }
0x96: {  	_ =	strace s3  }
0x97: {  	_ =	strace $0x8FFFFFFF  }
0x98: {  	s19 =	sld [smem:$0x3FDB];
	_ =	sdelay $0x1  }
0x99: {  	s4 =	simm.s32 $_scs_section_size  }
0x9a: {  	s5 =	simm.s32 $_size__tile_overlayer_lowered;
	s6 =	simm.s32 $_tile_overlayer_lowered  }
0x9b: {  	s22 =	simm.s32 $0x1BFF;
	s21 =	sshll.u32 s6, $0x1;
	s3 =	sadd.s32 s4, s19  }
0x9c: {  	s7 =	simm.s32 $0x0;
	s20 =	sshll.u32 s5, $0x1;
	s5 =	sadd.s32 s21, s3  }
0x9d: {  	[timem:s7], [sflag:s22] =	dma.local [hbm:s5], s20  }
0x9e: {  	_ =	swait.ge [sflag:s22], s20  }
0x9f: {  	s4 =	ssub.s32 $0x0, s20;
	[sflag:s22] =	ssyncset.done $0x0  }
0xa0: {  	[sflag:s22] =	ssyncadd.s32 s4;
	_ =	sdelay $0x1  }
0xa1: {  	s23 =	simm.s32 $0x1B8B  }
0xa2: {  	_ =	swait.ge [sflag:s23], $0x1  }
0xa3: {  	[sflag:s23] =	ssyncset.done $0x0  }
0xa4: {  	s25 =	simm.s32 $0x1B8E;
	s24 =	sld [smem:$0x3FFE];
	[sflag:s23] =	ssyncadd.s32 $0xFFFFFFFF  }
0xa5: {  	s26 =	simm.s32 $execute0_lowered;
	[smem:$0x3FD2] =	sst s25  }
0xa6: {  	s5 =	sshll.u32 s26, $0x1;
	_ =	strace $0x8000004C;
	[dreg:$0x1] =	wrdreg $0xFFFFFFFF  }
0xa7: {  	s28 =	simm.s32 $_size_execute0_lowered;
	s3 =	sadd.s32 s3, s5;
	[dreg:$0x0] =	wrdreg $0x0  }
0xa8: {  	s5 =	sshll.u32 s28, $0x1;
	[dreg:$0x2] =	wrdreg s3  }
0xa9: {  	[dreg:$0x3] =	wrdreg s5  }
0xaa: {  	[dreg:$0x4] =	wrdreg $0xC0  }
0xab: {  	_ =	task [dreg:s7], $0x5FFFF  }
0xac: {  	[dreg:$0x1] =	wrdreg $0xFFFFFFFF  }
0xad: {  	[dreg:$0x0] =	wrdreg $0x60  }
0xae: {  	[dreg:$0x2] =	wrdreg s24  }
0xaf: {  	[dreg:$0x3] =	wrdreg s2  }
0xb0: {  	[dreg:$0x4] =	wrdreg $0xA0000  }
0xb1: {  	[dreg:$0x5] =	wrdreg $0x9  }
0xb2: {  	_ =	task.clear_ibuf [dreg:s7], $0x6FFFF;
	_ =	strace $0x9000004C  }
0xb3: {  	s29 =	simm.s32 $0x9;
	_ =	strace $0x8000004E  }
0xb4: {  	_ =	swait.ge [sflag:s29], $0x1  }
0xb5: {  	[sflag:s29] =	ssyncadd.s32 $0xFFFFFFFF  }
0xb6: {  	_ =	strace $0x9000004E  }
0xb7: {  	_ =	sfence  }
0xb8: {  	s30 =	sld [smem:$0x0];
	_ =	sdelay $0x2  }
0xb9: {  	s31 =	sshll.u32 s1, $0xD;
	s1 =	sshrl.u32 s1, $0x2  }
0xba: {  	s3 =	sand.u32 $0x4000, s31;
	s1 =	sadd.s32 s1, s30  }
0xbb: {  	s0 =	sor.u32 s3, s0;
	s1 =	sshll.u32 s1, $0x11  }
0xbc: {  	s0 =	sor.u32 s1, s0  }
0xbd: {  	s0 =	sadd.s32 $0x8F2B, s0  }
0xbe: {  	[sflag:s0] =	ssyncadd.remote.s32 $0x1  }
0xbf: {  	_ =	sfence.sel $0xFFFF  }
0xc0: {  	[dreg:$0x0] =	wrdreg $0xFFFFFFFF;
	(pc) =	sbr.abs _section_cstart, $3  }
0xc1: {  	[dreg:$0x1] =	wrdreg $0xFFFFFFFF  }
0xc2: {  	_ =	task.clear_ibuf [dreg:s7], $0x2FFFF;
	_ =	strace $0x9FFFFFFF  }
0xc3: {  	(tm) =	ssettm $0x7FFFFFFF  }
tec
execute0_lowered:
.L_overlay_start_1:
0x0: {  	(tag) =	ssettag $0x1  }
0x1: {  	s5 =	rddreg [dreg:$0x0]  }
0x2: {  	s7 =	rddreg [dreg:$0x1]  }
0x3: {  	s1 =	rddreg [dreg:$0x2];
	s2 =	srdreg.scid  }
0x4: {  	s0 =	rddreg [dreg:$0x3];
	s3 =	simm.s32 $0x0;
	s14 =	simm.s32 $0x80  }
0x5: {  	s15 =	simm.s32 $0x1;
	s18 =	simm.s32 $0x10;
	s19 =	simm.s32 $0x0  }
0x6: {  	s6 =	sand.u32 $0x1, s2;
	s2 =	stileid.u32;
	[smem:$0x7FF] =	sst s3  }
0x7: {  	s8 =	sshll.u32 s6, $0x4;
	_ =	strace $0x8000004D;
	s10 =	smul.u32 $0x280, s2  }
0x8: {  	s6 =	ssub.s32 $0x2, s6;
	s17 =	smul.u32 $0xA0, s2;
	s31 =	sshll.u32 s2, $0x6  }
0x9: {  	s4 =	sor.u32 s2, s8;
	s8 =	sadd.s32 s8, s5;
	s30 =	sshrl.u32 s6, $0x1  }
0xa: {  	s9 =	smul.u32 $0x500, s4;
	s4 =	sadd.s32 $0x16A00, s5;
	s11 =	ssub.s32 s6, s30  }
0xb: {  	s12 =	sshrl.u32 s10, $0x3;
	s13 =	sadd.s32 s10, s1;
	s16 =	sadd.s32 $0x17000, s8  }
0xc: {  	s10 =	simm.s32 $0x2800;
	s7 =	sadd.s32 s7, s12;
	s8 =	smax.u32 s11, $0x1  }
0xd: {  	s11 =	simm.s32 $0x5000;
	s12 =	sor.u32 $0x1C02, s31;
	s13 =	sshrl.u32 s13, $0x3  }
0xe: {  	s16 =	sadd.s32 s17, s16;
	s17 =	simm.s32 $0x20;
	s9 =	sadd.s32 s9, s5  }
0xf: {  	s5 =	sadd.s32 $0x2A00, s9;
	s6 =	sadd.s32 $0xCA00, s9;
	s9 =	simm.s32 $0x2  }
.LBB2_1:
0x10: {  	[tilespmem:s3], [sflag:$0x2] =	stream.linear.gather [hbm4b:s4+s3], $0x2800, $0x38;
	[tilespmem:$0xA280] =	vst v63  }
0x11: {  	_ =	swait.ge [sflag:s9], $0x2800  }
0x12: {  	[sflag:s9] =	ssyncset.done $0x0  }
0x13: {  	[sflag:s9] =	ssyncadd.s32 $0xFFFFD800  }
0x14: {  	[tilespmem:s10], [sflag:$0x2] =	stream.linear.gather [hbm4b:s5+s3], $0x2800, $0x38;
	[tilespmem:$0xA280] =	vst v63  }
0x15: {  	_ =	swait.ge [sflag:s9], $0x2800  }
0x16: {  	[sflag:s9] =	ssyncset.done $0x0  }
0x17: {  	[sflag:s9] =	ssyncadd.s32 $0xFFFFD800  }
0x18: {  	[tilespmem:s11], [sflag:$0x2] =	stream.linear.gather [hbm4b:s6+s3], $0x2800, $0x38;
	[tilespmem:$0xA280] =	vst v63  }
0x19: {  	_ =	swait.ge [sflag:s9], $0x2800  }
0x1a: {  	[sflag:s9] =	ssyncset.done $0x0  }
0x1b: {  	[sflag:s9] =	ssyncadd.s32 $0xFFFFD800  }
0x1c: {  	[spmem:s13], [sflag:s12] =	dma.local [hbm:s7], $0x50  }
0x1d: {  	_ =	swait.ge [sflag:s9], $0x50  }
0x1e: {  	[sflag:s9] =	ssyncset.done $0x0  }
0x1f: {  	[sflag:s9] =	ssyncadd.s32 $0xFFFFFFB0  }
0x20: {  	s21 =	simm.s32 $0x0;
	[bflag:$0x0] =	sbarrier.arrive $0xFFFF  }
0x21: {  	v0 =	vld [tilespmem:s21+$0x2800];
	_ =	sdelay $0x5  }
0x22: {  	v1 =	vld [tilespmem:s21+$0x2810];
	_ =	sdelay $0x1  }
0x23: {  	v0 =	vld.idx.msk [tilespmem:v0+s3+$0x0], $0xffff;
	_ =	sdelay $0x4  }
0x24: {  	[tilespmem:s21+$0x7800] =	vst v0;
	v0 =	vld [tilespmem:s21+$0x2820]  }
0x25: {  	v1 =	vld.idx.msk [tilespmem:v1+s3+$0x0], $0xffff;
	_ =	sdelay $0x4  }
0x26: {  	[tilespmem:s21+$0x7810] =	vst v1;
	v1 =	vld [tilespmem:s21+$0x2830];
	_ =	sdelay $0x1  }
0x27: {  	v0 =	vld.idx.msk [tilespmem:v0+s3+$0x0], $0xffff;
	_ =	sdelay $0x4  }
0x28: {  	[tilespmem:s21+$0x7820] =	vst v0;
	v0 =	vld [tilespmem:s21+$0x2840]  }
0x29: {  	v1 =	vld.idx.msk [tilespmem:v1+s3+$0x0], $0xffff;
	_ =	sdelay $0x4  }
0x2a: {  	[tilespmem:s21+$0x7830] =	vst v1;
	v1 =	vld [tilespmem:s21+$0x2850];
	_ =	sdelay $0x1  }
0x2b: {  	v0 =	vld.idx.msk [tilespmem:v0+s3+$0x0], $0xffff;
	_ =	sdelay $0x4  }
0x2c: {  	v2 =	vld [tilespmem:s21+$0x2860];
	[tilespmem:s21+$0x7840] =	vst v0  }
0x2d: {  	v0 =	vld.idx.msk [tilespmem:v1+s3+$0x0], $0xffff;
	_ =	sdelay $0x4  }
0x2e: {  	[tilespmem:s21+$0x7850] =	vst v0;
	v0 =	vld [tilespmem:s21+$0x2870];
	_ =	sdelay $0x1  }
0x2f: {  	v1 =	vld.idx.msk [tilespmem:v2+s3+$0x0], $0xffff;
	_ =	sdelay $0x3  }
0x30: {  	s23 =	simm.s32 $0x80;
	s22 =	simm.s32 $0x400;
	s20 =	simm.s32 $0x0  }
.LBB2_2:
0x31: {  	p0 =	sne.s32 s22, $0x9E00;
	v2 =	vld [tilespmem:s23+$0x2800];
	[tilespmem:s21+$0x7860] =	vst v1  }
0x32: {  	v0 =	vld.idx.msk [tilespmem:v0+s20+$0x0], $0xffff;
	_ =	sdelay $0x5  }
0x33: {  	s20 =	simm.s32 $0x0;
	v1 =	vld [tilespmem:s23+$0x2810];
	[tilespmem:s21+$0x7870] =	vst v0;
	s21 =	smov.u32 s23  }
0x34: {  	v0 =	vld.idx.msk [tilespmem:v2+s20+$0x0], $0xffff;
	_ =	sdelay $0x5  }
0x35: {  	[tilespmem:s21+$0x7800] =	vst v0;
	v0 =	vld [tilespmem:s21+$0x2820]  }
0x36: {  	v1 =	vld.idx.msk [tilespmem:v1+s20+$0x0], $0xffff;
	_ =	sdelay $0x5  }
0x37: {  	[tilespmem:s21+$0x7810] =	vst v1;
	v1 =	vld [tilespmem:s21+$0x2830]  }
0x38: {  	v0 =	vld.idx.msk [tilespmem:v0+s20+$0x0], $0xffff;
	_ =	sdelay $0x5  }
0x39: {  	[tilespmem:s21+$0x7820] =	vst v0;
	v0 =	vld [tilespmem:s21+$0x2840]  }
0x3a: {  	v1 =	vld.idx.msk [tilespmem:v1+s20+$0x0], $0xffff;
	_ =	sdelay $0x5  }
0x3b: {  	[tilespmem:s21+$0x7830] =	vst v1;
	v1 =	vld [tilespmem:s21+$0x2850]  }
0x3c: {  	v0 =	vld.idx.msk [tilespmem:v0+s20+$0x0], $0xffff;
	_ =	sdelay $0x5  }
0x3d: {  	[tilespmem:s21+$0x7840] =	vst v0;
	v2 =	vld [tilespmem:s21+$0x2860]  }
0x3e: {  	v0 =	vld.idx.msk [tilespmem:v1+s20+$0x0], $0xffff;
	_ =	sdelay $0x5  }
0x3f: {  	[tilespmem:s21+$0x7850] =	vst v0;
	v0 =	vld [tilespmem:s21+$0x2870]  }
0x40: {  	v1 =	vld.idx.msk [tilespmem:v2+s20+$0x0], $0xffff  }
.Ltmp0:
0x41: {  	(pc) =	sbr.rel @p0 .LBB2_2-.Ltmp0, $2  }
0x42: {  	_ =	sdelay $0x2  }
0x43: {  	s23 =	sshra.s32 s22, $0x2;
	s22 =	sadd.s32 $0x200, s22  }
0x44: {  	_ =	sdelay $0x1  }
0x45: {  	v2 =	vld [tilespmem:s23+$0x2800]  }
0x46: {  	[tilespmem:s21+$0x7860] =	vst v1  }
0x47: {  	v0 =	vld.idx.msk [tilespmem:v0+s20+$0x0], $0xffff;
	_ =	sdelay $0x3  }
0x48: {  	v1 =	vld [tilespmem:s23+$0x2810]  }
0x49: {  	[tilespmem:s21+$0x7870] =	vst v0  }
0x4a: {  	v0 =	vld.idx.msk [tilespmem:v2+s20+$0x0], $0xffff;
	_ =	sdelay $0x3  }
0x4b: {  	v58 =	vld [tilespmem:s23+$0x2820]  }
0x4c: {  	[tilespmem:s23+$0x7800] =	vst v0  }
0x4d: {  	v1 =	vld.idx.msk [tilespmem:v1+s20+$0x0], $0xffff;
	_ =	sdelay $0x3  }
0x4e: {  	v59 =	vld [tilespmem:s23+$0x2830]  }
0x4f: {  	[tilespmem:s23+$0x7810] =	vst v1  }
0x50: {  	v0 =	vld.idx.msk [tilespmem:v58+s20+$0x0], $0xffff;
	_ =	sdelay $0x3  }
0x51: {  	v60 =	vld [tilespmem:s23+$0x2840]  }
0x52: {  	[tilespmem:s23+$0x7820] =	vst v0  }
0x53: {  	v1 =	vld.idx.msk [tilespmem:v59+s20+$0x0], $0xffff;
	_ =	sdelay $0x3  }
0x54: {  	v61 =	vld [tilespmem:s23+$0x2850]  }
0x55: {  	[tilespmem:s23+$0x7830] =	vst v1  }
0x56: {  	v0 =	vld.idx.msk [tilespmem:v60+s20+$0x0], $0xffff;
	_ =	sdelay $0x3  }
0x57: {  	v62 =	vld [tilespmem:s23+$0x2860]  }
0x58: {  	[tilespmem:s23+$0x7840] =	vst v0  }
0x59: {  	v1 =	vld.idx.msk [tilespmem:v61+s20+$0x0], $0xffff;
	_ =	sdelay $0x3  }
0x5a: {  	v63 =	vld [tilespmem:s23+$0x2870]  }
0x5b: {  	[tilespmem:s23+$0x7850] =	vst v1  }
0x5c: {  	v0 =	vld.idx.msk [tilespmem:v62+s20+$0x0], $0xffff;
	_ =	sdelay $0x4  }
0x5d: {  	[tilespmem:s23+$0x7860] =	vst v0  }
0x5e: {  	v0 =	vld.idx.msk [tilespmem:v63+s20+$0x0], $0xffff;
	_ =	sdelay $0x4  }
0x5f: {  	[tilespmem:s23+$0x7870] =	vst v0  }
.LBB2_4:
0x60: {  	p0 =	sne.s32 s20, $0x9E00  }
.Ltmp1:
0x61: {  	_ = 	snop;
	(pc) =	sbr.rel @p0 .LBB2_4-.Ltmp1, $4  }
0x62: {  	_ = 	snop  }
0x63: {  	s21 =	sshra.s32 s20, $0x2  }
0x64: {  	s20 =	sadd.s32 $0x200, s20;
	s22 =	sadd.s32 $0x7800, s21;
	s21 =	sadd.s32 $0x5000, s21  }
0x65: {  	[spmem:s1] =	stream.indirect.scatter.add.f32 [tilespmem:s22], [sflag:$0x1], $0x1, s21, s14, $0xb8;
	[tilespmem:$0xA280] =	vst v63  }
0x66: {  	_ =	swait.ge [sflag:s15], $0x80  }
0x67: {  	s20 =	simm.s32 $0x4F;
	[sflag:s15] =	ssyncset.done $0x0  }
.LBB2_6:
0x68: {  	p0 =	sne.s32 s20, $0x1;
	s20 =	sadd.s32 $0xFFFFFFFF, s20;
	[sflag:s15] =	ssyncadd.s32 $0xFFFFFF80  }
.Ltmp2:
0x69: {  	(pc) =	sbr.rel @p0 .LBB2_6-.Ltmp2, $3  }
0x6a: {  	_ =	sdelay $0x1  }
0x6b: {  	_ =	swait.ge [sflag:s15], $0x80  }
0x6c: {  	[sflag:s15] =	ssyncset.done $0x0  }
0x6d: {  	s19 =	sadd.s32 $0x1, s19  }
0x6e: {  	[sflag:s15] =	ssyncadd.s32 $0xFFFFFF80;
	p0 =	sne.s32 s19, s8  }
.Ltmp3:
0x6f: {  	[bflag:$0x0] =	sbarrier.arrive $0xFFFF;
	(pc) =	sbr.rel @p0 .LBB2_1-.Ltmp3, $4  }
0x70: {  	[hbm:s16@s17], [sflag:s12] =	dma.strided [spmem:s13@s18], $0x50, s15, $0x10   }
0x71: {  	_ =	swait.ge [sflag:s9], $0x50  }
0x72: {  	[sflag:s9] =	ssyncset.done $0x0  }
0x73: {  	[sflag:s9] =	ssyncadd.s32 $0xFFFFFFB0  }
0x74: {  	_ =	sfence.sel $0x180000  }
0x75: {  	[bflag:$0x0] =	sbarrier.arrive $0xFFFF  }
0x76: {  	p0 =	sne.s32 s2, $0x0;
	_ =	strace $0x9000004D  }
0x77: {  	s0 =	sadd.s32 @!p0 $0x100000, s0;
	[bflag:$0x2] =	sbarrier.arrive $0xFFFF  }
0x78: {  	[sflag:s0] =	ssyncadd.tile.s32 @!p0 $0x1;
	_ =	shalt  }
.Lfunc_end2:
_tile_overlayer_lowered:
.L_overlay_start_2:
0x79: {  	(tag) =	ssettag $0x2  }
0x7a: {  	s0 =	rddreg [dreg:$0x0];
	s2 =	stileid.u32  }
0x7b: {  	s1 =	rddreg [dreg:$0x1];
	p0 =	sne.s32 s2, $0x0  }
0x7c: {  	s3 =	rddreg [dreg:$0x2];
	[bflag:$0x3] =	sbarrier.arrive $0xFFFF;
	s2 =	simm.s32 @!p0 $0x1C02  }
0x7d: {  	[timem:s3], [sflag:s2] =	dma.local @!p0 [hbm:s0], s1  }
0x7e: {  	s0 =	simm.s32 @!p0 $0x2  }
0x7f: {  	_ =	swait.ge @!p0 [sflag:s0], s1  }
0x80: {  	s1 =	ssub.s32 @!p0 $0x0, s1;
	[sflag:s0] =	ssyncset.done @!p0 $0x0  }
0x81: {  	[sflag:s0] =	ssyncadd.s32 @!p0 s1  }
0x82: {  	[bflag:$0x3] =	sbarrier.arrive $0xFFFF  }
0x83: {  	_ =	shalt  }

// kernel: kernel.8.cloned.1.call-start
scs
__scs_entry_jumppad:
0x0: {  	(pc) =	sbr.rel $0x88, $3  }
0x1: {  	(tag) =	ssettag $0x0;
	lr =	simm.s32 $0x1  }
0x2: {  	[smem:$0x3F9B] =	sst lr;
	_ =	strace $0xD0000000  }
0x3: {  	_ = 	snop  }
0x4: {  	_ = 	snop  }
0x5: {  	_ = 	snop  }
0x6: {  	_ = 	snop  }
0x7: {  	_ = 	snop  }
__scs_overlays_trampoline_lowered:
0x8: {  	[smem:$0x3FAA] =	sst s0  }
0x9: {  	[smem:$0x3FAB] =	sst s1  }
0xa: {  	[smem:$0x3FAC] =	sst s2  }
0xb: {  	[smem:$0x3FAD] =	sst s3  }
0xc: {  	[smem:$0x3FAE] =	sst s4  }
0xd: {  	[smem:$0x3FAF] =	sst s5  }
0xe: {  	[smem:$0x3FB0] =	sst s6  }
0xf: {  	[smem:$0x3FB1] =	sst s7  }
0x10: {  	[smem:$0x3FB2] =	sst s8  }
0x11: {  	[smem:$0x3FB3] =	sst s9;
	s0 =	simm.s32 @!p0 $0x0  }
0x12: {  	s1 =	sld [smem:$0x3F99];
	s0 =	simm.s32 @p0 $0x1  }
0x13: {  	[smem:$0x3FB4] =	sst s0;
	s0 =	simm.s32 @!p1 $0x0  }
0x14: {  	s2 =	sld [smem:$0x3F98];
	s0 =	simm.s32 @p1 $0x1  }
0x15: {  	[smem:$0x3FB5] =	sst s0;
	s0 =	simm.s32 @!p2 $0x0  }
0x16: {  	s3 =	sld [smem:$0x3FDB];
	s0 =	simm.s32 @p2 $0x1  }
0x17: {  	s4 =	simm.s32 $0x1BF5;
	[smem:$0x3FB7] =	sst s0  }
0x18: {  	s0 =	sld [smem:$0x3F9A];
	_ =	swait.ge [sflag:s4], $0x0  }
0x19: {  	s7 =	sld [smem:$0x3F9B]  }
0x1a: {  	s8 =	sadd.s32 $0xFFFFE003, lr  }
0x1b: {  	s9 =	sadd.s32 $0xFFFFFEF7, lr;
	s5 =	simm.s32 $0xFFFFFFFF;
	p2 =	slt.u32 s8, $0xFFFFF086  }
0x1c: {  	p1 =	slt.u32 s9, $0xF7A;
	s5 =	simm.s32 @!p2 $0x0  }
0x1d: {  	s5 =	simm.s32 @p1 $0x1;
	p0 =	seq.s32 s7, s2  }
0x1e: {  	s7 =	smul.u32 @!p0 $0xF7A, s2;
	p2 =	seq.s32 @!p0 s5, $0x0  }
0x1f: {  	s9 =	smul.u32 $0xF7A, s1;
	s8 =	simm.s32 @!p0 $0x1BF5;
	p2 =	por !p2, p0  }
0x20: {  	[sflag:s8] =	ssyncset.s32 @!p0 $0xFFFFF086;
	s6 =	sadd.s32 @!p0 s3, s7;
	s7 =	simm.s32 @!p0 $0x108  }
0x21: {  	s3 =	sadd.s32 s3, s9;
	s6 =	sadd.s32 @!p0 $0x88, s6;
	s7 =	simm.s32 @p2 $0x1082  }
0x22: {  	[simem:s7], [sflag:s8] =	dma.local @!p0 [hbm:s6], $0xF7A  }
0x23: {  	s9 =	sor.u32 $0xD0000000, s2;
	s6 =	simm.s32 $0x108;
	_ =	swait.ge @!p0 [sflag:s8], $0x0  }
0x24: {  	s3 =	sadd.s32 $0x88, s3;
	s6 =	simm.s32 @!p1 $0x1082;
	[sflag:s4] =	ssyncset.s32 $0xFFFFF086  }
0x25: {  	[simem:s6], [sflag:s4] =	dma.local [hbm:s3], $0xF7A  }
0x26: {  	[smem:$0x3F9B] =	sst s1;
	(tag) =	ssettag s2;
	_ =	strace s9  }
0x27: {  	s1 =	sld [smem:$0x3FAB]  }
0x28: {  	s2 =	sld [smem:$0x3FAC]  }
0x29: {  	s4 =	sld [smem:$0x3FAE]  }
0x2a: {  	p0 =	seq.s32 s5, $0x0;
	s5 =	sld [smem:$0x3FAF]  }
0x2b: {  	s6 =	sld [smem:$0x3FB0]  }
0x2c: {  	s7 =	sld [smem:$0x3FB1]  }
0x2d: {  	s3 =	simm.s32 $0x108;
	s8 =	sld [smem:$0x3FB2]  }
0x2e: {  	s3 =	simm.s32 @!p0 $0x1082;
	s9 =	sld [smem:$0x3FB3]  }
0x2f: {  	lr =	sadd.s32 s0, s3;
	s0 =	sld [smem:$0x3FAA]  }
0x30: {  	s3 =	sld [smem:$0x3FAD]  }
0x31: {  	[smem:$0x3FB6] =	sst s10  }
0x32: {  	s10 =	sld [smem:$0x3FB4];
	_ =	sdelay $0x3  }
0x33: {  	p0 =	seq.s32 s10, $0x1;
	s10 =	sld [smem:$0x3FB6];
	_ =	sdelay $0x3  }
0x34: {  	[smem:$0x3FB6] =	sst s10  }
0x35: {  	s10 =	sld [smem:$0x3FB5];
	_ =	sdelay $0x3  }
0x36: {  	p1 =	seq.s32 s10, $0x1;
	s10 =	sld [smem:$0x3FB6];
	_ =	sdelay $0x3  }
0x37: {  	[smem:$0x3FB6] =	sst s10  }
0x38: {  	s10 =	sld [smem:$0x3FB7]  }
0x39: {  	_ = 	snop;
	(pc) =	sbr.ind lr, $3  }
0x3a: {  	_ = 	snop  }
0x3b: {  	_ = 	snop  }
0x3c: {  	p2 =	seq.s32 s10, $0x1;
	s10 =	sld [smem:$0x3FB6]  }
0x3d: {  	_ =	shalt  }
0x3e: {  	_ =	shalt  }
0x3f: {  	_ =	shalt  }
0x40: {  	_ =	shalt  }
0x41: {  	_ =	shalt  }
0x42: {  	_ =	shalt  }
0x43: {  	_ =	shalt  }
0x44: {  	_ =	shalt  }
0x45: {  	_ =	shalt  }
0x46: {  	_ =	shalt  }
0x47: {  	_ =	shalt  }
0x48: {  	_ =	shalt  }
0x49: {  	_ =	shalt  }
0x4a: {  	_ =	shalt  }
0x4b: {  	_ =	shalt  }
0x4c: {  	_ =	shalt  }
0x4d: {  	_ =	shalt  }
0x4e: {  	_ =	shalt  }
0x4f: {  	_ =	shalt  }
0x50: {  	_ =	shalt  }
0x51: {  	_ =	shalt  }
0x52: {  	_ =	shalt  }
0x53: {  	_ =	shalt  }
0x54: {  	_ =	shalt  }
0x55: {  	_ =	shalt  }
0x56: {  	_ =	shalt  }
0x57: {  	_ =	shalt  }
0x58: {  	_ =	shalt  }
0x59: {  	_ =	shalt  }
0x5a: {  	_ =	shalt  }
0x5b: {  	_ =	shalt  }
0x5c: {  	_ =	shalt  }
0x5d: {  	_ =	shalt  }
0x5e: {  	_ =	shalt  }
0x5f: {  	_ =	shalt  }
0x60: {  	_ =	shalt  }
0x61: {  	_ =	shalt  }
0x62: {  	_ =	shalt  }
0x63: {  	_ =	shalt  }
0x64: {  	_ =	shalt  }
0x65: {  	_ =	shalt  }
0x66: {  	_ =	shalt  }
0x67: {  	_ =	shalt  }
0x68: {  	_ =	shalt  }
0x69: {  	_ =	shalt  }
0x6a: {  	_ =	shalt  }
0x6b: {  	_ =	shalt  }
0x6c: {  	_ =	shalt  }
0x6d: {  	_ =	shalt  }
0x6e: {  	_ =	shalt  }
0x6f: {  	_ =	shalt  }
0x70: {  	_ =	shalt  }
0x71: {  	_ =	shalt  }
0x72: {  	_ =	shalt  }
0x73: {  	_ =	shalt  }
0x74: {  	_ =	shalt  }
0x75: {  	_ =	shalt  }
0x76: {  	_ =	shalt  }
0x77: {  	_ =	shalt  }
0x78: {  	_ =	shalt  }
0x79: {  	_ =	shalt  }
0x7a: {  	_ =	shalt  }
0x7b: {  	_ =	shalt  }
0x7c: {  	_ =	shalt  }
0x7d: {  	_ =	shalt  }
0x7e: {  	_ =	shalt  }
0x7f: {  	_ =	shalt  }
0x80: {  	_ =	shalt  }
0x81: {  	_ =	shalt  }
0x82: {  	_ =	shalt  }
0x83: {  	_ =	shalt  }
0x84: {  	_ =	shalt  }
0x85: {  	_ =	shalt  }
0x86: {  	_ =	shalt  }
0x87: {  	_ =	shalt  }
.Lfunc_end0:
.L_simem_size_0:
called_computation_lowered:
.L_overlay_start_0:
0x88: {  	s2 =	sld [smem:$0x3FD9]  }
0x89: {  	s3 =	sld [smem:$0x3FFE];
	_ =	sdelay $0x1  }
0x8a: {  	s1 =	srdreg.scid  }
0x8b: {  	s0 =	sand.u32 $0x1, s1  }
0x8c: {  	s17 =	sshll.u32 s0, $0xA;
	s2 =	sadd.s32 s3, s2  }
0x8d: {  	s2 =	sadd.s32 s2, s17  }
0x8e: {  	[smem:$0x3FC2] =	sst s2  }
0x8f: {  	_ = 	snop  }
0x90: {  	s2 =	sld [smem:$0x3FD0];
	(tm) =	ssettm $0x1  }
0x91: {  	s18 =	sld [smem:$0x3FFB];
	_ =	sdelay $0x3  }
0x92: {  	_ =	strace s18  }
0x93: {  	s3 =	sld [smem:$0x3FFC];
	_ =	sdelay $0x3  }
0x94: {  	_ =	strace s3  }
0x95: {  	s3 =	sld [smem:$0x3FFD];
	_ =	sdelay $0x3  }
0x96: {  	_ =	strace s3  }
0x97: {  	_ =	strace $0x8FFFFFFF  }
0x98: {  	s19 =	sld [smem:$0x3FDB];
	_ =	sdelay $0x1  }
0x99: {  	s4 =	simm.s32 $_scs_section_size  }
0x9a: {  	s5 =	simm.s32 $_size__tile_overlayer_lowered;
	s6 =	simm.s32 $_tile_overlayer_lowered  }
0x9b: {  	s22 =	simm.s32 $0x1BFF;
	s21 =	sshll.u32 s6, $0x1;
	s3 =	sadd.s32 s4, s19  }
0x9c: {  	s7 =	simm.s32 $0x0;
	s20 =	sshll.u32 s5, $0x1;
	s5 =	sadd.s32 s21, s3  }
0x9d: {  	[timem:s7], [sflag:s22] =	dma.local [hbm:s5], s20  }
0x9e: {  	_ =	swait.ge [sflag:s22], s20  }
0x9f: {  	s4 =	ssub.s32 $0x0, s20;
	[sflag:s22] =	ssyncset.done $0x0  }
0xa0: {  	[sflag:s22] =	ssyncadd.s32 s4;
	_ =	sdelay $0x1  }
0xa1: {  	s23 =	simm.s32 $0x1B8B  }
0xa2: {  	_ =	swait.ge [sflag:s23], $0x1  }
0xa3: {  	[sflag:s23] =	ssyncset.done $0x0  }
0xa4: {  	s25 =	simm.s32 $0x1B8E;
	s24 =	sld [smem:$0x3FFE];
	[sflag:s23] =	ssyncadd.s32 $0xFFFFFFFF  }
0xa5: {  	s26 =	simm.s32 $execute0_lowered;
	[smem:$0x3FD2] =	sst s25  }
0xa6: {  	s5 =	sshll.u32 s26, $0x1;
	_ =	strace $0x80000046;
	[dreg:$0x1] =	wrdreg $0xFFFFFFFF  }
0xa7: {  	s28 =	simm.s32 $_size_execute0_lowered;
	s3 =	sadd.s32 s3, s5;
	[dreg:$0x0] =	wrdreg $0x0  }
0xa8: {  	s5 =	sshll.u32 s28, $0x1;
	[dreg:$0x2] =	wrdreg s3  }
0xa9: {  	[dreg:$0x3] =	wrdreg s5  }
0xaa: {  	[dreg:$0x4] =	wrdreg $0xC0  }
0xab: {  	_ =	task [dreg:s7], $0x5FFFF  }
0xac: {  	[dreg:$0x1] =	wrdreg $0xFFFFFFFF  }
0xad: {  	[dreg:$0x0] =	wrdreg $0x60  }
0xae: {  	[dreg:$0x2] =	wrdreg s24  }
0xaf: {  	[dreg:$0x3] =	wrdreg s2  }
0xb0: {  	[dreg:$0x4] =	wrdreg $0x28800  }
0xb1: {  	[dreg:$0x5] =	wrdreg $0x9  }
0xb2: {  	_ =	task.clear_ibuf [dreg:s7], $0x6FFFF;
	_ =	strace $0x90000046  }
0xb3: {  	s29 =	simm.s32 $0x9;
	_ =	strace $0x80000048  }
0xb4: {  	_ =	swait.ge [sflag:s29], $0x1  }
0xb5: {  	[sflag:s29] =	ssyncadd.s32 $0xFFFFFFFF  }
0xb6: {  	_ =	strace $0x90000048  }
0xb7: {  	_ =	sfence  }
0xb8: {  	s30 =	sld [smem:$0x0];
	_ =	sdelay $0x2  }
0xb9: {  	s31 =	sshll.u32 s1, $0xD;
	s1 =	sshrl.u32 s1, $0x2  }
0xba: {  	s3 =	sand.u32 $0x4000, s31;
	s1 =	sadd.s32 s1, s30  }
0xbb: {  	s0 =	sor.u32 s3, s0;
	s1 =	sshll.u32 s1, $0x11  }
0xbc: {  	s0 =	sor.u32 s1, s0  }
0xbd: {  	s0 =	sadd.s32 $0x8F2B, s0  }
0xbe: {  	[sflag:s0] =	ssyncadd.remote.s32 $0x1  }
0xbf: {  	_ =	sfence.sel $0xFFFF  }
0xc0: {  	[dreg:$0x0] =	wrdreg $0xFFFFFFFF;
	(pc) =	sbr.abs _section_cstart, $3  }
0xc1: {  	[dreg:$0x1] =	wrdreg $0xFFFFFFFF  }
0xc2: {  	_ =	task.clear_ibuf [dreg:s7], $0x2FFFF;
	_ =	strace $0x9FFFFFFF  }
0xc3: {  	(tm) =	ssettm $0x7FFFFFFF  }
tec
execute0_lowered:
.L_overlay_start_1:
0x0: {  	(tag) =	ssettag $0x1  }
0x1: {  	s5 =	rddreg [dreg:$0x0]  }
0x2: {  	s0 =	srdreg.scid;
	s6 =	rddreg [dreg:$0x1]  }
0x3: {  	s2 =	rddreg [dreg:$0x2];
	s1 =	stileid.u32  }
0x4: {  	s3 =	simm.s32 $0x0;
	s13 =	simm.s32 $0x1;
	s16 =	simm.s32 $0x10  }
0x5: {  	s4 =	sand.u32 $0x1, s0;
	s0 =	rddreg [dreg:$0x3];
	s11 =	smul.u32 $0x280, s1  }
0x6: {  	s17 =	simm.s32 $0x0;
	[smem:$0x7FF] =	sst s3;
	s15 =	smul.u32 $0xA0, s1  }
0x7: {  	s31 =	sshll.u32 s1, $0x6;
	s7 =	sshll.u32 s4, $0x4;
	_ =	strace $0x80000047  }
0x8: {  	s9 =	ssub.s32 $0x2, s4;
	s4 =	sadd.s32 $0x16A00, s5;
	s8 =	sor.u32 s1, s7  }
0x9: {  	s10 =	sshrl.u32 s9, $0x1;
	s7 =	sadd.s32 s7, s5;
	s12 =	sadd.s32 s11, s2  }
0xa: {  	s30 =	sshrl.u32 s11, $0x3;
	s8 =	smul.u32 $0x500, s8;
	s9 =	ssub.s32 s9, s10  }
0xb: {  	s6 =	sadd.s32 s6, s30;
	s14 =	sadd.s32 $0x16C00, s7;
	s10 =	sor.u32 $0x1C02, s31  }
0xc: {  	s11 =	sshrl.u32 s12, $0x3;
	s12 =	simm.s32 $0x80;
	s7 =	smax.u32 s9, $0x1  }
0xd: {  	s9 =	simm.s32 $0x2800;
	s14 =	sadd.s32 s15, s14;
	s8 =	sadd.s32 s8, s5  }
0xe: {  	s15 =	simm.s32 $0x20;
	s5 =	sadd.s32 $0xCA00, s8;
	s8 =	simm.s32 $0x2  }
.LBB2_1:
0xf: {  	[tilespmem:s3], [sflag:$0x2] =	stream.linear.gather [hbm4b:s5+s3], $0x2800, $0x38;
	[tilespmem:$0x2B00] =	vst v63  }
0x10: {  	_ =	swait.ge [sflag:s8], $0x2800  }
0x11: {  	[sflag:s8] =	ssyncset.done $0x0  }
0x12: {  	[sflag:s8] =	ssyncadd.s32 $0xFFFFD800  }
0x13: {  	[tilespmem:s9], [sflag:$0x2] =	stream.linear.gather [hbm4b:s4+s3], $0x80, $0x38;
	[tilespmem:$0x2B00] =	vst v63  }
0x14: {  	_ =	swait.ge [sflag:s8], $0x80  }
0x15: {  	[sflag:s8] =	ssyncset.done $0x0  }
0x16: {  	[sflag:s8] =	ssyncadd.s32 $0xFFFFFF80  }
0x17: {  	[spmem:s11], [sflag:s10] =	dma.local [hbm:s6], $0x50  }
0x18: {  	_ =	swait.ge [sflag:s8], $0x50  }
0x19: {  	[sflag:s8] =	ssyncset.done $0x0  }
0x1a: {  	[sflag:s8] =	ssyncadd.s32 $0xFFFFFFB0  }
0x1b: {  	s18 =	simm.s32 $0x0;
	[bflag:$0x0] =	sbarrier.arrive $0xFFFF  }
.LBB2_2:
0x1c: {  	p0 =	sne.s32 s18, $0x9E00  }
.Ltmp0:
0x1d: {  	_ = 	snop;
	(pc) =	sbr.rel @p0 .LBB2_2-.Ltmp0, $3  }
0x1e: {  	_ =	sdelay $0x1  }
0x1f: {  	s19 =	sshra.s32 s18, $0x2;
	s18 =	sadd.s32 $0x200, s18  }
0x20: {  	[spmem:s2] =	stream.indirect.scatter.add.f32 [tilespmem:s9], [sflag:$0x1], $0x1, s19, s12, $0xb8;
	[tilespmem:$0x2B00] =	vst v63  }
0x21: {  	_ =	swait.ge [sflag:s13], $0x80  }
0x22: {  	s18 =	simm.s32 $0x4F;
	[sflag:s13] =	ssyncset.done $0x0  }
.LBB2_4:
0x23: {  	p0 =	sne.s32 s18, $0x1;
	s18 =	sadd.s32 $0xFFFFFFFF, s18;
	[sflag:s13] =	ssyncadd.s32 $0xFFFFFF80  }
.Ltmp1:
0x24: {  	(pc) =	sbr.rel @p0 .LBB2_4-.Ltmp1, $3  }
0x25: {  	_ =	sdelay $0x1  }
0x26: {  	_ =	swait.ge [sflag:s13], $0x80  }
0x27: {  	[sflag:s13] =	ssyncset.done $0x0  }
0x28: {  	s17 =	sadd.s32 $0x1, s17  }
0x29: {  	[sflag:s13] =	ssyncadd.s32 $0xFFFFFF80;
	p0 =	sne.s32 s17, s7  }
.Ltmp2:
0x2a: {  	[bflag:$0x0] =	sbarrier.arrive $0xFFFF;
	(pc) =	sbr.rel @p0 .LBB2_1-.Ltmp2, $4  }
0x2b: {  	[hbm:s14@s15], [sflag:s10] =	dma.strided [spmem:s11@s16], $0x50, s13, $0x10   }
0x2c: {  	_ =	swait.ge [sflag:s8], $0x50  }
0x2d: {  	[sflag:s8] =	ssyncset.done $0x0  }
0x2e: {  	[sflag:s8] =	ssyncadd.s32 $0xFFFFFFB0  }
0x2f: {  	_ =	sfence.sel $0x180000  }
0x30: {  	[bflag:$0x0] =	sbarrier.arrive $0xFFFF  }
0x31: {  	p0 =	sne.s32 s1, $0x0;
	_ =	strace $0x90000047  }
0x32: {  	s0 =	sadd.s32 @!p0 $0x100000, s0;
	[bflag:$0x2] =	sbarrier.arrive $0xFFFF  }
0x33: {  	[sflag:s0] =	ssyncadd.tile.s32 @!p0 $0x1;
	_ =	shalt  }
.Lfunc_end2:
_tile_overlayer_lowered:
.L_overlay_start_2:
0x34: {  	(tag) =	ssettag $0x2  }
0x35: {  	s0 =	rddreg [dreg:$0x0];
	s2 =	stileid.u32  }
0x36: {  	s1 =	rddreg [dreg:$0x1];
	p0 =	sne.s32 s2, $0x0  }
0x37: {  	s3 =	rddreg [dreg:$0x2];
	[bflag:$0x3] =	sbarrier.arrive $0xFFFF;
	s2 =	simm.s32 @!p0 $0x1C02  }
0x38: {  	[timem:s3], [sflag:s2] =	dma.local @!p0 [hbm:s0], s1  }
0x39: {  	s0 =	simm.s32 @!p0 $0x2  }
0x3a: {  	_ =	swait.ge @!p0 [sflag:s0], s1  }
0x3b: {  	s1 =	ssub.s32 @!p0 $0x0, s1;
	[sflag:s0] =	ssyncset.done @!p0 $0x0  }
0x3c: {  	[sflag:s0] =	ssyncadd.s32 @!p0 s1  }
0x3d: {  	[bflag:$0x3] =	sbarrier.arrive $0xFFFF  }
0x3e: {  	_ =	shalt  }

</sc_bundles>
